<compile_context>
chip_gen: v7x
topology: tpu7x:2x2x1
jax: 0.10.2.dev20260603
libtpu: 0.0.44.dev20260713+nightly
codegen_flags: <defaults>
</compile_context>

<pallas_src>
import functools

import jax
import jax.numpy as jnp
from jax import lax
from jax.experimental import pallas as pl
from jax.experimental.pallas import tpu as pltpu
from jax.experimental.pallas import tpu_sc as plsc

_NUM_Q = 8
_K = 8192
_D = 256
_COMMIT = 0.25
_N = 16 * 1024

_R_BLK = 2048
_C_BLK = 512
_LANES = 128

_NUM_CHUNKS = 4
_CHUNK_W = _K // _NUM_CHUNKS
_BLKS_PER_CHUNK = _CHUNK_W // _C_BLK
_NUM_CBLKS = _K // _C_BLK
_TILES_PER_BLK = _C_BLK // _LANES


def _dist_argmin_body(fn_ref, et_ref, idx_ref,
                      rv0, rt0, rv1, rt1, rv2, rt2, rv3, rt3):
    ci = pl.program_id(1)

    @pl.when(ci == 0)
    def _init():
        for rv, rt in ((rv0, rt0), (rv1, rt1), (rv2, rt2), (rv3, rt3)):
            rv[...] = jnp.full((_R_BLK, _LANES), jnp.inf, jnp.float32)
            rt[...] = jnp.zeros((_R_BLK, _LANES), jnp.int32)

    s = jnp.dot(fn_ref[...], et_ref[...], preferred_element_type=jnp.float32)
    b_in_chunk = lax.rem(ci, _BLKS_PER_CHUNK)
    chunk = lax.div(ci, _BLKS_PER_CHUNK)

    def update(rv_ref, rt_ref):
        rv = rv_ref[...]
        rt = rt_ref[...]
        for j in range(_TILES_PER_BLK):
            d = 1.0 - s[:, j * _LANES:(j + 1) * _LANES]
            t = b_in_chunk * _TILES_PER_BLK + j
            better = d < rv
            rt = jnp.where(better, t, rt)
            rv = jnp.where(better, d, rv)
        rv_ref[...] = rv
        rt_ref[...] = rt

    for c, (rv_ref, rt_ref) in enumerate(
            ((rv0, rt0), (rv1, rt1), (rv2, rt2), (rv3, rt3))):
        @pl.when(chunk == c)
        def _u(rv_ref=rv_ref, rt_ref=rt_ref):
            update(rv_ref, rt_ref)

    @pl.when(ci == pl.num_programs(1) - 1)
    def _emit():
        lane = lax.broadcasted_iota(jnp.int32, (_R_BLK, _LANES), 1)

        def resolve(rv_ref, rt_ref, start):
            rv = rv_ref[...]
            cols = rt_ref[...] * _LANES + lane
            m = jnp.min(rv, axis=1)
            idx = jnp.min(jnp.where(rv == m[:, None], cols, _CHUNK_W), axis=1)
            return m, idx + start

        acc_v, acc_i = None, None
        for c, (rv_ref, rt_ref) in enumerate(
                ((rv0, rt0), (rv1, rt1), (rv2, rt2), (rv3, rt3))):
            m, i = resolve(rv_ref, rt_ref, c * _CHUNK_W)
            mb = m.astype(jnp.bfloat16).astype(jnp.float32)
            if acc_v is None:
                acc_v, acc_i = mb, i
            else:
                take = m < acc_v
                acc_i = jnp.where(take, i, acc_i)
                acc_v = jnp.where(take, mb, acc_v)
        idx_ref[0, 0, :] = acc_i


def _dist_argmin(fn, et):
    nrb = _N // _R_BLK
    out = pl.pallas_call(
        _dist_argmin_body,
        grid=(nrb, _NUM_CBLKS),
        in_specs=[
            pl.BlockSpec((_R_BLK, _D), lambda ri, ci: (ri, 0)),
            pl.BlockSpec((_D, _C_BLK), lambda ri, ci: (0, ci)),
        ],
        out_specs=pl.BlockSpec((1, 1, _R_BLK), lambda ri, ci: (ri, 0, 0)),
        out_shape=jax.ShapeDtypeStruct((nrb, 1, _R_BLK), jnp.int32),
        scratch_shapes=[
            pltpu.VMEM((_R_BLK, _LANES), jnp.float32),
            pltpu.VMEM((_R_BLK, _LANES), jnp.int32),
            pltpu.VMEM((_R_BLK, _LANES), jnp.float32),
            pltpu.VMEM((_R_BLK, _LANES), jnp.int32),
            pltpu.VMEM((_R_BLK, _LANES), jnp.float32),
            pltpu.VMEM((_R_BLK, _LANES), jnp.int32),
            pltpu.VMEM((_R_BLK, _LANES), jnp.float32),
            pltpu.VMEM((_R_BLK, _LANES), jnp.int32),
        ],
    )(fn, et)
    return out.reshape(_N)


def _sc_gather(table, idx):
    info = plsc.get_sparse_core_info()
    nw = info.num_cores * info.num_subcores
    b_per_w = _N // nw
    ch = 128
    n_ch = b_per_w // ch
    mesh = plsc.VectorSubcoreMesh(core_axis_name="c", subcore_axis_name="s")

    @functools.partial(
        pl.kernel,
        mesh=mesh,
        out_type=jax.ShapeDtypeStruct((_N, _D), jnp.float32),
        scratch_types=[
            pltpu.VMEM((ch,), jnp.int32),
            pltpu.VMEM((ch, _D), jnp.float32),
            pltpu.SemaphoreType.DMA,
        ],
    )
    def gk(table_hbm, idx_hbm, out_hbm, idx_v, rows_v, sem):
        wid = lax.axis_index("s") * info.num_cores + lax.axis_index("c")
        base = wid * b_per_w

        def body(cc, carry):
            off = base + cc * ch
            pltpu.sync_copy(idx_hbm.at[pl.ds(off, ch)], idx_v)
            pltpu.async_copy(table_hbm.at[idx_v], rows_v, sem).wait()
            pltpu.sync_copy(rows_v, out_hbm.at[pl.ds(off, ch)])
            return carry

        lax.fori_loop(0, n_ch, body, 0)

    return gk(table, idx)


def _l2n(x):
    n = jnp.sqrt(jnp.sum(x * x, axis=-1, keepdims=True))
    return x / jnp.maximum(n, 1e-12)


def kernel(inputs, codebooks):
    shape = inputs.shape
    et = _l2n(codebooks).transpose(0, 2, 1)
    quantized = jnp.zeros_like(inputs)
    residual = inputs
    losses = []
    idx_list = []
    for i in range(_NUM_Q):
        fn = _l2n(residual.reshape(-1, _D))
        idx = _dist_argmin(fn, et[i])
        q = _sc_gather(codebooks[i], idx).reshape(shape)
        e = jnp.mean((q - residual) ** 2)
        loss = e + _COMMIT * e
        q_st = residual + (q - residual)
        quantized = quantized + q_st
        residual = residual - q_st
        losses.append(loss)
        idx_list.append(idx[:, None])
    total_vq_loss = jnp.mean(jnp.stack(losses))
    indices = jnp.stack(idx_list)
    return (quantized, total_vq_loss, indices)

# --- scband reference (transcript-rebuilt; emitter-appended) ---
"""Pipeline reference for scband-residual-vector-quantizer-8100308320912 (READ-ONLY COPY).

The authoritative reference and input builder live on the scoring server;
editing this copy changes nothing except your own understanding.
"""

import jax, jax.numpy as jnp
import numpy as np

NUM_Q = 8
K = 8192
D = 256
COMMIT = 0.25


def _l2norm(x, eps=1e-12):
    # matches torch F.normalize(p=2): x / max(||x||, eps)
    n = jnp.sqrt(jnp.sum(x * x, axis=-1, keepdims=True))
    return x / jnp.maximum(n, eps)


def setup_inputs(seed: int = 0) -> dict:
    key = jax.random.key(seed)
    k1, k2 = jax.random.split(key)
    inputs = jax.random.normal(k1, (16, 1024, D), dtype=jnp.float32)
    # learned parameters: one codebook per quantizer stage, init ~ N(0,1) like torch
    codebooks = jax.random.normal(k2, (NUM_Q, K, D), dtype=jnp.float32)
    return {"inputs": inputs, "codebooks": codebooks}


def reference(inputs, codebooks):
    input_shape = inputs.shape
    quantized_total = jnp.zeros_like(inputs)
    residual = inputs
    losses = []
    idx_list = []
    for i in range(NUM_Q):
        cb = codebooks[i]
        flat = residual.reshape(-1, D)
        fn = _l2norm(flat)
        en = _l2norm(cb)
        distances = 1.0 - fn @ en.T
        idx = jnp.argmin(distances, axis=1)
        q = jnp.take(cb, idx, axis=0).reshape(input_shape)
        e_latent = jnp.mean((jax.lax.stop_gradient(q) - residual) ** 2)
        q_latent = jnp.mean((q - jax.lax.stop_gradient(residual)) ** 2)
        loss = q_latent + COMMIT * e_latent
        q_st = residual + jax.lax.stop_gradient(q - residual)
        quantized_total = quantized_total + q_st
        residual = residual - q_st
        losses.append(loss)
        idx_list.append(idx[:, None])
    total_vq_loss = jnp.mean(jnp.stack(losses))
    indices = jnp.stack(idx_list)  # [NUM_Q, N, 1]
    return (quantized_total, total_vq_loss, indices)

if __name__ == "__main__":
    import jax
    _d = setup_inputs()
    print(jax.jit(kernel)(*tuple(_d.values())))

</pallas_src>

<mosaic_0001>
#map = affine_map<(d0, d1) -> (0, 0)>
#map1 = affine_map<(d0, d1) -> (0)>
module attributes {stable_mosaic.version = 14 : i64} {
  func.func @gk(%arg0: i32, %arg1: i32, %arg2: memref<8192x256xf32, #tpu.memory_space<hbm>>, %arg3: memref<16384xi32, #tpu.memory_space<hbm>>, %arg4: memref<16384x256xf32, #tpu.memory_space<hbm>>, %arg5: memref<128xi32, #tpu.memory_space<vmem>>, %arg6: memref<128x256xf32, #tpu.memory_space<vmem>>, %arg7: memref<!tpu.dma_semaphore, #tpu.memory_space<semaphore_mem>>) attributes {dimension_semantics = [#tpu.dimension_semantics<core_parallel>, #tpu.dimension_semantics<subcore_parallel>], iteration_bounds = array<i64: 2, 16>, scalar_prefetch = 0 : i64, scratch_operands = 3 : i64, tpu.core_type = #tpu.core_type<sc_vector_subcore>, window_params = [{transform_indices = #map}, {transform_indices = #map1}, {transform_indices = #map}]} {
    %mul3A = arith.constant 2 : i32
    %mul3A_0 = arith.muli %arg1, %mul3A : i32
    %add3A = arith.addi %mul3A_0, %arg0 : i32
    %mul3A_1 = arith.constant 512 : i32
    %mul3A_2 = arith.muli %add3A, %mul3A_1 : i32
    %scan3A = arith.constant 0 : i32
    %scan3A_3 = arith.constant 0 : i32
    %scan3A_4 = arith.constant 4 : i32
    %scan3A_5 = arith.addi %scan3A_3, %scan3A_4 : i32
    %scan3A_6 = arith.constant 1 : i32
    scf.for %scan3A_8 = %scan3A_3 to %scan3A_5 step %scan3A_6  : i32 {
      %mul3A_9 = arith.constant 128 : i32
      %mul3A_10 = arith.muli %scan3A_8, %mul3A_9 : i32
      %add3A_11 = arith.addi %mul3A_2, %mul3A_10 : i32
      "tpu.region"() ({
        %run_scoped3A = tpu.sem_alloc : memref<!tpu.dma_semaphore, #tpu.memory_space<semaphore_mem>>
        %dma_start3A_16 = tpu.memref_slice %arg3[%add3A_11] : memref<16384xi32, #tpu.memory_space<hbm>> -> memref<128xi32, #tpu.memory_space<hbm>>
        %dma_start3A_17 = tpu.memref_slice %arg3[%add3A_11] : memref<16384xi32, #tpu.memory_space<hbm>> -> memref<128xi32, #tpu.memory_space<hbm>>
        tpu.enqueue_dma source(%dma_start3A_17 : memref<128xi32, #tpu.memory_space<hbm>>) target(%arg5 : memref<128xi32, #tpu.memory_space<vmem>>) target_semaphore(%run_scoped3A : memref<!tpu.dma_semaphore, #tpu.memory_space<semaphore_mem>>)
        %dma_wait3A_18 = tpu.memref_slice %arg3[%add3A_11] : memref<16384xi32, #tpu.memory_space<hbm>> -> memref<128xi32, #tpu.memory_space<hbm>>
        %dma_wait3A_19 = tpu.memref_slice %arg3[%add3A_11] : memref<16384xi32, #tpu.memory_space<hbm>> -> memref<128xi32, #tpu.memory_space<hbm>>
        tpu.wait_dma2 semaphore(%run_scoped3A : memref<!tpu.dma_semaphore, #tpu.memory_space<semaphore_mem>>) src(%dma_wait3A_19 : memref<128xi32, #tpu.memory_space<hbm>>) dst(%arg5 : memref<128xi32, #tpu.memory_space<vmem>>)
        tpu.yield
      }) : () -> ()
      %dma_start3A = arith.constant 0 : i32
      %dma_start3A_12 = arith.constant 0 : i32
      %dma_start3A_13 = tpu.memref_slice %arg2[%dma_start3A, %dma_start3A_12] : memref<8192x256xf32, #tpu.memory_space<hbm>> -> memref<8192x256xf32, #tpu.memory_space<hbm>>
      tpu.enqueue_indirect_dma source(%dma_start3A_13 : memref<8192x256xf32, #tpu.memory_space<hbm>>) target(%arg6 : memref<128x256xf32, #tpu.memory_space<vmem>>) offsets(%arg5 : memref<128xi32, #tpu.memory_space<vmem>>) semaphore(%arg7 : memref<!tpu.dma_semaphore, #tpu.memory_space<semaphore_mem>>)
      %dma_wait3A = arith.constant 0 : i32
      %dma_wait3A_14 = arith.constant 0 : i32
      %dma_wait3A_15 = tpu.memref_slice %arg2[%dma_wait3A, %dma_wait3A_14] : memref<8192x256xf32, #tpu.memory_space<hbm>> -> memref<8192x256xf32, #tpu.memory_space<hbm>>
      tpu.wait_indirect_dma semaphore(%arg7 : memref<!tpu.dma_semaphore, #tpu.memory_space<semaphore_mem>>) src(%dma_wait3A_15 : memref<8192x256xf32, #tpu.memory_space<hbm>>) dst(%arg6 : memref<128x256xf32, #tpu.memory_space<vmem>>)
      "tpu.region"() ({
        %run_scoped3A = tpu.sem_alloc : memref<!tpu.dma_semaphore, #tpu.memory_space<semaphore_mem>>
        %dma_start3A_16 = arith.constant 0 : i32
        %dma_start3A_17 = tpu.memref_slice %arg4[%add3A_11, %dma_start3A_16] : memref<16384x256xf32, #tpu.memory_space<hbm>> -> memref<128x256xf32, #tpu.memory_space<hbm>>
        %dma_start3A_18 = arith.constant 0 : i32
        %dma_start3A_19 = tpu.memref_slice %arg4[%add3A_11, %dma_start3A_18] : memref<16384x256xf32, #tpu.memory_space<hbm>> -> memref<128x256xf32, #tpu.memory_space<hbm>>
        tpu.enqueue_dma source(%arg6 : memref<128x256xf32, #tpu.memory_space<vmem>>) target(%dma_start3A_19 : memref<128x256xf32, #tpu.memory_space<hbm>>) target_semaphore(%run_scoped3A : memref<!tpu.dma_semaphore, #tpu.memory_space<semaphore_mem>>)
        %dma_wait3A_20 = arith.constant 0 : i32
        %dma_wait3A_21 = tpu.memref_slice %arg4[%add3A_11, %dma_wait3A_20] : memref<16384x256xf32, #tpu.memory_space<hbm>> -> memref<128x256xf32, #tpu.memory_space<hbm>>
        %dma_wait3A_22 = arith.constant 0 : i32
        %dma_wait3A_23 = tpu.memref_slice %arg4[%add3A_11, %dma_wait3A_22] : memref<16384x256xf32, #tpu.memory_space<hbm>> -> memref<128x256xf32, #tpu.memory_space<hbm>>
        tpu.wait_dma2 semaphore(%run_scoped3A : memref<!tpu.dma_semaphore, #tpu.memory_space<semaphore_mem>>) src(%arg6 : memref<128x256xf32, #tpu.memory_space<vmem>>) dst(%dma_wait3A_23 : memref<128x256xf32, #tpu.memory_space<hbm>>)
        tpu.yield
      }) : () -> ()
    }
    %scan3A_7 = arith.constant 4 : i32
    return
  }
}

#map = affine_map<(d0, d1) -> (0, 0)>
#map1 = affine_map<(d0, d1) -> (0)>
module attributes {stable_mosaic.version = 14 : i64} {
  func.func @gk(%arg0: i32, %arg1: i32, %arg2: memref<8192x256xf32, #tpu.memory_space<hbm>>, %arg3: memref<16384xi32, #tpu.memory_space<hbm>>, %arg4: memref<16384x256xf32, #tpu.memory_space<hbm>>, %arg5: memref<128xi32, #tpu.memory_space<vmem>>, %arg6: memref<128x256xf32, #tpu.memory_space<vmem>>, %arg7: memref<!tpu.dma_semaphore, #tpu.memory_space<semaphore_mem>>) attributes {dimension_semantics = [#tpu.dimension_semantics<core_parallel>, #tpu.dimension_semantics<subcore_parallel>], iteration_bounds = array<i64: 2, 16>, scalar_prefetch = 0 : i64, scratch_operands = 3 : i64, tpu.core_type = #tpu.core_type<sc_vector_subcore>, window_params = [{transform_indices = #map}, {transform_indices = #map1}, {transform_indices = #map}]} {
    %mul3A = arith.constant 2 : i32
    %mul3A_0 = arith.muli %arg1, %mul3A : i32
    %add3A = arith.addi %mul3A_0, %arg0 : i32
    %mul3A_1 = arith.constant 512 : i32
    %mul3A_2 = arith.muli %add3A, %mul3A_1 : i32
    %scan3A = arith.constant 0 : i32
    %scan3A_3 = arith.constant 0 : i32
    %scan3A_4 = arith.constant 4 : i32
    %scan3A_5 = arith.addi %scan3A_3, %scan3A_4 : i32
    %scan3A_6 = arith.constant 1 : i32
    scf.for %scan3A_8 = %scan3A_3 to %scan3A_5 step %scan3A_6  : i32 {
      %mul3A_9 = arith.constant 128 : i32
      %mul3A_10 = arith.muli %scan3A_8, %mul3A_9 : i32
      %add3A_11 = arith.addi %mul3A_2, %mul3A_10 : i32
      "tpu.region"() ({
        %run_scoped3A = tpu.sem_alloc : memref<!tpu.dma_semaphore, #tpu.memory_space<semaphore_mem>>
        %dma_start3A_16 = tpu.memref_slice %arg3[%add3A_11] : memref<16384xi32, #tpu.memory_space<hbm>> -> memref<128xi32, #tpu.memory_space<hbm>>
        %dma_start3A_17 = tpu.memref_slice %arg3[%add3A_11] : memref<16384xi32, #tpu.memory_space<hbm>> -> memref<128xi32, #tpu.memory_space<hbm>>
        tpu.enqueue_dma source(%dma_start3A_17 : memref<128xi32, #tpu.memory_space<hbm>>) target(%arg5 : memref<128xi32, #tpu.memory_space<vmem>>) target_semaphore(%run_scoped3A : memref<!tpu.dma_semaphore, #tpu.memory_space<semaphore_mem>>)
        %dma_wait3A_18 = tpu.memref_slice %arg3[%add3A_11] : memref<16384xi32, #tpu.memory_space<hbm>> -> memref<128xi32, #tpu.memory_space<hbm>>
        %dma_wait3A_19 = tpu.memref_slice %arg3[%add3A_11] : memref<16384xi32, #tpu.memory_space<hbm>> -> memref<128xi32, #tpu.memory_space<hbm>>
        tpu.wait_dma2 semaphore(%run_scoped3A : memref<!tpu.dma_semaphore, #tpu.memory_space<semaphore_mem>>) src(%dma_wait3A_19 : memref<128xi32, #tpu.memory_space<hbm>>) dst(%arg5 : memref<128xi32, #tpu.memory_space<vmem>>)
        tpu.yield
      }) : () -> ()
      %dma_start3A = arith.constant 0 : i32
      %dma_start3A_12 = arith.constant 0 : i32
      %dma_start3A_13 = tpu.memref_slice %arg2[%dma_start3A, %dma_start3A_12] : memref<8192x256xf32, #tpu.memory_space<hbm>> -> memref<8192x256xf32, #tpu.memory_space<hbm>>
      tpu.enqueue_indirect_dma source(%dma_start3A_13 : memref<8192x256xf32, #tpu.memory_space<hbm>>) target(%arg6 : memref<128x256xf32, #tpu.memory_space<vmem>>) offsets(%arg5 : memref<128xi32, #tpu.memory_space<vmem>>) semaphore(%arg7 : memref<!tpu.dma_semaphore, #tpu.memory_space<semaphore_mem>>)
      %dma_wait3A = arith.constant 0 : i32
      %dma_wait3A_14 = arith.constant 0 : i32
      %dma_wait3A_15 = tpu.memref_slice %arg2[%dma_wait3A, %dma_wait3A_14] : memref<8192x256xf32, #tpu.memory_space<hbm>> -> memref<8192x256xf32, #tpu.memory_space<hbm>>
      tpu.wait_indirect_dma semaphore(%arg7 : memref<!tpu.dma_semaphore, #tpu.memory_space<semaphore_mem>>) src(%dma_wait3A_15 : memref<8192x256xf32, #tpu.memory_space<hbm>>) dst(%arg6 : memref<128x256xf32, #tpu.memory_space<vmem>>)
      "tpu.region"() ({
        %run_scoped3A = tpu.sem_alloc : memref<!tpu.dma_semaphore, #tpu.memory_space<semaphore_mem>>
        %dma_start3A_16 = arith.constant 0 : i32
        %dma_start3A_17 = tpu.memref_slice %arg4[%add3A_11, %dma_start3A_16] : memref<16384x256xf32, #tpu.memory_space<hbm>> -> memref<128x256xf32, #tpu.memory_space<hbm>>
        %dma_start3A_18 = arith.constant 0 : i32
        %dma_start3A_19 = tpu.memref_slice %arg4[%add3A_11, %dma_start3A_18] : memref<16384x256xf32, #tpu.memory_space<hbm>> -> memref<128x256xf32, #tpu.memory_space<hbm>>
        tpu.enqueue_dma source(%arg6 : memref<128x256xf32, #tpu.memory_space<vmem>>) target(%dma_start3A_19 : memref<128x256xf32, #tpu.memory_space<hbm>>) target_semaphore(%run_scoped3A : memref<!tpu.dma_semaphore, #tpu.memory_space<semaphore_mem>>)
        %dma_wait3A_20 = arith.constant 0 : i32
        %dma_wait3A_21 = tpu.memref_slice %arg4[%add3A_11, %dma_wait3A_20] : memref<16384x256xf32, #tpu.memory_space<hbm>> -> memref<128x256xf32, #tpu.memory_space<hbm>>
        %dma_wait3A_22 = arith.constant 0 : i32
        %dma_wait3A_23 = tpu.memref_slice %arg4[%add3A_11, %dma_wait3A_22] : memref<16384x256xf32, #tpu.memory_space<hbm>> -> memref<128x256xf32, #tpu.memory_space<hbm>>
        tpu.wait_dma2 semaphore(%run_scoped3A : memref<!tpu.dma_semaphore, #tpu.memory_space<semaphore_mem>>) src(%arg6 : memref<128x256xf32, #tpu.memory_space<vmem>>) dst(%dma_wait3A_23 : memref<128x256xf32, #tpu.memory_space<hbm>>)
        tpu.yield
      }) : () -> ()
    }
    %scan3A_7 = arith.constant 4 : i32
    return
  }
}

#map = affine_map<(d0, d1) -> (0, 0)>
#map1 = affine_map<(d0, d1) -> (0)>
module attributes {stable_mosaic.version = 14 : i64} {
  func.func @gk(%arg0: i32, %arg1: i32, %arg2: memref<8192x256xf32, #tpu.memory_space<hbm>>, %arg3: memref<16384xi32, #tpu.memory_space<hbm>>, %arg4: memref<16384x256xf32, #tpu.memory_space<hbm>>, %arg5: memref<128xi32, #tpu.memory_space<vmem>>, %arg6: memref<128x256xf32, #tpu.memory_space<vmem>>, %arg7: memref<!tpu.dma_semaphore, #tpu.memory_space<semaphore_mem>>) attributes {dimension_semantics = [#tpu.dimension_semantics<core_parallel>, #tpu.dimension_semantics<subcore_parallel>], iteration_bounds = array<i64: 2, 16>, scalar_prefetch = 0 : i64, scratch_operands = 3 : i64, tpu.core_type = #tpu.core_type<sc_vector_subcore>, window_params = [{transform_indices = #map}, {transform_indices = #map1}, {transform_indices = #map}]} {
    %mul3A = arith.constant 2 : i32
    %mul3A_0 = arith.muli %arg1, %mul3A : i32
    %add3A = arith.addi %mul3A_0, %arg0 : i32
    %mul3A_1 = arith.constant 512 : i32
    %mul3A_2 = arith.muli %add3A, %mul3A_1 : i32
    %scan3A = arith.constant 0 : i32
    %scan3A_3 = arith.constant 0 : i32
    %scan3A_4 = arith.constant 4 : i32
    %scan3A_5 = arith.addi %scan3A_3, %scan3A_4 : i32
    %scan3A_6 = arith.constant 1 : i32
    scf.for %scan3A_8 = %scan3A_3 to %scan3A_5 step %scan3A_6  : i32 {
      %mul3A_9 = arith.constant 128 : i32
      %mul3A_10 = arith.muli %scan3A_8, %mul3A_9 : i32
      %add3A_11 = arith.addi %mul3A_2, %mul3A_10 : i32
      "tpu.region"() ({
        %run_scoped3A = tpu.sem_alloc : memref<!tpu.dma_semaphore, #tpu.memory_space<semaphore_mem>>
        %dma_start3A_16 = tpu.memref_slice %arg3[%add3A_11] : memref<16384xi32, #tpu.memory_space<hbm>> -> memref<128xi32, #tpu.memory_space<hbm>>
        %dma_start3A_17 = tpu.memref_slice %arg3[%add3A_11] : memref<16384xi32, #tpu.memory_space<hbm>> -> memref<128xi32, #tpu.memory_space<hbm>>
        tpu.enqueue_dma source(%dma_start3A_17 : memref<128xi32, #tpu.memory_space<hbm>>) target(%arg5 : memref<128xi32, #tpu.memory_space<vmem>>) target_semaphore(%run_scoped3A : memref<!tpu.dma_semaphore, #tpu.memory_space<semaphore_mem>>)
        %dma_wait3A_18 = tpu.memref_slice %arg3[%add3A_11] : memref<16384xi32, #tpu.memory_space<hbm>> -> memref<128xi32, #tpu.memory_space<hbm>>
        %dma_wait3A_19 = tpu.memref_slice %arg3[%add3A_11] : memref<16384xi32, #tpu.memory_space<hbm>> -> memref<128xi32, #tpu.memory_space<hbm>>
        tpu.wait_dma2 semaphore(%run_scoped3A : memref<!tpu.dma_semaphore, #tpu.memory_space<semaphore_mem>>) src(%dma_wait3A_19 : memref<128xi32, #tpu.memory_space<hbm>>) dst(%arg5 : memref<128xi32, #tpu.memory_space<vmem>>)
        tpu.yield
      }) : () -> ()
      %dma_start3A = arith.constant 0 : i32
      %dma_start3A_12 = arith.constant 0 : i32
      %dma_start3A_13 = tpu.memref_slice %arg2[%dma_start3A, %dma_start3A_12] : memref<8192x256xf32, #tpu.memory_space<hbm>> -> memref<8192x256xf32, #tpu.memory_space<hbm>>
      tpu.enqueue_indirect_dma source(%dma_start3A_13 : memref<8192x256xf32, #tpu.memory_space<hbm>>) target(%arg6 : memref<128x256xf32, #tpu.memory_space<vmem>>) offsets(%arg5 : memref<128xi32, #tpu.memory_space<vmem>>) semaphore(%arg7 : memref<!tpu.dma_semaphore, #tpu.memory_space<semaphore_mem>>)
      %dma_wait3A = arith.constant 0 : i32
      %dma_wait3A_14 = arith.constant 0 : i32
      %dma_wait3A_15 = tpu.memref_slice %arg2[%dma_wait3A, %dma_wait3A_14] : memref<8192x256xf32, #tpu.memory_space<hbm>> -> memref<8192x256xf32, #tpu.memory_space<hbm>>
      tpu.wait_indirect_dma semaphore(%arg7 : memref<!tpu.dma_semaphore, #tpu.memory_space<semaphore_mem>>) src(%dma_wait3A_15 : memref<8192x256xf32, #tpu.memory_space<hbm>>) dst(%arg6 : memref<128x256xf32, #tpu.memory_space<vmem>>)
      "tpu.region"() ({
        %run_scoped3A = tpu.sem_alloc : memref<!tpu.dma_semaphore, #tpu.memory_space<semaphore_mem>>
        %dma_start3A_16 = arith.constant 0 : i32
        %dma_start3A_17 = tpu.memref_slice %arg4[%add3A_11, %dma_start3A_16] : memref<16384x256xf32, #tpu.memory_space<hbm>> -> memref<128x256xf32, #tpu.memory_space<hbm>>
        %dma_start3A_18 = arith.constant 0 : i32
        %dma_start3A_19 = tpu.memref_slice %arg4[%add3A_11, %dma_start3A_18] : memref<16384x256xf32, #tpu.memory_space<hbm>> -> memref<128x256xf32, #tpu.memory_space<hbm>>
        tpu.enqueue_dma source(%arg6 : memref<128x256xf32, #tpu.memory_space<vmem>>) target(%dma_start3A_19 : memref<128x256xf32, #tpu.memory_space<hbm>>) target_semaphore(%run_scoped3A : memref<!tpu.dma_semaphore, #tpu.memory_space<semaphore_mem>>)
        %dma_wait3A_20 = arith.constant 0 : i32
        %dma_wait3A_21 = tpu.memref_slice %arg4[%add3A_11, %dma_wait3A_20] : memref<16384x256xf32, #tpu.memory_space<hbm>> -> memref<128x256xf32, #tpu.memory_space<hbm>>
        %dma_wait3A_22 = arith.constant 0 : i32
        %dma_wait3A_23 = tpu.memref_slice %arg4[%add3A_11, %dma_wait3A_22] : memref<16384x256xf32, #tpu.memory_space<hbm>> -> memref<128x256xf32, #tpu.memory_space<hbm>>
        tpu.wait_dma2 semaphore(%run_scoped3A : memref<!tpu.dma_semaphore, #tpu.memory_space<semaphore_mem>>) src(%arg6 : memref<128x256xf32, #tpu.memory_space<vmem>>) dst(%dma_wait3A_23 : memref<128x256xf32, #tpu.memory_space<hbm>>)
        tpu.yield
      }) : () -> ()
    }
    %scan3A_7 = arith.constant 4 : i32
    return
  }
}

#map = affine_map<(d0, d1) -> (0, 0)>
#map1 = affine_map<(d0, d1) -> (0)>
module attributes {stable_mosaic.version = 14 : i64} {
  func.func @gk(%arg0: i32, %arg1: i32, %arg2: memref<8192x256xf32, #tpu.memory_space<hbm>>, %arg3: memref<16384xi32, #tpu.memory_space<hbm>>, %arg4: memref<16384x256xf32, #tpu.memory_space<hbm>>, %arg5: memref<128xi32, #tpu.memory_space<vmem>>, %arg6: memref<128x256xf32, #tpu.memory_space<vmem>>, %arg7: memref<!tpu.dma_semaphore, #tpu.memory_space<semaphore_mem>>) attributes {dimension_semantics = [#tpu.dimension_semantics<core_parallel>, #tpu.dimension_semantics<subcore_parallel>], iteration_bounds = array<i64: 2, 16>, scalar_prefetch = 0 : i64, scratch_operands = 3 : i64, tpu.core_type = #tpu.core_type<sc_vector_subcore>, window_params = [{transform_indices = #map}, {transform_indices = #map1}, {transform_indices = #map}]} {
    %mul3A = arith.constant 2 : i32
    %mul3A_0 = arith.muli %arg1, %mul3A : i32
    %add3A = arith.addi %mul3A_0, %arg0 : i32
    %mul3A_1 = arith.constant 512 : i32
    %mul3A_2 = arith.muli %add3A, %mul3A_1 : i32
    %scan3A = arith.constant 0 : i32
    %scan3A_3 = arith.constant 0 : i32
    %scan3A_4 = arith.constant 4 : i32
    %scan3A_5 = arith.addi %scan3A_3, %scan3A_4 : i32
    %scan3A_6 = arith.constant 1 : i32
    scf.for %scan3A_8 = %scan3A_3 to %scan3A_5 step %scan3A_6  : i32 {
      %mul3A_9 = arith.constant 128 : i32
      %mul3A_10 = arith.muli %scan3A_8, %mul3A_9 : i32
      %add3A_11 = arith.addi %mul3A_2, %mul3A_10 : i32
      "tpu.region"() ({
        %run_scoped3A = tpu.sem_alloc : memref<!tpu.dma_semaphore, #tpu.memory_space<semaphore_mem>>
        %dma_start3A_16 = tpu.memref_slice %arg3[%add3A_11] : memref<16384xi32, #tpu.memory_space<hbm>> -> memref<128xi32, #tpu.memory_space<hbm>>
        %dma_start3A_17 = tpu.memref_slice %arg3[%add3A_11] : memref<16384xi32, #tpu.memory_space<hbm>> -> memref<128xi32, #tpu.memory_space<hbm>>
        tpu.enqueue_dma source(%dma_start3A_17 : memref<128xi32, #tpu.memory_space<hbm>>) target(%arg5 : memref<128xi32, #tpu.memory_space<vmem>>) target_semaphore(%run_scoped3A : memref<!tpu.dma_semaphore, #tpu.memory_space<semaphore_mem>>)
        %dma_wait3A_18 = tpu.memref_slice %arg3[%add3A_11] : memref<16384xi32, #tpu.memory_space<hbm>> -> memref<128xi32, #tpu.memory_space<hbm>>
        %dma_wait3A_19 = tpu.memref_slice %arg3[%add3A_11] : memref<16384xi32, #tpu.memory_space<hbm>> -> memref<128xi32, #tpu.memory_space<hbm>>
        tpu.wait_dma2 semaphore(%run_scoped3A : memref<!tpu.dma_semaphore, #tpu.memory_space<semaphore_mem>>) src(%dma_wait3A_19 : memref<128xi32, #tpu.memory_space<hbm>>) dst(%arg5 : memref<128xi32, #tpu.memory_space<vmem>>)
        tpu.yield
      }) : () -> ()
      %dma_start3A = arith.constant 0 : i32
      %dma_start3A_12 = arith.constant 0 : i32
      %dma_start3A_13 = tpu.memref_slice %arg2[%dma_start3A, %dma_start3A_12] : memref<8192x256xf32, #tpu.memory_space<hbm>> -> memref<8192x256xf32, #tpu.memory_space<hbm>>
      tpu.enqueue_indirect_dma source(%dma_start3A_13 : memref<8192x256xf32, #tpu.memory_space<hbm>>) target(%arg6 : memref<128x256xf32, #tpu.memory_space<vmem>>) offsets(%arg5 : memref<128xi32, #tpu.memory_space<vmem>>) semaphore(%arg7 : memref<!tpu.dma_semaphore, #tpu.memory_space<semaphore_mem>>)
      %dma_wait3A = arith.constant 0 : i32
      %dma_wait3A_14 = arith.constant 0 : i32
      %dma_wait3A_15 = tpu.memref_slice %arg2[%dma_wait3A, %dma_wait3A_14] : memref<8192x256xf32, #tpu.memory_space<hbm>> -> memref<8192x256xf32, #tpu.memory_space<hbm>>
      tpu.wait_indirect_dma semaphore(%arg7 : memref<!tpu.dma_semaphore, #tpu.memory_space<semaphore_mem>>) src(%dma_wait3A_15 : memref<8192x256xf32, #tpu.memory_space<hbm>>) dst(%arg6 : memref<128x256xf32, #tpu.memory_space<vmem>>)
      "tpu.region"() ({
        %run_scoped3A = tpu.sem_alloc : memref<!tpu.dma_semaphore, #tpu.memory_space<semaphore_mem>>
        %dma_start3A_16 = arith.constant 0 : i32
        %dma_start3A_17 = tpu.memref_slice %arg4[%add3A_11, %dma_start3A_16] : memref<16384x256xf32, #tpu.memory_space<hbm>> -> memref<128x256xf32, #tpu.memory_space<hbm>>
        %dma_start3A_18 = arith.constant 0 : i32
        %dma_start3A_19 = tpu.memref_slice %arg4[%add3A_11, %dma_start3A_18] : memref<16384x256xf32, #tpu.memory_space<hbm>> -> memref<128x256xf32, #tpu.memory_space<hbm>>
        tpu.enqueue_dma source(%arg6 : memref<128x256xf32, #tpu.memory_space<vmem>>) target(%dma_start3A_19 : memref<128x256xf32, #tpu.memory_space<hbm>>) target_semaphore(%run_scoped3A : memref<!tpu.dma_semaphore, #tpu.memory_space<semaphore_mem>>)
        %dma_wait3A_20 = arith.constant 0 : i32
        %dma_wait3A_21 = tpu.memref_slice %arg4[%add3A_11, %dma_wait3A_20] : memref<16384x256xf32, #tpu.memory_space<hbm>> -> memref<128x256xf32, #tpu.memory_space<hbm>>
        %dma_wait3A_22 = arith.constant 0 : i32
        %dma_wait3A_23 = tpu.memref_slice %arg4[%add3A_11, %dma_wait3A_22] : memref<16384x256xf32, #tpu.memory_space<hbm>> -> memref<128x256xf32, #tpu.memory_space<hbm>>
        tpu.wait_dma2 semaphore(%run_scoped3A : memref<!tpu.dma_semaphore, #tpu.memory_space<semaphore_mem>>) src(%arg6 : memref<128x256xf32, #tpu.memory_space<vmem>>) dst(%dma_wait3A_23 : memref<128x256xf32, #tpu.memory_space<hbm>>)
        tpu.yield
      }) : () -> ()
    }
    %scan3A_7 = arith.constant 4 : i32
    return
  }
}

#map = affine_map<(d0, d1) -> (0, 0)>
#map1 = affine_map<(d0, d1) -> (0)>
module attributes {stable_mosaic.version = 14 : i64} {
  func.func @gk(%arg0: i32, %arg1: i32, %arg2: memref<8192x256xf32, #tpu.memory_space<hbm>>, %arg3: memref<16384xi32, #tpu.memory_space<hbm>>, %arg4: memref<16384x256xf32, #tpu.memory_space<hbm>>, %arg5: memref<128xi32, #tpu.memory_space<vmem>>, %arg6: memref<128x256xf32, #tpu.memory_space<vmem>>, %arg7: memref<!tpu.dma_semaphore, #tpu.memory_space<semaphore_mem>>) attributes {dimension_semantics = [#tpu.dimension_semantics<core_parallel>, #tpu.dimension_semantics<subcore_parallel>], iteration_bounds = array<i64: 2, 16>, scalar_prefetch = 0 : i64, scratch_operands = 3 : i64, tpu.core_type = #tpu.core_type<sc_vector_subcore>, window_params = [{transform_indices = #map}, {transform_indices = #map1}, {transform_indices = #map}]} {
    %mul3A = arith.constant 2 : i32
    %mul3A_0 = arith.muli %arg1, %mul3A : i32
    %add3A = arith.addi %mul3A_0, %arg0 : i32
    %mul3A_1 = arith.constant 512 : i32
    %mul3A_2 = arith.muli %add3A, %mul3A_1 : i32
    %scan3A = arith.constant 0 : i32
    %scan3A_3 = arith.constant 0 : i32
    %scan3A_4 = arith.constant 4 : i32
    %scan3A_5 = arith.addi %scan3A_3, %scan3A_4 : i32
    %scan3A_6 = arith.constant 1 : i32
    scf.for %scan3A_8 = %scan3A_3 to %scan3A_5 step %scan3A_6  : i32 {
      %mul3A_9 = arith.constant 128 : i32
      %mul3A_10 = arith.muli %scan3A_8, %mul3A_9 : i32
      %add3A_11 = arith.addi %mul3A_2, %mul3A_10 : i32
      "tpu.region"() ({
        %run_scoped3A = tpu.sem_alloc : memref<!tpu.dma_semaphore, #tpu.memory_space<semaphore_mem>>
        %dma_start3A_16 = tpu.memref_slice %arg3[%add3A_11] : memref<16384xi32, #tpu.memory_space<hbm>> -> memref<128xi32, #tpu.memory_space<hbm>>
        %dma_start3A_17 = tpu.memref_slice %arg3[%add3A_11] : memref<16384xi32, #tpu.memory_space<hbm>> -> memref<128xi32, #tpu.memory_space<hbm>>
        tpu.enqueue_dma source(%dma_start3A_17 : memref<128xi32, #tpu.memory_space<hbm>>) target(%arg5 : memref<128xi32, #tpu.memory_space<vmem>>) target_semaphore(%run_scoped3A : memref<!tpu.dma_semaphore, #tpu.memory_space<semaphore_mem>>)
        %dma_wait3A_18 = tpu.memref_slice %arg3[%add3A_11] : memref<16384xi32, #tpu.memory_space<hbm>> -> memref<128xi32, #tpu.memory_space<hbm>>
        %dma_wait3A_19 = tpu.memref_slice %arg3[%add3A_11] : memref<16384xi32, #tpu.memory_space<hbm>> -> memref<128xi32, #tpu.memory_space<hbm>>
        tpu.wait_dma2 semaphore(%run_scoped3A : memref<!tpu.dma_semaphore, #tpu.memory_space<semaphore_mem>>) src(%dma_wait3A_19 : memref<128xi32, #tpu.memory_space<hbm>>) dst(%arg5 : memref<128xi32, #tpu.memory_space<vmem>>)
        tpu.yield
      }) : () -> ()
      %dma_start3A = arith.constant 0 : i32
      %dma_start3A_12 = arith.constant 0 : i32
      %dma_start3A_13 = tpu.memref_slice %arg2[%dma_start3A, %dma_start3A_12] : memref<8192x256xf32, #tpu.memory_space<hbm>> -> memref<8192x256xf32, #tpu.memory_space<hbm>>
      tpu.enqueue_indirect_dma source(%dma_start3A_13 : memref<8192x256xf32, #tpu.memory_space<hbm>>) target(%arg6 : memref<128x256xf32, #tpu.memory_space<vmem>>) offsets(%arg5 : memref<128xi32, #tpu.memory_space<vmem>>) semaphore(%arg7 : memref<!tpu.dma_semaphore, #tpu.memory_space<semaphore_mem>>)
      %dma_wait3A = arith.constant 0 : i32
      %dma_wait3A_14 = arith.constant 0 : i32
      %dma_wait3A_15 = tpu.memref_slice %arg2[%dma_wait3A, %dma_wait3A_14] : memref<8192x256xf32, #tpu.memory_space<hbm>> -> memref<8192x256xf32, #tpu.memory_space<hbm>>
      tpu.wait_indirect_dma semaphore(%arg7 : memref<!tpu.dma_semaphore, #tpu.memory_space<semaphore_mem>>) src(%dma_wait3A_15 : memref<8192x256xf32, #tpu.memory_space<hbm>>) dst(%arg6 : memref<128x256xf32, #tpu.memory_space<vmem>>)
      "tpu.region"() ({
        %run_scoped3A = tpu.sem_alloc : memref<!tpu.dma_semaphore, #tpu.memory_space<semaphore_mem>>
        %dma_start3A_16 = arith.constant 0 : i32
        %dma_start3A_17 = tpu.memref_slice %arg4[%add3A_11, %dma_start3A_16] : memref<16384x256xf32, #tpu.memory_space<hbm>> -> memref<128x256xf32, #tpu.memory_space<hbm>>
        %dma_start3A_18 = arith.constant 0 : i32
        %dma_start3A_19 = tpu.memref_slice %arg4[%add3A_11, %dma_start3A_18] : memref<16384x256xf32, #tpu.memory_space<hbm>> -> memref<128x256xf32, #tpu.memory_space<hbm>>
        tpu.enqueue_dma source(%arg6 : memref<128x256xf32, #tpu.memory_space<vmem>>) target(%dma_start3A_19 : memref<128x256xf32, #tpu.memory_space<hbm>>) target_semaphore(%run_scoped3A : memref<!tpu.dma_semaphore, #tpu.memory_space<semaphore_mem>>)
        %dma_wait3A_20 = arith.constant 0 : i32
        %dma_wait3A_21 = tpu.memref_slice %arg4[%add3A_11, %dma_wait3A_20] : memref<16384x256xf32, #tpu.memory_space<hbm>> -> memref<128x256xf32, #tpu.memory_space<hbm>>
        %dma_wait3A_22 = arith.constant 0 : i32
        %dma_wait3A_23 = tpu.memref_slice %arg4[%add3A_11, %dma_wait3A_22] : memref<16384x256xf32, #tpu.memory_space<hbm>> -> memref<128x256xf32, #tpu.memory_space<hbm>>
        tpu.wait_dma2 semaphore(%run_scoped3A : memref<!tpu.dma_semaphore, #tpu.memory_space<semaphore_mem>>) src(%arg6 : memref<128x256xf32, #tpu.memory_space<vmem>>) dst(%dma_wait3A_23 : memref<128x256xf32, #tpu.memory_space<hbm>>)
        tpu.yield
      }) : () -> ()
    }
    %scan3A_7 = arith.constant 4 : i32
    return
  }
}

#map = affine_map<(d0, d1) -> (0, 0)>
#map1 = affine_map<(d0, d1) -> (0)>
module attributes {stable_mosaic.version = 14 : i64} {
  func.func @gk(%arg0: i32, %arg1: i32, %arg2: memref<8192x256xf32, #tpu.memory_space<hbm>>, %arg3: memref<16384xi32, #tpu.memory_space<hbm>>, %arg4: memref<16384x256xf32, #tpu.memory_space<hbm>>, %arg5: memref<128xi32, #tpu.memory_space<vmem>>, %arg6: memref<128x256xf32, #tpu.memory_space<vmem>>, %arg7: memref<!tpu.dma_semaphore, #tpu.memory_space<semaphore_mem>>) attributes {dimension_semantics = [#tpu.dimension_semantics<core_parallel>, #tpu.dimension_semantics<subcore_parallel>], iteration_bounds = array<i64: 2, 16>, scalar_prefetch = 0 : i64, scratch_operands = 3 : i64, tpu.core_type = #tpu.core_type<sc_vector_subcore>, window_params = [{transform_indices = #map}, {transform_indices = #map1}, {transform_indices = #map}]} {
    %mul3A = arith.constant 2 : i32
    %mul3A_0 = arith.muli %arg1, %mul3A : i32
    %add3A = arith.addi %mul3A_0, %arg0 : i32
    %mul3A_1 = arith.constant 512 : i32
    %mul3A_2 = arith.muli %add3A, %mul3A_1 : i32
    %scan3A = arith.constant 0 : i32
    %scan3A_3 = arith.constant 0 : i32
    %scan3A_4 = arith.constant 4 : i32
    %scan3A_5 = arith.addi %scan3A_3, %scan3A_4 : i32
    %scan3A_6 = arith.constant 1 : i32
    scf.for %scan3A_8 = %scan3A_3 to %scan3A_5 step %scan3A_6  : i32 {
      %mul3A_9 = arith.constant 128 : i32
      %mul3A_10 = arith.muli %scan3A_8, %mul3A_9 : i32
      %add3A_11 = arith.addi %mul3A_2, %mul3A_10 : i32
      "tpu.region"() ({
        %run_scoped3A = tpu.sem_alloc : memref<!tpu.dma_semaphore, #tpu.memory_space<semaphore_mem>>
        %dma_start3A_16 = tpu.memref_slice %arg3[%add3A_11] : memref<16384xi32, #tpu.memory_space<hbm>> -> memref<128xi32, #tpu.memory_space<hbm>>
        %dma_start3A_17 = tpu.memref_slice %arg3[%add3A_11] : memref<16384xi32, #tpu.memory_space<hbm>> -> memref<128xi32, #tpu.memory_space<hbm>>
        tpu.enqueue_dma source(%dma_start3A_17 : memref<128xi32, #tpu.memory_space<hbm>>) target(%arg5 : memref<128xi32, #tpu.memory_space<vmem>>) target_semaphore(%run_scoped3A : memref<!tpu.dma_semaphore, #tpu.memory_space<semaphore_mem>>)
        %dma_wait3A_18 = tpu.memref_slice %arg3[%add3A_11] : memref<16384xi32, #tpu.memory_space<hbm>> -> memref<128xi32, #tpu.memory_space<hbm>>
        %dma_wait3A_19 = tpu.memref_slice %arg3[%add3A_11] : memref<16384xi32, #tpu.memory_space<hbm>> -> memref<128xi32, #tpu.memory_space<hbm>>
        tpu.wait_dma2 semaphore(%run_scoped3A : memref<!tpu.dma_semaphore, #tpu.memory_space<semaphore_mem>>) src(%dma_wait3A_19 : memref<128xi32, #tpu.memory_space<hbm>>) dst(%arg5 : memref<128xi32, #tpu.memory_space<vmem>>)
        tpu.yield
      }) : () -> ()
      %dma_start3A = arith.constant 0 : i32
      %dma_start3A_12 = arith.constant 0 : i32
      %dma_start3A_13 = tpu.memref_slice %arg2[%dma_start3A, %dma_start3A_12] : memref<8192x256xf32, #tpu.memory_space<hbm>> -> memref<8192x256xf32, #tpu.memory_space<hbm>>
      tpu.enqueue_indirect_dma source(%dma_start3A_13 : memref<8192x256xf32, #tpu.memory_space<hbm>>) target(%arg6 : memref<128x256xf32, #tpu.memory_space<vmem>>) offsets(%arg5 : memref<128xi32, #tpu.memory_space<vmem>>) semaphore(%arg7 : memref<!tpu.dma_semaphore, #tpu.memory_space<semaphore_mem>>)
      %dma_wait3A = arith.constant 0 : i32
      %dma_wait3A_14 = arith.constant 0 : i32
      %dma_wait3A_15 = tpu.memref_slice %arg2[%dma_wait3A, %dma_wait3A_14] : memref<8192x256xf32, #tpu.memory_space<hbm>> -> memref<8192x256xf32, #tpu.memory_space<hbm>>
      tpu.wait_indirect_dma semaphore(%arg7 : memref<!tpu.dma_semaphore, #tpu.memory_space<semaphore_mem>>) src(%dma_wait3A_15 : memref<8192x256xf32, #tpu.memory_space<hbm>>) dst(%arg6 : memref<128x256xf32, #tpu.memory_space<vmem>>)
      "tpu.region"() ({
        %run_scoped3A = tpu.sem_alloc : memref<!tpu.dma_semaphore, #tpu.memory_space<semaphore_mem>>
        %dma_start3A_16 = arith.constant 0 : i32
        %dma_start3A_17 = tpu.memref_slice %arg4[%add3A_11, %dma_start3A_16] : memref<16384x256xf32, #tpu.memory_space<hbm>> -> memref<128x256xf32, #tpu.memory_space<hbm>>
        %dma_start3A_18 = arith.constant 0 : i32
        %dma_start3A_19 = tpu.memref_slice %arg4[%add3A_11, %dma_start3A_18] : memref<16384x256xf32, #tpu.memory_space<hbm>> -> memref<128x256xf32, #tpu.memory_space<hbm>>
        tpu.enqueue_dma source(%arg6 : memref<128x256xf32, #tpu.memory_space<vmem>>) target(%dma_start3A_19 : memref<128x256xf32, #tpu.memory_space<hbm>>) target_semaphore(%run_scoped3A : memref<!tpu.dma_semaphore, #tpu.memory_space<semaphore_mem>>)
        %dma_wait3A_20 = arith.constant 0 : i32
        %dma_wait3A_21 = tpu.memref_slice %arg4[%add3A_11, %dma_wait3A_20] : memref<16384x256xf32, #tpu.memory_space<hbm>> -> memref<128x256xf32, #tpu.memory_space<hbm>>
        %dma_wait3A_22 = arith.constant 0 : i32
        %dma_wait3A_23 = tpu.memref_slice %arg4[%add3A_11, %dma_wait3A_22] : memref<16384x256xf32, #tpu.memory_space<hbm>> -> memref<128x256xf32, #tpu.memory_space<hbm>>
        tpu.wait_dma2 semaphore(%run_scoped3A : memref<!tpu.dma_semaphore, #tpu.memory_space<semaphore_mem>>) src(%arg6 : memref<128x256xf32, #tpu.memory_space<vmem>>) dst(%dma_wait3A_23 : memref<128x256xf32, #tpu.memory_space<hbm>>)
        tpu.yield
      }) : () -> ()
    }
    %scan3A_7 = arith.constant 4 : i32
    return
  }
}

#map = affine_map<(d0, d1) -> (0, 0)>
#map1 = affine_map<(d0, d1) -> (0)>
module attributes {stable_mosaic.version = 14 : i64} {
  func.func @gk(%arg0: i32, %arg1: i32, %arg2: memref<8192x256xf32, #tpu.memory_space<hbm>>, %arg3: memref<16384xi32, #tpu.memory_space<hbm>>, %arg4: memref<16384x256xf32, #tpu.memory_space<hbm>>, %arg5: memref<128xi32, #tpu.memory_space<vmem>>, %arg6: memref<128x256xf32, #tpu.memory_space<vmem>>, %arg7: memref<!tpu.dma_semaphore, #tpu.memory_space<semaphore_mem>>) attributes {dimension_semantics = [#tpu.dimension_semantics<core_parallel>, #tpu.dimension_semantics<subcore_parallel>], iteration_bounds = array<i64: 2, 16>, scalar_prefetch = 0 : i64, scratch_operands = 3 : i64, tpu.core_type = #tpu.core_type<sc_vector_subcore>, window_params = [{transform_indices = #map}, {transform_indices = #map1}, {transform_indices = #map}]} {
    %mul3A = arith.constant 2 : i32
    %mul3A_0 = arith.muli %arg1, %mul3A : i32
    %add3A = arith.addi %mul3A_0, %arg0 : i32
    %mul3A_1 = arith.constant 512 : i32
    %mul3A_2 = arith.muli %add3A, %mul3A_1 : i32
    %scan3A = arith.constant 0 : i32
    %scan3A_3 = arith.constant 0 : i32
    %scan3A_4 = arith.constant 4 : i32
    %scan3A_5 = arith.addi %scan3A_3, %scan3A_4 : i32
    %scan3A_6 = arith.constant 1 : i32
    scf.for %scan3A_8 = %scan3A_3 to %scan3A_5 step %scan3A_6  : i32 {
      %mul3A_9 = arith.constant 128 : i32
      %mul3A_10 = arith.muli %scan3A_8, %mul3A_9 : i32
      %add3A_11 = arith.addi %mul3A_2, %mul3A_10 : i32
      "tpu.region"() ({
        %run_scoped3A = tpu.sem_alloc : memref<!tpu.dma_semaphore, #tpu.memory_space<semaphore_mem>>
        %dma_start3A_16 = tpu.memref_slice %arg3[%add3A_11] : memref<16384xi32, #tpu.memory_space<hbm>> -> memref<128xi32, #tpu.memory_space<hbm>>
        %dma_start3A_17 = tpu.memref_slice %arg3[%add3A_11] : memref<16384xi32, #tpu.memory_space<hbm>> -> memref<128xi32, #tpu.memory_space<hbm>>
        tpu.enqueue_dma source(%dma_start3A_17 : memref<128xi32, #tpu.memory_space<hbm>>) target(%arg5 : memref<128xi32, #tpu.memory_space<vmem>>) target_semaphore(%run_scoped3A : memref<!tpu.dma_semaphore, #tpu.memory_space<semaphore_mem>>)
        %dma_wait3A_18 = tpu.memref_slice %arg3[%add3A_11] : memref<16384xi32, #tpu.memory_space<hbm>> -> memref<128xi32, #tpu.memory_space<hbm>>
        %dma_wait3A_19 = tpu.memref_slice %arg3[%add3A_11] : memref<16384xi32, #tpu.memory_space<hbm>> -> memref<128xi32, #tpu.memory_space<hbm>>
        tpu.wait_dma2 semaphore(%run_scoped3A : memref<!tpu.dma_semaphore, #tpu.memory_space<semaphore_mem>>) src(%dma_wait3A_19 : memref<128xi32, #tpu.memory_space<hbm>>) dst(%arg5 : memref<128xi32, #tpu.memory_space<vmem>>)
        tpu.yield
      }) : () -> ()
      %dma_start3A = arith.constant 0 : i32
      %dma_start3A_12 = arith.constant 0 : i32
      %dma_start3A_13 = tpu.memref_slice %arg2[%dma_start3A, %dma_start3A_12] : memref<8192x256xf32, #tpu.memory_space<hbm>> -> memref<8192x256xf32, #tpu.memory_space<hbm>>
      tpu.enqueue_indirect_dma source(%dma_start3A_13 : memref<8192x256xf32, #tpu.memory_space<hbm>>) target(%arg6 : memref<128x256xf32, #tpu.memory_space<vmem>>) offsets(%arg5 : memref<128xi32, #tpu.memory_space<vmem>>) semaphore(%arg7 : memref<!tpu.dma_semaphore, #tpu.memory_space<semaphore_mem>>)
      %dma_wait3A = arith.constant 0 : i32
      %dma_wait3A_14 = arith.constant 0 : i32
      %dma_wait3A_15 = tpu.memref_slice %arg2[%dma_wait3A, %dma_wait3A_14] : memref<8192x256xf32, #tpu.memory_space<hbm>> -> memref<8192x256xf32, #tpu.memory_space<hbm>>
      tpu.wait_indirect_dma semaphore(%arg7 : memref<!tpu.dma_semaphore, #tpu.memory_space<semaphore_mem>>) src(%dma_wait3A_15 : memref<8192x256xf32, #tpu.memory_space<hbm>>) dst(%arg6 : memref<128x256xf32, #tpu.memory_space<vmem>>)
      "tpu.region"() ({
        %run_scoped3A = tpu.sem_alloc : memref<!tpu.dma_semaphore, #tpu.memory_space<semaphore_mem>>
        %dma_start3A_16 = arith.constant 0 : i32
        %dma_start3A_17 = tpu.memref_slice %arg4[%add3A_11, %dma_start3A_16] : memref<16384x256xf32, #tpu.memory_space<hbm>> -> memref<128x256xf32, #tpu.memory_space<hbm>>
        %dma_start3A_18 = arith.constant 0 : i32
        %dma_start3A_19 = tpu.memref_slice %arg4[%add3A_11, %dma_start3A_18] : memref<16384x256xf32, #tpu.memory_space<hbm>> -> memref<128x256xf32, #tpu.memory_space<hbm>>
        tpu.enqueue_dma source(%arg6 : memref<128x256xf32, #tpu.memory_space<vmem>>) target(%dma_start3A_19 : memref<128x256xf32, #tpu.memory_space<hbm>>) target_semaphore(%run_scoped3A : memref<!tpu.dma_semaphore, #tpu.memory_space<semaphore_mem>>)
        %dma_wait3A_20 = arith.constant 0 : i32
        %dma_wait3A_21 = tpu.memref_slice %arg4[%add3A_11, %dma_wait3A_20] : memref<16384x256xf32, #tpu.memory_space<hbm>> -> memref<128x256xf32, #tpu.memory_space<hbm>>
        %dma_wait3A_22 = arith.constant 0 : i32
        %dma_wait3A_23 = tpu.memref_slice %arg4[%add3A_11, %dma_wait3A_22] : memref<16384x256xf32, #tpu.memory_space<hbm>> -> memref<128x256xf32, #tpu.memory_space<hbm>>
        tpu.wait_dma2 semaphore(%run_scoped3A : memref<!tpu.dma_semaphore, #tpu.memory_space<semaphore_mem>>) src(%arg6 : memref<128x256xf32, #tpu.memory_space<vmem>>) dst(%dma_wait3A_23 : memref<128x256xf32, #tpu.memory_space<hbm>>)
        tpu.yield
      }) : () -> ()
    }
    %scan3A_7 = arith.constant 4 : i32
    return
  }
}

#map = affine_map<(d0, d1) -> (0, 0)>
#map1 = affine_map<(d0, d1) -> (0)>
module attributes {stable_mosaic.version = 14 : i64} {
  func.func @gk(%arg0: i32, %arg1: i32, %arg2: memref<8192x256xf32, #tpu.memory_space<hbm>>, %arg3: memref<16384xi32, #tpu.memory_space<hbm>>, %arg4: memref<16384x256xf32, #tpu.memory_space<hbm>>, %arg5: memref<128xi32, #tpu.memory_space<vmem>>, %arg6: memref<128x256xf32, #tpu.memory_space<vmem>>, %arg7: memref<!tpu.dma_semaphore, #tpu.memory_space<semaphore_mem>>) attributes {dimension_semantics = [#tpu.dimension_semantics<core_parallel>, #tpu.dimension_semantics<subcore_parallel>], iteration_bounds = array<i64: 2, 16>, scalar_prefetch = 0 : i64, scratch_operands = 3 : i64, tpu.core_type = #tpu.core_type<sc_vector_subcore>, window_params = [{transform_indices = #map}, {transform_indices = #map1}, {transform_indices = #map}]} {
    %mul3A = arith.constant 2 : i32
    %mul3A_0 = arith.muli %arg1, %mul3A : i32
    %add3A = arith.addi %mul3A_0, %arg0 : i32
    %mul3A_1 = arith.constant 512 : i32
    %mul3A_2 = arith.muli %add3A, %mul3A_1 : i32
    %scan3A = arith.constant 0 : i32
    %scan3A_3 = arith.constant 0 : i32
    %scan3A_4 = arith.constant 4 : i32
    %scan3A_5 = arith.addi %scan3A_3, %scan3A_4 : i32
    %scan3A_6 = arith.constant 1 : i32
    scf.for %scan3A_8 = %scan3A_3 to %scan3A_5 step %scan3A_6  : i32 {
      %mul3A_9 = arith.constant 128 : i32
      %mul3A_10 = arith.muli %scan3A_8, %mul3A_9 : i32
      %add3A_11 = arith.addi %mul3A_2, %mul3A_10 : i32
      "tpu.region"() ({
        %run_scoped3A = tpu.sem_alloc : memref<!tpu.dma_semaphore, #tpu.memory_space<semaphore_mem>>
        %dma_start3A_16 = tpu.memref_slice %arg3[%add3A_11] : memref<16384xi32, #tpu.memory_space<hbm>> -> memref<128xi32, #tpu.memory_space<hbm>>
        %dma_start3A_17 = tpu.memref_slice %arg3[%add3A_11] : memref<16384xi32, #tpu.memory_space<hbm>> -> memref<128xi32, #tpu.memory_space<hbm>>
        tpu.enqueue_dma source(%dma_start3A_17 : memref<128xi32, #tpu.memory_space<hbm>>) target(%arg5 : memref<128xi32, #tpu.memory_space<vmem>>) target_semaphore(%run_scoped3A : memref<!tpu.dma_semaphore, #tpu.memory_space<semaphore_mem>>)
        %dma_wait3A_18 = tpu.memref_slice %arg3[%add3A_11] : memref<16384xi32, #tpu.memory_space<hbm>> -> memref<128xi32, #tpu.memory_space<hbm>>
        %dma_wait3A_19 = tpu.memref_slice %arg3[%add3A_11] : memref<16384xi32, #tpu.memory_space<hbm>> -> memref<128xi32, #tpu.memory_space<hbm>>
        tpu.wait_dma2 semaphore(%run_scoped3A : memref<!tpu.dma_semaphore, #tpu.memory_space<semaphore_mem>>) src(%dma_wait3A_19 : memref<128xi32, #tpu.memory_space<hbm>>) dst(%arg5 : memref<128xi32, #tpu.memory_space<vmem>>)
        tpu.yield
      }) : () -> ()
      %dma_start3A = arith.constant 0 : i32
      %dma_start3A_12 = arith.constant 0 : i32
      %dma_start3A_13 = tpu.memref_slice %arg2[%dma_start3A, %dma_start3A_12] : memref<8192x256xf32, #tpu.memory_space<hbm>> -> memref<8192x256xf32, #tpu.memory_space<hbm>>
      tpu.enqueue_indirect_dma source(%dma_start3A_13 : memref<8192x256xf32, #tpu.memory_space<hbm>>) target(%arg6 : memref<128x256xf32, #tpu.memory_space<vmem>>) offsets(%arg5 : memref<128xi32, #tpu.memory_space<vmem>>) semaphore(%arg7 : memref<!tpu.dma_semaphore, #tpu.memory_space<semaphore_mem>>)
      %dma_wait3A = arith.constant 0 : i32
      %dma_wait3A_14 = arith.constant 0 : i32
      %dma_wait3A_15 = tpu.memref_slice %arg2[%dma_wait3A, %dma_wait3A_14] : memref<8192x256xf32, #tpu.memory_space<hbm>> -> memref<8192x256xf32, #tpu.memory_space<hbm>>
      tpu.wait_indirect_dma semaphore(%arg7 : memref<!tpu.dma_semaphore, #tpu.memory_space<semaphore_mem>>) src(%dma_wait3A_15 : memref<8192x256xf32, #tpu.memory_space<hbm>>) dst(%arg6 : memref<128x256xf32, #tpu.memory_space<vmem>>)
      "tpu.region"() ({
        %run_scoped3A = tpu.sem_alloc : memref<!tpu.dma_semaphore, #tpu.memory_space<semaphore_mem>>
        %dma_start3A_16 = arith.constant 0 : i32
        %dma_start3A_17 = tpu.memref_slice %arg4[%add3A_11, %dma_start3A_16] : memref<16384x256xf32, #tpu.memory_space<hbm>> -> memref<128x256xf32, #tpu.memory_space<hbm>>
        %dma_start3A_18 = arith.constant 0 : i32
        %dma_start3A_19 = tpu.memref_slice %arg4[%add3A_11, %dma_start3A_18] : memref<16384x256xf32, #tpu.memory_space<hbm>> -> memref<128x256xf32, #tpu.memory_space<hbm>>
        tpu.enqueue_dma source(%arg6 : memref<128x256xf32, #tpu.memory_space<vmem>>) target(%dma_start3A_19 : memref<128x256xf32, #tpu.memory_space<hbm>>) target_semaphore(%run_scoped3A : memref<!tpu.dma_semaphore, #tpu.memory_space<semaphore_mem>>)
        %dma_wait3A_20 = arith.constant 0 : i32
        %dma_wait3A_21 = tpu.memref_slice %arg4[%add3A_11, %dma_wait3A_20] : memref<16384x256xf32, #tpu.memory_space<hbm>> -> memref<128x256xf32, #tpu.memory_space<hbm>>
        %dma_wait3A_22 = arith.constant 0 : i32
        %dma_wait3A_23 = tpu.memref_slice %arg4[%add3A_11, %dma_wait3A_22] : memref<16384x256xf32, #tpu.memory_space<hbm>> -> memref<128x256xf32, #tpu.memory_space<hbm>>
        tpu.wait_dma2 semaphore(%run_scoped3A : memref<!tpu.dma_semaphore, #tpu.memory_space<semaphore_mem>>) src(%arg6 : memref<128x256xf32, #tpu.memory_space<vmem>>) dst(%dma_wait3A_23 : memref<128x256xf32, #tpu.memory_space<hbm>>)
        tpu.yield
      }) : () -> ()
    }
    %scan3A_7 = arith.constant 4 : i32
    return
  }
}

module attributes {stable_mosaic.version = 14 : i64} {
  func.func @_dist_argmin_body(%arg0: i32, %arg1: i32, %arg2: memref<2048x256xf32, #tpu.memory_space<vmem>>, %arg3: memref<256x512xf32, #tpu.memory_space<vmem>>, %arg4: memref<1x1x2048xi32, #tpu.memory_space<vmem>>, %arg5: memref<2048x128xf32, #tpu.memory_space<vmem>>, %arg6: memref<2048x128xi32, #tpu.memory_space<vmem>>, %arg7: memref<2048x128xf32, #tpu.memory_space<vmem>>, %arg8: memref<2048x128xi32, #tpu.memory_space<vmem>>, %arg9: memref<2048x128xf32, #tpu.memory_space<vmem>>, %arg10: memref<2048x128xi32, #tpu.memory_space<vmem>>, %arg11: memref<2048x128xf32, #tpu.memory_space<vmem>>, %arg12: memref<2048x128xi32, #tpu.memory_space<vmem>>) attributes {dimension_semantics = [#tpu.dimension_semantics<arbitrary>, #tpu.dimension_semantics<arbitrary>], iteration_bounds = array<i64: 8, 16>, scalar_prefetch = 0 : i64, scratch_operands = 8 : i64, tpu.core_type = #tpu.core_type<tc>, window_params = [{transform_indices = @transform_0, window_bounds = array<i64: 2048, 256>}, {transform_indices = @transform_1, window_bounds = array<i64: 256, 512>}, {transform_indices = @transform_2, window_bounds = array<i64: 1, 1, 2048>}]} {
    %eq3A = arith.constant 0 : i32
    %eq3A_0 = arith.cmpi eq, %arg1, %eq3A : i32
    %convert_element_type3A = arith.extui %eq3A_0 : i1 to i32
    %cond3A = arith.constant 0 : i32
    %cond3A_1 = arith.cmpi ne, %convert_element_type3A, %cond3A : i32
    scf.if %cond3A_1 {
      %broadcast_in_dim3A = arith.constant 0x7F800000 : f32
      %broadcast_in_dim3A_35 = vector.broadcast %broadcast_in_dim3A : f32 to vector<2048x128xf32>
      %swap3A = arith.constant 0 : index
      %swap3A_36 = arith.constant 0 : index
      %swap3A_37 = vector.load %arg5[%swap3A, %swap3A_36] : memref<2048x128xf32, #tpu.memory_space<vmem>>, vector<2048x128xf32>
      tpu.vector_store %arg5[%swap3A, %swap3A_36], %broadcast_in_dim3A_35 {strides = array<i32>} : memref<2048x128xf32, #tpu.memory_space<vmem>>, vector<2048x128xf32>,
      %broadcast_in_dim3A_38 = arith.constant 0 : i32
      %broadcast_in_dim3A_39 = vector.broadcast %broadcast_in_dim3A_38 : i32 to vector<2048x128xi32>
      %swap3A_40 = arith.constant 0 : index
      %swap3A_41 = arith.constant 0 : index
      %swap3A_42 = vector.load %arg6[%swap3A_40, %swap3A_41] : memref<2048x128xi32, #tpu.memory_space<vmem>>, vector<2048x128xi32>
      tpu.vector_store %arg6[%swap3A_40, %swap3A_41], %broadcast_in_dim3A_39 {strides = array<i32>} : memref<2048x128xi32, #tpu.memory_space<vmem>>, vector<2048x128xi32>,
      %broadcast_in_dim3A_43 = arith.constant 0x7F800000 : f32
      %broadcast_in_dim3A_44 = vector.broadcast %broadcast_in_dim3A_43 : f32 to vector<2048x128xf32>
      %swap3A_45 = arith.constant 0 : index
      %swap3A_46 = arith.constant 0 : index
      %swap3A_47 = vector.load %arg7[%swap3A_45, %swap3A_46] : memref<2048x128xf32, #tpu.memory_space<vmem>>, vector<2048x128xf32>
      tpu.vector_store %arg7[%swap3A_45, %swap3A_46], %broadcast_in_dim3A_44 {strides = array<i32>} : memref<2048x128xf32, #tpu.memory_space<vmem>>, vector<2048x128xf32>,
      %broadcast_in_dim3A_48 = arith.constant 0 : i32
      %broadcast_in_dim3A_49 = vector.broadcast %broadcast_in_dim3A_48 : i32 to vector<2048x128xi32>
      %swap3A_50 = arith.constant 0 : index
      %swap3A_51 = arith.constant 0 : index
      %swap3A_52 = vector.load %arg8[%swap3A_50, %swap3A_51] : memref<2048x128xi32, #tpu.memory_space<vmem>>, vector<2048x128xi32>
      tpu.vector_store %arg8[%swap3A_50, %swap3A_51], %broadcast_in_dim3A_49 {strides = array<i32>} : memref<2048x128xi32, #tpu.memory_space<vmem>>, vector<2048x128xi32>,
      %broadcast_in_dim3A_53 = arith.constant 0x7F800000 : f32
      %broadcast_in_dim3A_54 = vector.broadcast %broadcast_in_dim3A_53 : f32 to vector<2048x128xf32>
      %swap3A_55 = arith.constant 0 : index
      %swap3A_56 = arith.constant 0 : index
      %swap3A_57 = vector.load %arg9[%swap3A_55, %swap3A_56] : memref<2048x128xf32, #tpu.memory_space<vmem>>, vector<2048x128xf32>
      tpu.vector_store %arg9[%swap3A_55, %swap3A_56], %broadcast_in_dim3A_54 {strides = array<i32>} : memref<2048x128xf32, #tpu.memory_space<vmem>>, vector<2048x128xf32>,
      %broadcast_in_dim3A_58 = arith.constant 0 : i32
      %broadcast_in_dim3A_59 = vector.broadcast %broadcast_in_dim3A_58 : i32 to vector<2048x128xi32>
      %swap3A_60 = arith.constant 0 : index
      %swap3A_61 = arith.constant 0 : index
      %swap3A_62 = vector.load %arg10[%swap3A_60, %swap3A_61] : memref<2048x128xi32, #tpu.memory_space<vmem>>, vector<2048x128xi32>
      tpu.vector_store %arg10[%swap3A_60, %swap3A_61], %broadcast_in_dim3A_59 {strides = array<i32>} : memref<2048x128xi32, #tpu.memory_space<vmem>>, vector<2048x128xi32>,
      %broadcast_in_dim3A_63 = arith.constant 0x7F800000 : f32
      %broadcast_in_dim3A_64 = vector.broadcast %broadcast_in_dim3A_63 : f32 to vector<2048x128xf32>
      %swap3A_65 = arith.constant 0 : index
      %swap3A_66 = arith.constant 0 : index
      %swap3A_67 = vector.load %arg11[%swap3A_65, %swap3A_66] : memref<2048x128xf32, #tpu.memory_space<vmem>>, vector<2048x128xf32>
      tpu.vector_store %arg11[%swap3A_65, %swap3A_66], %broadcast_in_dim3A_64 {strides = array<i32>} : memref<2048x128xf32, #tpu.memory_space<vmem>>, vector<2048x128xf32>,
      %broadcast_in_dim3A_68 = arith.constant 0 : i32
      %broadcast_in_dim3A_69 = vector.broadcast %broadcast_in_dim3A_68 : i32 to vector<2048x128xi32>
      %swap3A_70 = arith.constant 0 : index
      %swap3A_71 = arith.constant 0 : index
      %swap3A_72 = vector.load %arg12[%swap3A_70, %swap3A_71] : memref<2048x128xi32, #tpu.memory_space<vmem>>, vector<2048x128xi32>
      tpu.vector_store %arg12[%swap3A_70, %swap3A_71], %broadcast_in_dim3A_69 {strides = array<i32>} : memref<2048x128xi32, #tpu.memory_space<vmem>>, vector<2048x128xi32>,
    } else {
    }
    %get3A = arith.constant 0 : index
    %get3A_2 = arith.constant 0 : index
    %get3A_3 = vector.load %arg2[%get3A, %get3A_2] : memref<2048x256xf32, #tpu.memory_space<vmem>>, vector<2048x256xf32>
    %get3A_4 = arith.constant 0 : index
    %get3A_5 = arith.constant 0 : index
    %get3A_6 = vector.load %arg3[%get3A_4, %get3A_5] : memref<256x512xf32, #tpu.memory_space<vmem>>, vector<256x512xf32>
    %dot_general3A = arith.constant dense<0.000000e+00> : vector<2048x512xf32>
    %dot_general3A_7 = tpu.matmul %get3A_3, %get3A_6, %dot_general3A {dimension_numbers = #tpu.dot_dimension_numbers<[1], [0], [0], [1], [0, 0, 1, 1], [], []>, transpose_lhs_hint = false} : vector<2048x256xf32>, vector<256x512xf32>, vector<2048x512xf32> -> vector<2048x512xf32>
    %rem3A = arith.constant 4 : i32
    %rem3A_8 = arith.remsi %arg1, %rem3A : i32
    %div3A = arith.constant 4 : i32
    %div3A_9 = arith.divsi %arg1, %div3A : i32
    %eq3A_10 = arith.constant 0 : i32
    %eq3A_11 = arith.cmpi eq, %div3A_9, %eq3A_10 : i32
    %convert_element_type3A_12 = arith.extui %eq3A_11 : i1 to i32
    %cond3A_13 = arith.constant 0 : i32
    %cond3A_14 = arith.cmpi ne, %convert_element_type3A_12, %cond3A_13 : i32
    scf.if %cond3A_14 {
      %get3A_35 = arith.constant 0 : index
      %get3A_36 = arith.constant 0 : index
      %get3A_37 = vector.load %arg5[%get3A_35, %get3A_36] : memref<2048x128xf32, #tpu.memory_space<vmem>>, vector<2048x128xf32>
      %get3A_38 = arith.constant 0 : index
      %get3A_39 = arith.constant 0 : index
      %get3A_40 = vector.load %arg6[%get3A_38, %get3A_39] : memref<2048x128xi32, #tpu.memory_space<vmem>>, vector<2048x128xi32>
      %slice3A = vector.extract_strided_slice %dot_general3A_7 {offsets = [0, 0], sizes = [2048, 128], strides = [1, 1]} : vector<2048x512xf32> to vector<2048x128xf32>
      %sub3A = arith.constant 1.000000e+00 : f32
      %sub3A_41 = vector.broadcast %sub3A : f32 to vector<2048x128xf32>
      %sub3A_42 = arith.subf %sub3A_41, %slice3A : vector<2048x128xf32>
      %mul3A = arith.constant 4 : i32
      %mul3A_43 = arith.muli %rem3A_8, %mul3A : i32
      %add3A = arith.constant 0 : i32
      %add3A_44 = arith.addi %mul3A_43, %add3A : i32
      %lt3A = arith.cmpf olt, %sub3A_42, %get3A_37 : vector<2048x128xf32>
      %broadcast_in_dim3A = vector.broadcast %add3A_44 : i32 to vector<2048x128xi32>
      %select_n3A = arith.select %lt3A, %broadcast_in_dim3A, %get3A_40 : vector<2048x128xi1>, vector<2048x128xi32>
      %select_n3A_45 = arith.select %lt3A, %sub3A_42, %get3A_37 : vector<2048x128xi1>, vector<2048x128xf32>
      %slice3A_46 = vector.extract_strided_slice %dot_general3A_7 {offsets = [0, 128], sizes = [2048, 128], strides = [1, 1]} : vector<2048x512xf32> to vector<2048x128xf32>
      %sub3A_47 = arith.constant 1.000000e+00 : f32
      %sub3A_48 = vector.broadcast %sub3A_47 : f32 to vector<2048x128xf32>
      %sub3A_49 = arith.subf %sub3A_48, %slice3A_46 : vector<2048x128xf32>
      %mul3A_50 = arith.constant 4 : i32
      %mul3A_51 = arith.muli %rem3A_8, %mul3A_50 : i32
      %add3A_52 = arith.constant 1 : i32
      %add3A_53 = arith.addi %mul3A_51, %add3A_52 : i32
      %lt3A_54 = arith.cmpf olt, %sub3A_49, %select_n3A_45 : vector<2048x128xf32>
      %broadcast_in_dim3A_55 = vector.broadcast %add3A_53 : i32 to vector<2048x128xi32>
      %select_n3A_56 = arith.select %lt3A_54, %broadcast_in_dim3A_55, %select_n3A : vector<2048x128xi1>, vector<2048x128xi32>
      %select_n3A_57 = arith.select %lt3A_54, %sub3A_49, %select_n3A_45 : vector<2048x128xi1>, vector<2048x128xf32>
      %slice3A_58 = vector.extract_strided_slice %dot_general3A_7 {offsets = [0, 256], sizes = [2048, 128], strides = [1, 1]} : vector<2048x512xf32> to vector<2048x128xf32>
      %sub3A_59 = arith.constant 1.000000e+00 : f32
      %sub3A_60 = vector.broadcast %sub3A_59 : f32 to vector<2048x128xf32>
      %sub3A_61 = arith.subf %sub3A_60, %slice3A_58 : vector<2048x128xf32>
      %mul3A_62 = arith.constant 4 : i32
      %mul3A_63 = arith.muli %rem3A_8, %mul3A_62 : i32
      %add3A_64 = arith.constant 2 : i32
      %add3A_65 = arith.addi %mul3A_63, %add3A_64 : i32
      %lt3A_66 = arith.cmpf olt, %sub3A_61, %select_n3A_57 : vector<2048x128xf32>
      %broadcast_in_dim3A_67 = vector.broadcast %add3A_65 : i32 to vector<2048x128xi32>
      %select_n3A_68 = arith.select %lt3A_66, %broadcast_in_dim3A_67, %select_n3A_56 : vector<2048x128xi1>, vector<2048x128xi32>
      %select_n3A_69 = arith.select %lt3A_66, %sub3A_61, %select_n3A_57 : vector<2048x128xi1>, vector<2048x128xf32>
      %slice3A_70 = vector.extract_strided_slice %dot_general3A_7 {offsets = [0, 384], sizes = [2048, 128], strides = [1, 1]} : vector<2048x512xf32> to vector<2048x128xf32>
      %sub3A_71 = arith.constant 1.000000e+00 : f32
      %sub3A_72 = vector.broadcast %sub3A_71 : f32 to vector<2048x128xf32>
      %sub3A_73 = arith.subf %sub3A_72, %slice3A_70 : vector<2048x128xf32>
      %mul3A_74 = arith.constant 4 : i32
      %mul3A_75 = arith.muli %rem3A_8, %mul3A_74 : i32
      %add3A_76 = arith.constant 3 : i32
      %add3A_77 = arith.addi %mul3A_75, %add3A_76 : i32
      %lt3A_78 = arith.cmpf olt, %sub3A_73, %select_n3A_69 : vector<2048x128xf32>
      %broadcast_in_dim3A_79 = vector.broadcast %add3A_77 : i32 to vector<2048x128xi32>
      %select_n3A_80 = arith.select %lt3A_78, %broadcast_in_dim3A_79, %select_n3A_68 : vector<2048x128xi1>, vector<2048x128xi32>
      %select_n3A_81 = arith.select %lt3A_78, %sub3A_73, %select_n3A_69 : vector<2048x128xi1>, vector<2048x128xf32>
      %swap3A = arith.constant 0 : index
      %swap3A_82 = arith.constant 0 : index
      %swap3A_83 = vector.load %arg5[%swap3A, %swap3A_82] : memref<2048x128xf32, #tpu.memory_space<vmem>>, vector<2048x128xf32>
      tpu.vector_store %arg5[%swap3A, %swap3A_82], %select_n3A_81 {strides = array<i32>} : memref<2048x128xf32, #tpu.memory_space<vmem>>, vector<2048x128xf32>,
      %swap3A_84 = arith.constant 0 : index
      %swap3A_85 = arith.constant 0 : index
      %swap3A_86 = vector.load %arg6[%swap3A_84, %swap3A_85] : memref<2048x128xi32, #tpu.memory_space<vmem>>, vector<2048x128xi32>
      tpu.vector_store %arg6[%swap3A_84, %swap3A_85], %select_n3A_80 {strides = array<i32>} : memref<2048x128xi32, #tpu.memory_space<vmem>>, vector<2048x128xi32>,
    } else {
    }
    %eq3A_15 = arith.constant 1 : i32
    %eq3A_16 = arith.cmpi eq, %div3A_9, %eq3A_15 : i32
    %convert_element_type3A_17 = arith.extui %eq3A_16 : i1 to i32
    %cond3A_18 = arith.constant 0 : i32
    %cond3A_19 = arith.cmpi ne, %convert_element_type3A_17, %cond3A_18 : i32
    scf.if %cond3A_19 {
      %get3A_35 = arith.constant 0 : index
      %get3A_36 = arith.constant 0 : index
      %get3A_37 = vector.load %arg7[%get3A_35, %get3A_36] : memref<2048x128xf32, #tpu.memory_space<vmem>>, vector<2048x128xf32>
      %get3A_38 = arith.constant 0 : index
      %get3A_39 = arith.constant 0 : index
      %get3A_40 = vector.load %arg8[%get3A_38, %get3A_39] : memref<2048x128xi32, #tpu.memory_space<vmem>>, vector<2048x128xi32>
      %slice3A = vector.extract_strided_slice %dot_general3A_7 {offsets = [0, 0], sizes = [2048, 128], strides = [1, 1]} : vector<2048x512xf32> to vector<2048x128xf32>
      %sub3A = arith.constant 1.000000e+00 : f32
      %sub3A_41 = vector.broadcast %sub3A : f32 to vector<2048x128xf32>
      %sub3A_42 = arith.subf %sub3A_41, %slice3A : vector<2048x128xf32>
      %mul3A = arith.constant 4 : i32
      %mul3A_43 = arith.muli %rem3A_8, %mul3A : i32
      %add3A = arith.constant 0 : i32
      %add3A_44 = arith.addi %mul3A_43, %add3A : i32
      %lt3A = arith.cmpf olt, %sub3A_42, %get3A_37 : vector<2048x128xf32>
      %broadcast_in_dim3A = vector.broadcast %add3A_44 : i32 to vector<2048x128xi32>
      %select_n3A = arith.select %lt3A, %broadcast_in_dim3A, %get3A_40 : vector<2048x128xi1>, vector<2048x128xi32>
      %select_n3A_45 = arith.select %lt3A, %sub3A_42, %get3A_37 : vector<2048x128xi1>, vector<2048x128xf32>
      %slice3A_46 = vector.extract_strided_slice %dot_general3A_7 {offsets = [0, 128], sizes = [2048, 128], strides = [1, 1]} : vector<2048x512xf32> to vector<2048x128xf32>
      %sub3A_47 = arith.constant 1.000000e+00 : f32
      %sub3A_48 = vector.broadcast %sub3A_47 : f32 to vector<2048x128xf32>
      %sub3A_49 = arith.subf %sub3A_48, %slice3A_46 : vector<2048x128xf32>
      %mul3A_50 = arith.constant 4 : i32
      %mul3A_51 = arith.muli %rem3A_8, %mul3A_50 : i32
      %add3A_52 = arith.constant 1 : i32
      %add3A_53 = arith.addi %mul3A_51, %add3A_52 : i32
      %lt3A_54 = arith.cmpf olt, %sub3A_49, %select_n3A_45 : vector<2048x128xf32>
      %broadcast_in_dim3A_55 = vector.broadcast %add3A_53 : i32 to vector<2048x128xi32>
      %select_n3A_56 = arith.select %lt3A_54, %broadcast_in_dim3A_55, %select_n3A : vector<2048x128xi1>, vector<2048x128xi32>
      %select_n3A_57 = arith.select %lt3A_54, %sub3A_49, %select_n3A_45 : vector<2048x128xi1>, vector<2048x128xf32>
      %slice3A_58 = vector.extract_strided_slice %dot_general3A_7 {offsets = [0, 256], sizes = [2048, 128], strides = [1, 1]} : vector<2048x512xf32> to vector<2048x128xf32>
      %sub3A_59 = arith.constant 1.000000e+00 : f32
      %sub3A_60 = vector.broadcast %sub3A_59 : f32 to vector<2048x128xf32>
      %sub3A_61 = arith.subf %sub3A_60, %slice3A_58 : vector<2048x128xf32>
      %mul3A_62 = arith.constant 4 : i32
      %mul3A_63 = arith.muli %rem3A_8, %mul3A_62 : i32
      %add3A_64 = arith.constant 2 : i32
      %add3A_65 = arith.addi %mul3A_63, %add3A_64 : i32
      %lt3A_66 = arith.cmpf olt, %sub3A_61, %select_n3A_57 : vector<2048x128xf32>
      %broadcast_in_dim3A_67 = vector.broadcast %add3A_65 : i32 to vector<2048x128xi32>
      %select_n3A_68 = arith.select %lt3A_66, %broadcast_in_dim3A_67, %select_n3A_56 : vector<2048x128xi1>, vector<2048x128xi32>
      %select_n3A_69 = arith.select %lt3A_66, %sub3A_61, %select_n3A_57 : vector<2048x128xi1>, vector<2048x128xf32>
      %slice3A_70 = vector.extract_strided_slice %dot_general3A_7 {offsets = [0, 384], sizes = [2048, 128], strides = [1, 1]} : vector<2048x512xf32> to vector<2048x128xf32>
      %sub3A_71 = arith.constant 1.000000e+00 : f32
      %sub3A_72 = vector.broadcast %sub3A_71 : f32 to vector<2048x128xf32>
      %sub3A_73 = arith.subf %sub3A_72, %slice3A_70 : vector<2048x128xf32>
      %mul3A_74 = arith.constant 4 : i32
      %mul3A_75 = arith.muli %rem3A_8, %mul3A_74 : i32
      %add3A_76 = arith.constant 3 : i32
      %add3A_77 = arith.addi %mul3A_75, %add3A_76 : i32
      %lt3A_78 = arith.cmpf olt, %sub3A_73, %select_n3A_69 : vector<2048x128xf32>
      %broadcast_in_dim3A_79 = vector.broadcast %add3A_77 : i32 to vector<2048x128xi32>
      %select_n3A_80 = arith.select %lt3A_78, %broadcast_in_dim3A_79, %select_n3A_68 : vector<2048x128xi1>, vector<2048x128xi32>
      %select_n3A_81 = arith.select %lt3A_78, %sub3A_73, %select_n3A_69 : vector<2048x128xi1>, vector<2048x128xf32>
      %swap3A = arith.constant 0 : index
      %swap3A_82 = arith.constant 0 : index
      %swap3A_83 = vector.load %arg7[%swap3A, %swap3A_82] : memref<2048x128xf32, #tpu.memory_space<vmem>>, vector<2048x128xf32>
      tpu.vector_store %arg7[%swap3A, %swap3A_82], %select_n3A_81 {strides = array<i32>} : memref<2048x128xf32, #tpu.memory_space<vmem>>, vector<2048x128xf32>,
      %swap3A_84 = arith.constant 0 : index
      %swap3A_85 = arith.constant 0 : index
      %swap3A_86 = vector.load %arg8[%swap3A_84, %swap3A_85] : memref<2048x128xi32, #tpu.memory_space<vmem>>, vector<2048x128xi32>
      tpu.vector_store %arg8[%swap3A_84, %swap3A_85], %select_n3A_80 {strides = array<i32>} : memref<2048x128xi32, #tpu.memory_space<vmem>>, vector<2048x128xi32>,
    } else {
    }
    %eq3A_20 = arith.constant 2 : i32
    %eq3A_21 = arith.cmpi eq, %div3A_9, %eq3A_20 : i32
    %convert_element_type3A_22 = arith.extui %eq3A_21 : i1 to i32
    %cond3A_23 = arith.constant 0 : i32
    %cond3A_24 = arith.cmpi ne, %convert_element_type3A_22, %cond3A_23 : i32
    scf.if %cond3A_24 {
      %get3A_35 = arith.constant 0 : index
      %get3A_36 = arith.constant 0 : index
      %get3A_37 = vector.load %arg9[%get3A_35, %get3A_36] : memref<2048x128xf32, #tpu.memory_space<vmem>>, vector<2048x128xf32>
      %get3A_38 = arith.constant 0 : index
      %get3A_39 = arith.constant 0 : index
      %get3A_40 = vector.load %arg10[%get3A_38, %get3A_39] : memref<2048x128xi32, #tpu.memory_space<vmem>>, vector<2048x128xi32>
      %slice3A = vector.extract_strided_slice %dot_general3A_7 {offsets = [0, 0], sizes = [2048, 128], strides = [1, 1]} : vector<2048x512xf32> to vector<2048x128xf32>
      %sub3A = arith.constant 1.000000e+00 : f32
      %sub3A_41 = vector.broadcast %sub3A : f32 to vector<2048x128xf32>
      %sub3A_42 = arith.subf %sub3A_41, %slice3A : vector<2048x128xf32>
      %mul3A = arith.constant 4 : i32
      %mul3A_43 = arith.muli %rem3A_8, %mul3A : i32
      %add3A = arith.constant 0 : i32
      %add3A_44 = arith.addi %mul3A_43, %add3A : i32
      %lt3A = arith.cmpf olt, %sub3A_42, %get3A_37 : vector<2048x128xf32>
      %broadcast_in_dim3A = vector.broadcast %add3A_44 : i32 to vector<2048x128xi32>
      %select_n3A = arith.select %lt3A, %broadcast_in_dim3A, %get3A_40 : vector<2048x128xi1>, vector<2048x128xi32>
      %select_n3A_45 = arith.select %lt3A, %sub3A_42, %get3A_37 : vector<2048x128xi1>, vector<2048x128xf32>
      %slice3A_46 = vector.extract_strided_slice %dot_general3A_7 {offsets = [0, 128], sizes = [2048, 128], strides = [1, 1]} : vector<2048x512xf32> to vector<2048x128xf32>
      %sub3A_47 = arith.constant 1.000000e+00 : f32
      %sub3A_48 = vector.broadcast %sub3A_47 : f32 to vector<2048x128xf32>
      %sub3A_49 = arith.subf %sub3A_48, %slice3A_46 : vector<2048x128xf32>
      %mul3A_50 = arith.constant 4 : i32
      %mul3A_51 = arith.muli %rem3A_8, %mul3A_50 : i32
      %add3A_52 = arith.constant 1 : i32
      %add3A_53 = arith.addi %mul3A_51, %add3A_52 : i32
      %lt3A_54 = arith.cmpf olt, %sub3A_49, %select_n3A_45 : vector<2048x128xf32>
      %broadcast_in_dim3A_55 = vector.broadcast %add3A_53 : i32 to vector<2048x128xi32>
      %select_n3A_56 = arith.select %lt3A_54, %broadcast_in_dim3A_55, %select_n3A : vector<2048x128xi1>, vector<2048x128xi32>
      %select_n3A_57 = arith.select %lt3A_54, %sub3A_49, %select_n3A_45 : vector<2048x128xi1>, vector<2048x128xf32>
      %slice3A_58 = vector.extract_strided_slice %dot_general3A_7 {offsets = [0, 256], sizes = [2048, 128], strides = [1, 1]} : vector<2048x512xf32> to vector<2048x128xf32>
      %sub3A_59 = arith.constant 1.000000e+00 : f32
      %sub3A_60 = vector.broadcast %sub3A_59 : f32 to vector<2048x128xf32>
      %sub3A_61 = arith.subf %sub3A_60, %slice3A_58 : vector<2048x128xf32>
      %mul3A_62 = arith.constant 4 : i32
      %mul3A_63 = arith.muli %rem3A_8, %mul3A_62 : i32
      %add3A_64 = arith.constant 2 : i32
      %add3A_65 = arith.addi %mul3A_63, %add3A_64 : i32
      %lt3A_66 = arith.cmpf olt, %sub3A_61, %select_n3A_57 : vector<2048x128xf32>
      %broadcast_in_dim3A_67 = vector.broadcast %add3A_65 : i32 to vector<2048x128xi32>
      %select_n3A_68 = arith.select %lt3A_66, %broadcast_in_dim3A_67, %select_n3A_56 : vector<2048x128xi1>, vector<2048x128xi32>
      %select_n3A_69 = arith.select %lt3A_66, %sub3A_61, %select_n3A_57 : vector<2048x128xi1>, vector<2048x128xf32>
      %slice3A_70 = vector.extract_strided_slice %dot_general3A_7 {offsets = [0, 384], sizes = [2048, 128], strides = [1, 1]} : vector<2048x512xf32> to vector<2048x128xf32>
      %sub3A_71 = arith.constant 1.000000e+00 : f32
      %sub3A_72 = vector.broadcast %sub3A_71 : f32 to vector<2048x128xf32>
      %sub3A_73 = arith.subf %sub3A_72, %slice3A_70 : vector<2048x128xf32>
      %mul3A_74 = arith.constant 4 : i32
      %mul3A_75 = arith.muli %rem3A_8, %mul3A_74 : i32
      %add3A_76 = arith.constant 3 : i32
      %add3A_77 = arith.addi %mul3A_75, %add3A_76 : i32
      %lt3A_78 = arith.cmpf olt, %sub3A_73, %select_n3A_69 : vector<2048x128xf32>
      %broadcast_in_dim3A_79 = vector.broadcast %add3A_77 : i32 to vector<2048x128xi32>
      %select_n3A_80 = arith.select %lt3A_78, %broadcast_in_dim3A_79, %select_n3A_68 : vector<2048x128xi1>, vector<2048x128xi32>
      %select_n3A_81 = arith.select %lt3A_78, %sub3A_73, %select_n3A_69 : vector<2048x128xi1>, vector<2048x128xf32>
      %swap3A = arith.constant 0 : index
      %swap3A_82 = arith.constant 0 : index
      %swap3A_83 = vector.load %arg9[%swap3A, %swap3A_82] : memref<2048x128xf32, #tpu.memory_space<vmem>>, vector<2048x128xf32>
      tpu.vector_store %arg9[%swap3A, %swap3A_82], %select_n3A_81 {strides = array<i32>} : memref<2048x128xf32, #tpu.memory_space<vmem>>, vector<2048x128xf32>,
      %swap3A_84 = arith.constant 0 : index
      %swap3A_85 = arith.constant 0 : index
      %swap3A_86 = vector.load %arg10[%swap3A_84, %swap3A_85] : memref<2048x128xi32, #tpu.memory_space<vmem>>, vector<2048x128xi32>
      tpu.vector_store %arg10[%swap3A_84, %swap3A_85], %select_n3A_80 {strides = array<i32>} : memref<2048x128xi32, #tpu.memory_space<vmem>>, vector<2048x128xi32>,
    } else {
    }
    %eq3A_25 = arith.constant 3 : i32
    %eq3A_26 = arith.cmpi eq, %div3A_9, %eq3A_25 : i32
    %convert_element_type3A_27 = arith.extui %eq3A_26 : i1 to i32
    %cond3A_28 = arith.constant 0 : i32
    %cond3A_29 = arith.cmpi ne, %convert_element_type3A_27, %cond3A_28 : i32
    scf.if %cond3A_29 {
      %get3A_35 = arith.constant 0 : index
      %get3A_36 = arith.constant 0 : index
      %get3A_37 = vector.load %arg11[%get3A_35, %get3A_36] : memref<2048x128xf32, #tpu.memory_space<vmem>>, vector<2048x128xf32>
      %get3A_38 = arith.constant 0 : index
      %get3A_39 = arith.constant 0 : index
      %get3A_40 = vector.load %arg12[%get3A_38, %get3A_39] : memref<2048x128xi32, #tpu.memory_space<vmem>>, vector<2048x128xi32>
      %slice3A = vector.extract_strided_slice %dot_general3A_7 {offsets = [0, 0], sizes = [2048, 128], strides = [1, 1]} : vector<2048x512xf32> to vector<2048x128xf32>
      %sub3A = arith.constant 1.000000e+00 : f32
      %sub3A_41 = vector.broadcast %sub3A : f32 to vector<2048x128xf32>
      %sub3A_42 = arith.subf %sub3A_41, %slice3A : vector<2048x128xf32>
      %mul3A = arith.constant 4 : i32
      %mul3A_43 = arith.muli %rem3A_8, %mul3A : i32
      %add3A = arith.constant 0 : i32
      %add3A_44 = arith.addi %mul3A_43, %add3A : i32
      %lt3A = arith.cmpf olt, %sub3A_42, %get3A_37 : vector<2048x128xf32>
      %broadcast_in_dim3A = vector.broadcast %add3A_44 : i32 to vector<2048x128xi32>
      %select_n3A = arith.select %lt3A, %broadcast_in_dim3A, %get3A_40 : vector<2048x128xi1>, vector<2048x128xi32>
      %select_n3A_45 = arith.select %lt3A, %sub3A_42, %get3A_37 : vector<2048x128xi1>, vector<2048x128xf32>
      %slice3A_46 = vector.extract_strided_slice %dot_general3A_7 {offsets = [0, 128], sizes = [2048, 128], strides = [1, 1]} : vector<2048x512xf32> to vector<2048x128xf32>
      %sub3A_47 = arith.constant 1.000000e+00 : f32
      %sub3A_48 = vector.broadcast %sub3A_47 : f32 to vector<2048x128xf32>
      %sub3A_49 = arith.subf %sub3A_48, %slice3A_46 : vector<2048x128xf32>
      %mul3A_50 = arith.constant 4 : i32
      %mul3A_51 = arith.muli %rem3A_8, %mul3A_50 : i32
      %add3A_52 = arith.constant 1 : i32
      %add3A_53 = arith.addi %mul3A_51, %add3A_52 : i32
      %lt3A_54 = arith.cmpf olt, %sub3A_49, %select_n3A_45 : vector<2048x128xf32>
      %broadcast_in_dim3A_55 = vector.broadcast %add3A_53 : i32 to vector<2048x128xi32>
      %select_n3A_56 = arith.select %lt3A_54, %broadcast_in_dim3A_55, %select_n3A : vector<2048x128xi1>, vector<2048x128xi32>
      %select_n3A_57 = arith.select %lt3A_54, %sub3A_49, %select_n3A_45 : vector<2048x128xi1>, vector<2048x128xf32>
      %slice3A_58 = vector.extract_strided_slice %dot_general3A_7 {offsets = [0, 256], sizes = [2048, 128], strides = [1, 1]} : vector<2048x512xf32> to vector<2048x128xf32>
      %sub3A_59 = arith.constant 1.000000e+00 : f32
      %sub3A_60 = vector.broadcast %sub3A_59 : f32 to vector<2048x128xf32>
      %sub3A_61 = arith.subf %sub3A_60, %slice3A_58 : vector<2048x128xf32>
      %mul3A_62 = arith.constant 4 : i32
      %mul3A_63 = arith.muli %rem3A_8, %mul3A_62 : i32
      %add3A_64 = arith.constant 2 : i32
      %add3A_65 = arith.addi %mul3A_63, %add3A_64 : i32
      %lt3A_66 = arith.cmpf olt, %sub3A_61, %select_n3A_57 : vector<2048x128xf32>
      %broadcast_in_dim3A_67 = vector.broadcast %add3A_65 : i32 to vector<2048x128xi32>
      %select_n3A_68 = arith.select %lt3A_66, %broadcast_in_dim3A_67, %select_n3A_56 : vector<2048x128xi1>, vector<2048x128xi32>
      %select_n3A_69 = arith.select %lt3A_66, %sub3A_61, %select_n3A_57 : vector<2048x128xi1>, vector<2048x128xf32>
      %slice3A_70 = vector.extract_strided_slice %dot_general3A_7 {offsets = [0, 384], sizes = [2048, 128], strides = [1, 1]} : vector<2048x512xf32> to vector<2048x128xf32>
      %sub3A_71 = arith.constant 1.000000e+00 : f32
      %sub3A_72 = vector.broadcast %sub3A_71 : f32 to vector<2048x128xf32>
      %sub3A_73 = arith.subf %sub3A_72, %slice3A_70 : vector<2048x128xf32>
      %mul3A_74 = arith.constant 4 : i32
      %mul3A_75 = arith.muli %rem3A_8, %mul3A_74 : i32
      %add3A_76 = arith.constant 3 : i32
      %add3A_77 = arith.addi %mul3A_75, %add3A_76 : i32
      %lt3A_78 = arith.cmpf olt, %sub3A_73, %select_n3A_69 : vector<2048x128xf32>
      %broadcast_in_dim3A_79 = vector.broadcast %add3A_77 : i32 to vector<2048x128xi32>
      %select_n3A_80 = arith.select %lt3A_78, %broadcast_in_dim3A_79, %select_n3A_68 : vector<2048x128xi1>, vector<2048x128xi32>
      %select_n3A_81 = arith.select %lt3A_78, %sub3A_73, %select_n3A_69 : vector<2048x128xi1>, vector<2048x128xf32>
      %swap3A = arith.constant 0 : index
      %swap3A_82 = arith.constant 0 : index
      %swap3A_83 = vector.load %arg11[%swap3A, %swap3A_82] : memref<2048x128xf32, #tpu.memory_space<vmem>>, vector<2048x128xf32>
      tpu.vector_store %arg11[%swap3A, %swap3A_82], %select_n3A_81 {strides = array<i32>} : memref<2048x128xf32, #tpu.memory_space<vmem>>, vector<2048x128xf32>,
      %swap3A_84 = arith.constant 0 : index
      %swap3A_85 = arith.constant 0 : index
      %swap3A_86 = vector.load %arg12[%swap3A_84, %swap3A_85] : memref<2048x128xi32, #tpu.memory_space<vmem>>, vector<2048x128xi32>
      tpu.vector_store %arg12[%swap3A_84, %swap3A_85], %select_n3A_80 {strides = array<i32>} : memref<2048x128xi32, #tpu.memory_space<vmem>>, vector<2048x128xi32>,
    } else {
    }
    %eq3A_30 = arith.constant 15 : i32
    %eq3A_31 = arith.cmpi eq, %arg1, %eq3A_30 : i32
    %convert_element_type3A_32 = arith.extui %eq3A_31 : i1 to i32
    %cond3A_33 = arith.constant 0 : i32
    %cond3A_34 = arith.cmpi ne, %convert_element_type3A_32, %cond3A_33 : i32
    scf.if %cond3A_34 {
      %iota3A = tpu.iota {dimensions = array<i32: 1>} : vector<2048x128xi32>
      %get3A_35 = arith.constant 0 : index
      %get3A_36 = arith.constant 0 : index
      %get3A_37 = vector.load %arg5[%get3A_35, %get3A_36] : memref<2048x128xf32, #tpu.memory_space<vmem>>, vector<2048x128xf32>
      %get3A_38 = arith.constant 0 : index
      %get3A_39 = arith.constant 0 : index
      %get3A_40 = vector.load %arg6[%get3A_38, %get3A_39] : memref<2048x128xi32, #tpu.memory_space<vmem>>, vector<2048x128xi32>
      %mul3A = arith.constant 128 : i32
      %mul3A_41 = vector.broadcast %mul3A : i32 to vector<2048x128xi32>
      %mul3A_42 = arith.muli %get3A_40, %mul3A_41 : vector<2048x128xi32>
      %add3A = arith.addi %mul3A_42, %iota3A : vector<2048x128xi32>
      %reduce_min3A = arith.constant dense<0x7F800000> : vector<2048xf32>
      %reduce_min3A_43 = vector.multi_reduction <minimumf>, %get3A_37, %reduce_min3A [1] : vector<2048x128xf32> to vector<2048xf32>
      %broadcast_in_dim3A = vector.shape_cast %reduce_min3A_43 : vector<2048xf32> to vector<2048x1xf32>
      %eq3A_44 = vector.broadcast %broadcast_in_dim3A : vector<2048x1xf32> to vector<2048x128xf32>
      %eq3A_45 = arith.cmpf oeq, %get3A_37, %eq3A_44 : vector<2048x128xf32>
      %jit3A = arith.constant 2048 : i32
      %broadcast_in_dim3A_46 = vector.broadcast %jit3A : i32 to vector<2048x128xi32>
      %select_n3A = arith.select %eq3A_45, %add3A, %broadcast_in_dim3A_46 : vector<2048x128xi1>, vector<2048x128xi32>
      %reduce_min3A_47 = arith.constant dense<2147483647> : vector<2048xi32>
      %reduce_min3A_48 = vector.multi_reduction <minsi>, %select_n3A, %reduce_min3A_47 [1] : vector<2048x128xi32> to vector<2048xi32>
      %add3A_49 = arith.constant 0 : i32
      %add3A_50 = vector.broadcast %add3A_49 : i32 to vector<2048xi32>
      %add3A_51 = arith.addi %reduce_min3A_48, %add3A_50 : vector<2048xi32>
      %convert_element_type3A_52 = arith.truncf %reduce_min3A_43 : vector<2048xf32> to vector<2048xbf16>
      %convert_element_type3A_53 = arith.extf %convert_element_type3A_52 : vector<2048xbf16> to vector<2048xf32>
      %get3A_54 = arith.constant 0 : index
      %get3A_55 = arith.constant 0 : index
      %get3A_56 = vector.load %arg7[%get3A_54, %get3A_55] : memref<2048x128xf32, #tpu.memory_space<vmem>>, vector<2048x128xf32>
      %get3A_57 = arith.constant 0 : index
      %get3A_58 = arith.constant 0 : index
      %get3A_59 = vector.load %arg8[%get3A_57, %get3A_58] : memref<2048x128xi32, #tpu.memory_space<vmem>>, vector<2048x128xi32>
      %mul3A_60 = arith.constant 128 : i32
      %mul3A_61 = vector.broadcast %mul3A_60 : i32 to vector<2048x128xi32>
      %mul3A_62 = arith.muli %get3A_59, %mul3A_61 : vector<2048x128xi32>
      %add3A_63 = arith.addi %mul3A_62, %iota3A : vector<2048x128xi32>
      %reduce_min3A_64 = arith.constant dense<0x7F800000> : vector<2048xf32>
      %reduce_min3A_65 = vector.multi_reduction <minimumf>, %get3A_56, %reduce_min3A_64 [1] : vector<2048x128xf32> to vector<2048xf32>
      %broadcast_in_dim3A_66 = vector.shape_cast %reduce_min3A_65 : vector<2048xf32> to vector<2048x1xf32>
      %eq3A_67 = vector.broadcast %broadcast_in_dim3A_66 : vector<2048x1xf32> to vector<2048x128xf32>
      %eq3A_68 = arith.cmpf oeq, %get3A_56, %eq3A_67 : vector<2048x128xf32>
      %jit3A_69 = arith.constant 2048 : i32
      %broadcast_in_dim3A_70 = vector.broadcast %jit3A_69 : i32 to vector<2048x128xi32>
      %select_n3A_71 = arith.select %eq3A_68, %add3A_63, %broadcast_in_dim3A_70 : vector<2048x128xi1>, vector<2048x128xi32>
      %reduce_min3A_72 = arith.constant dense<2147483647> : vector<2048xi32>
      %reduce_min3A_73 = vector.multi_reduction <minsi>, %select_n3A_71, %reduce_min3A_72 [1] : vector<2048x128xi32> to vector<2048xi32>
      %add3A_74 = arith.constant 2048 : i32
      %add3A_75 = vector.broadcast %add3A_74 : i32 to vector<2048xi32>
      %add3A_76 = arith.addi %reduce_min3A_73, %add3A_75 : vector<2048xi32>
      %convert_element_type3A_77 = arith.truncf %reduce_min3A_65 : vector<2048xf32> to vector<2048xbf16>
      %convert_element_type3A_78 = arith.extf %convert_element_type3A_77 : vector<2048xbf16> to vector<2048xf32>
      %lt3A = arith.cmpf olt, %reduce_min3A_65, %convert_element_type3A_53 : vector<2048xf32>
      %select_n3A_79 = arith.select %lt3A, %add3A_76, %add3A_51 : vector<2048xi1>, vector<2048xi32>
      %select_n3A_80 = arith.select %lt3A, %convert_element_type3A_78, %convert_element_type3A_53 : vector<2048xi1>, vector<2048xf32>
      %get3A_81 = arith.constant 0 : index
      %get3A_82 = arith.constant 0 : index
      %get3A_83 = vector.load %arg9[%get3A_81, %get3A_82] : memref<2048x128xf32, #tpu.memory_space<vmem>>, vector<2048x128xf32>
      %get3A_84 = arith.constant 0 : index
      %get3A_85 = arith.constant 0 : index
      %get3A_86 = vector.load %arg10[%get3A_84, %get3A_85] : memref<2048x128xi32, #tpu.memory_space<vmem>>, vector<2048x128xi32>
      %mul3A_87 = arith.constant 128 : i32
      %mul3A_88 = vector.broadcast %mul3A_87 : i32 to vector<2048x128xi32>
      %mul3A_89 = arith.muli %get3A_86, %mul3A_88 : vector<2048x128xi32>
      %add3A_90 = arith.addi %mul3A_89, %iota3A : vector<2048x128xi32>
      %reduce_min3A_91 = arith.constant dense<0x7F800000> : vector<2048xf32>
      %reduce_min3A_92 = vector.multi_reduction <minimumf>, %get3A_83, %reduce_min3A_91 [1] : vector<2048x128xf32> to vector<2048xf32>
      %broadcast_in_dim3A_93 = vector.shape_cast %reduce_min3A_92 : vector<2048xf32> to vector<2048x1xf32>
      %eq3A_94 = vector.broadcast %broadcast_in_dim3A_93 : vector<2048x1xf32> to vector<2048x128xf32>
      %eq3A_95 = arith.cmpf oeq, %get3A_83, %eq3A_94 : vector<2048x128xf32>
      %jit3A_96 = arith.constant 2048 : i32
      %broadcast_in_dim3A_97 = vector.broadcast %jit3A_96 : i32 to vector<2048x128xi32>
      %select_n3A_98 = arith.select %eq3A_95, %add3A_90, %broadcast_in_dim3A_97 : vector<2048x128xi1>, vector<2048x128xi32>
      %reduce_min3A_99 = arith.constant dense<2147483647> : vector<2048xi32>
      %reduce_min3A_100 = vector.multi_reduction <minsi>, %select_n3A_98, %reduce_min3A_99 [1] : vector<2048x128xi32> to vector<2048xi32>
      %add3A_101 = arith.constant 4096 : i32
      %add3A_102 = vector.broadcast %add3A_101 : i32 to vector<2048xi32>
      %add3A_103 = arith.addi %reduce_min3A_100, %add3A_102 : vector<2048xi32>
      %convert_element_type3A_104 = arith.truncf %reduce_min3A_92 : vector<2048xf32> to vector<2048xbf16>
      %convert_element_type3A_105 = arith.extf %convert_element_type3A_104 : vector<2048xbf16> to vector<2048xf32>
      %lt3A_106 = arith.cmpf olt, %reduce_min3A_92, %select_n3A_80 : vector<2048xf32>
      %select_n3A_107 = arith.select %lt3A_106, %add3A_103, %select_n3A_79 : vector<2048xi1>, vector<2048xi32>
      %select_n3A_108 = arith.select %lt3A_106, %convert_element_type3A_105, %select_n3A_80 : vector<2048xi1>, vector<2048xf32>
      %get3A_109 = arith.constant 0 : index
      %get3A_110 = arith.constant 0 : index
      %get3A_111 = vector.load %arg11[%get3A_109, %get3A_110] : memref<2048x128xf32, #tpu.memory_space<vmem>>, vector<2048x128xf32>
      %get3A_112 = arith.constant 0 : index
      %get3A_113 = arith.constant 0 : index
      %get3A_114 = vector.load %arg12[%get3A_112, %get3A_113] : memref<2048x128xi32, #tpu.memory_space<vmem>>, vector<2048x128xi32>
      %mul3A_115 = arith.constant 128 : i32
      %mul3A_116 = vector.broadcast %mul3A_115 : i32 to vector<2048x128xi32>
      %mul3A_117 = arith.muli %get3A_114, %mul3A_116 : vector<2048x128xi32>
      %add3A_118 = arith.addi %mul3A_117, %iota3A : vector<2048x128xi32>
      %reduce_min3A_119 = arith.constant dense<0x7F800000> : vector<2048xf32>
      %reduce_min3A_120 = vector.multi_reduction <minimumf>, %get3A_111, %reduce_min3A_119 [1] : vector<2048x128xf32> to vector<2048xf32>
      %broadcast_in_dim3A_121 = vector.shape_cast %reduce_min3A_120 : vector<2048xf32> to vector<2048x1xf32>
      %eq3A_122 = vector.broadcast %broadcast_in_dim3A_121 : vector<2048x1xf32> to vector<2048x128xf32>
      %eq3A_123 = arith.cmpf oeq, %get3A_111, %eq3A_122 : vector<2048x128xf32>
      %jit3A_124 = arith.constant 2048 : i32
      %broadcast_in_dim3A_125 = vector.broadcast %jit3A_124 : i32 to vector<2048x128xi32>
      %select_n3A_126 = arith.select %eq3A_123, %add3A_118, %broadcast_in_dim3A_125 : vector<2048x128xi1>, vector<2048x128xi32>
      %reduce_min3A_127 = arith.constant dense<2147483647> : vector<2048xi32>
      %reduce_min3A_128 = vector.multi_reduction <minsi>, %select_n3A_126, %reduce_min3A_127 [1] : vector<2048x128xi32> to vector<2048xi32>
      %add3A_129 = arith.constant 6144 : i32
      %add3A_130 = vector.broadcast %add3A_129 : i32 to vector<2048xi32>
      %add3A_131 = arith.addi %reduce_min3A_128, %add3A_130 : vector<2048xi32>
      %lt3A_132 = arith.cmpf olt, %reduce_min3A_120, %select_n3A_108 : vector<2048xf32>
      %select_n3A_133 = arith.select %lt3A_132, %add3A_131, %select_n3A_107 : vector<2048xi1>, vector<2048xi32>
      %swap3A = arith.constant 0 : index
      %swap3A_134 = arith.constant 0 : index
      %swap3A_135 = arith.constant 0 : index
      %swap3A_136 = vector.load %arg4[%swap3A, %swap3A_134, %swap3A_135] : memref<1x1x2048xi32, #tpu.memory_space<vmem>>, vector<1x1x2048xi32>
      %swap3A_137 = vector.shape_cast %swap3A_136 : vector<1x1x2048xi32> to vector<2048xi32>
      %swap3A_138 = vector.shape_cast %select_n3A_133 : vector<2048xi32> to vector<1x1x2048xi32>
      tpu.vector_store %arg4[%swap3A, %swap3A_134, %swap3A_135], %swap3A_138 {strides = array<i32>} : memref<1x1x2048xi32, #tpu.memory_space<vmem>>, vector<1x1x2048xi32>,
    } else {
    }
    return
  }
  func.func @transform_0(%arg0: i32, %arg1: i32) -> (i32, i32) {
    %c0_i32 = arith.constant 0 : i32
    %c0_i32_0 = arith.constant 0 : i32
    return %arg0, %c0_i32 : i32, i32
  }
  func.func @transform_1(%arg0: i32, %arg1: i32) -> (i32, i32) {
    %c0_i32 = arith.constant 0 : i32
    %c0_i32_0 = arith.constant 0 : i32
    return %c0_i32, %arg1 : i32, i32
  }
  func.func @transform_2(%arg0: i32, %arg1: i32) -> (i32, i32, i32) {
    %c0_i32 = arith.constant 0 : i32
    %c0_i32_0 = arith.constant 0 : i32
    %c0_i32_1 = arith.constant 0 : i32
    return %arg0, %c0_i32, %c0_i32_0 : i32, i32, i32
  }
}

</mosaic_0001>

<sc_bundles>
// kernel: kernel.18.cloned.1.call-start
scs
__scs_entry_jumppad:
0x0: {  	(pc) =	sbr.rel $0x88, $3  }
0x1: {  	(tag) =	ssettag $0x0;
	lr =	simm.s32 $0x1  }
0x2: {  	[smem:$0x3F9F] =	sst lr;
	_ =	strace $0xD0000000  }
0x3: {  	_ = 	snop  }
0x4: {  	_ = 	snop  }
0x5: {  	_ = 	snop  }
0x6: {  	_ = 	snop  }
0x7: {  	_ = 	snop  }
__scs_overlays_trampoline_lowered:
0x8: {  	[smem:$0x3FAE] =	sst s0  }
0x9: {  	[smem:$0x3FAF] =	sst s1  }
0xa: {  	[smem:$0x3FB0] =	sst s2  }
0xb: {  	[smem:$0x3FB1] =	sst s3  }
0xc: {  	[smem:$0x3FB2] =	sst s4  }
0xd: {  	[smem:$0x3FB3] =	sst s5  }
0xe: {  	[smem:$0x3FB4] =	sst s6  }
0xf: {  	[smem:$0x3FB5] =	sst s7  }
0x10: {  	[smem:$0x3FB6] =	sst s8  }
0x11: {  	[smem:$0x3FB7] =	sst s9;
	s0 =	simm.s32 @!p0 $0x0  }
0x12: {  	s1 =	sld [smem:$0x3F9D];
	s0 =	simm.s32 @p0 $0x1  }
0x13: {  	[smem:$0x3FB8] =	sst s0;
	s0 =	simm.s32 @!p1 $0x0  }
0x14: {  	s2 =	sld [smem:$0x3F9C];
	s0 =	simm.s32 @p1 $0x1  }
0x15: {  	[smem:$0x3FB9] =	sst s0;
	s0 =	simm.s32 @!p2 $0x0  }
0x16: {  	s3 =	sld [smem:$0x3FDB];
	s0 =	simm.s32 @p2 $0x1  }
0x17: {  	s4 =	simm.s32 $0x1BF5;
	[smem:$0x3FBB] =	sst s0  }
0x18: {  	s0 =	sld [smem:$0x3F9E];
	_ =	swait.ge [sflag:s4], $0x0  }
0x19: {  	s7 =	sld [smem:$0x3F9F]  }
0x1a: {  	s8 =	sadd.s32 $0xFFFFE003, lr  }
0x1b: {  	s9 =	sadd.s32 $0xFFFFFEF7, lr;
	s5 =	simm.s32 $0xFFFFFFFF;
	p2 =	slt.u32 s8, $0xFFFFF086  }
0x1c: {  	p1 =	slt.u32 s9, $0xF7A;
	s5 =	simm.s32 @!p2 $0x0  }
0x1d: {  	s5 =	simm.s32 @p1 $0x1;
	p0 =	seq.s32 s7, s2  }
0x1e: {  	s7 =	smul.u32 @!p0 $0xF7A, s2;
	p2 =	seq.s32 @!p0 s5, $0x0  }
0x1f: {  	s9 =	smul.u32 $0xF7A, s1;
	s8 =	simm.s32 @!p0 $0x1BF5;
	p2 =	por !p2, p0  }
0x20: {  	[sflag:s8] =	ssyncset.s32 @!p0 $0xFFFFF086;
	s6 =	sadd.s32 @!p0 s3, s7;
	s7 =	simm.s32 @!p0 $0x108  }
0x21: {  	s3 =	sadd.s32 s3, s9;
	s6 =	sadd.s32 @!p0 $0x88, s6;
	s7 =	simm.s32 @p2 $0x1082  }
0x22: {  	[simem:s7], [sflag:s8] =	dma.local @!p0 [hbm:s6], $0xF7A  }
0x23: {  	s9 =	sor.u32 $0xD0000000, s2;
	s6 =	simm.s32 $0x108;
	_ =	swait.ge @!p0 [sflag:s8], $0x0  }
0x24: {  	s3 =	sadd.s32 $0x88, s3;
	s6 =	simm.s32 @!p1 $0x1082;
	[sflag:s4] =	ssyncset.s32 $0xFFFFF086  }
0x25: {  	[simem:s6], [sflag:s4] =	dma.local [hbm:s3], $0xF7A  }
0x26: {  	[smem:$0x3F9F] =	sst s1;
	(tag) =	ssettag s2;
	_ =	strace s9  }
0x27: {  	s1 =	sld [smem:$0x3FAF]  }
0x28: {  	s2 =	sld [smem:$0x3FB0]  }
0x29: {  	s4 =	sld [smem:$0x3FB2]  }
0x2a: {  	p0 =	seq.s32 s5, $0x0;
	s5 =	sld [smem:$0x3FB3]  }
0x2b: {  	s6 =	sld [smem:$0x3FB4]  }
0x2c: {  	s7 =	sld [smem:$0x3FB5]  }
0x2d: {  	s3 =	simm.s32 $0x108;
	s8 =	sld [smem:$0x3FB6]  }
0x2e: {  	s3 =	simm.s32 @!p0 $0x1082;
	s9 =	sld [smem:$0x3FB7]  }
0x2f: {  	lr =	sadd.s32 s0, s3;
	s0 =	sld [smem:$0x3FAE]  }
0x30: {  	s3 =	sld [smem:$0x3FB1]  }
0x31: {  	[smem:$0x3FBA] =	sst s10  }
0x32: {  	s10 =	sld [smem:$0x3FB8];
	_ =	sdelay $0x3  }
0x33: {  	p0 =	seq.s32 s10, $0x1;
	s10 =	sld [smem:$0x3FBA];
	_ =	sdelay $0x3  }
0x34: {  	[smem:$0x3FBA] =	sst s10  }
0x35: {  	s10 =	sld [smem:$0x3FB9];
	_ =	sdelay $0x3  }
0x36: {  	p1 =	seq.s32 s10, $0x1;
	s10 =	sld [smem:$0x3FBA];
	_ =	sdelay $0x3  }
0x37: {  	[smem:$0x3FBA] =	sst s10  }
0x38: {  	s10 =	sld [smem:$0x3FBB]  }
0x39: {  	_ = 	snop;
	(pc) =	sbr.ind lr, $3  }
0x3a: {  	_ = 	snop  }
0x3b: {  	_ = 	snop  }
0x3c: {  	p2 =	seq.s32 s10, $0x1;
	s10 =	sld [smem:$0x3FBA]  }
0x3d: {  	_ =	shalt  }
0x3e: {  	_ =	shalt  }
0x3f: {  	_ =	shalt  }
0x40: {  	_ =	shalt  }
0x41: {  	_ =	shalt  }
0x42: {  	_ =	shalt  }
0x43: {  	_ =	shalt  }
0x44: {  	_ =	shalt  }
0x45: {  	_ =	shalt  }
0x46: {  	_ =	shalt  }
0x47: {  	_ =	shalt  }
0x48: {  	_ =	shalt  }
0x49: {  	_ =	shalt  }
0x4a: {  	_ =	shalt  }
0x4b: {  	_ =	shalt  }
0x4c: {  	_ =	shalt  }
0x4d: {  	_ =	shalt  }
0x4e: {  	_ =	shalt  }
0x4f: {  	_ =	shalt  }
0x50: {  	_ =	shalt  }
0x51: {  	_ =	shalt  }
0x52: {  	_ =	shalt  }
0x53: {  	_ =	shalt  }
0x54: {  	_ =	shalt  }
0x55: {  	_ =	shalt  }
0x56: {  	_ =	shalt  }
0x57: {  	_ =	shalt  }
0x58: {  	_ =	shalt  }
0x59: {  	_ =	shalt  }
0x5a: {  	_ =	shalt  }
0x5b: {  	_ =	shalt  }
0x5c: {  	_ =	shalt  }
0x5d: {  	_ =	shalt  }
0x5e: {  	_ =	shalt  }
0x5f: {  	_ =	shalt  }
0x60: {  	_ =	shalt  }
0x61: {  	_ =	shalt  }
0x62: {  	_ =	shalt  }
0x63: {  	_ =	shalt  }
0x64: {  	_ =	shalt  }
0x65: {  	_ =	shalt  }
0x66: {  	_ =	shalt  }
0x67: {  	_ =	shalt  }
0x68: {  	_ =	shalt  }
0x69: {  	_ =	shalt  }
0x6a: {  	_ =	shalt  }
0x6b: {  	_ =	shalt  }
0x6c: {  	_ =	shalt  }
0x6d: {  	_ =	shalt  }
0x6e: {  	_ =	shalt  }
0x6f: {  	_ =	shalt  }
0x70: {  	_ =	shalt  }
0x71: {  	_ =	shalt  }
0x72: {  	_ =	shalt  }
0x73: {  	_ =	shalt  }
0x74: {  	_ =	shalt  }
0x75: {  	_ =	shalt  }
0x76: {  	_ =	shalt  }
0x77: {  	_ =	shalt  }
0x78: {  	_ =	shalt  }
0x79: {  	_ =	shalt  }
0x7a: {  	_ =	shalt  }
0x7b: {  	_ =	shalt  }
0x7c: {  	_ =	shalt  }
0x7d: {  	_ =	shalt  }
0x7e: {  	_ =	shalt  }
0x7f: {  	_ =	shalt  }
0x80: {  	_ =	shalt  }
0x81: {  	_ =	shalt  }
0x82: {  	_ =	shalt  }
0x83: {  	_ =	shalt  }
0x84: {  	_ =	shalt  }
0x85: {  	_ =	shalt  }
0x86: {  	_ =	shalt  }
0x87: {  	_ =	shalt  }
.Lfunc_end0:
.L_simem_size_0:
called_computation_lowered:
.L_overlay_start_0:
0x88: {  	s2 =	sld [smem:$0x3FD9]  }
0x89: {  	s3 =	sld [smem:$0x3FFE];
	_ =	sdelay $0x1  }
0x8a: {  	s1 =	srdreg.scid  }
0x8b: {  	s0 =	sand.u32 $0x1, s1  }
0x8c: {  	s14 =	sshll.u32 s0, $0xA;
	s2 =	sadd.s32 s3, s2  }
0x8d: {  	s2 =	sadd.s32 s2, s14  }
0x8e: {  	[smem:$0x3FC6] =	sst s2  }
0x8f: {  	_ = 	snop  }
0x90: {  	s2 =	sld [smem:$0x3FD0];
	_ =	sdelay $0x2  }
0x91: {  	s15 =	simm.s32 $0xA;
	s4 =	simm.s32 $0x10  }
0x92: {  	[smem:s4], [sflag:s15] =	dma.local [hbm:s2], $0x1  }
0x93: {  	_ =	swait.eq [sflag:s15], $0x1  }
0x94: {  	[sflag:s15] =	ssyncset.done $0x0  }
0x95: {  	[sflag:s15] =	ssyncadd.s32 $0xFFFFFFFF  }
0x96: {  	s16 =	sld [smem:$0x12];
	(tm) =	ssettm $0x1  }
0x97: {  	s17 =	sld [smem:$0x3FFB];
	_ =	sdelay $0x3  }
0x98: {  	_ =	strace s17  }
0x99: {  	s3 =	sld [smem:$0x3FFC];
	_ =	sdelay $0x3  }
0x9a: {  	_ =	strace s3  }
0x9b: {  	s3 =	sld [smem:$0x3FFD];
	_ =	sdelay $0x3  }
0x9c: {  	_ =	strace s3  }
0x9d: {  	_ =	strace $0x8FFFFFFF  }
0x9e: {  	s18 =	sld [smem:$0x3FDB];
	_ =	sdelay $0x1  }
0x9f: {  	s19 =	simm.s32 $_scs_section_size  }
0xa0: {  	s5 =	simm.s32 $_size__tile_overlayer_lowered;
	s6 =	simm.s32 $_tile_overlayer_lowered  }
0xa1: {  	s22 =	simm.s32 $0x1BFF;
	s21 =	sshll.u32 s6, $0x1;
	s3 =	sadd.s32 s19, s18  }
0xa2: {  	s7 =	simm.s32 $0x0;
	s20 =	sshll.u32 s5, $0x1;
	s5 =	sadd.s32 s21, s3  }
0xa3: {  	[timem:s7], [sflag:s22] =	dma.local [hbm:s5], s20  }
0xa4: {  	_ =	swait.ge [sflag:s22], s20  }
0xa5: {  	s4 =	ssub.s32 $0x0, s20;
	[sflag:s22] =	ssyncset.done $0x0  }
0xa6: {  	[sflag:s22] =	ssyncadd.s32 s4;
	_ =	sdelay $0x1  }
0xa7: {  	s23 =	simm.s32 $0x1B8B  }
0xa8: {  	_ =	swait.ge [sflag:s23], $0x1  }
0xa9: {  	[sflag:s23] =	ssyncset.done $0x0  }
0xaa: {  	s25 =	simm.s32 $0x1B8E;
	s24 =	sld [smem:$0x3FFE];
	[sflag:s23] =	ssyncadd.s32 $0xFFFFFFFF  }
0xab: {  	s26 =	simm.s32 $execute0_lowered;
	[smem:$0x3FD2] =	sst s25  }
0xac: {  	s5 =	sshll.u32 s26, $0x1;
	_ =	strace $0x80000046;
	[dreg:$0x1] =	wrdreg $0xFFFFFFFF  }
0xad: {  	s28 =	simm.s32 $_size_execute0_lowered;
	s3 =	sadd.s32 s3, s5;
	[dreg:$0x0] =	wrdreg $0x0  }
0xae: {  	s5 =	sshll.u32 s28, $0x1;
	[dreg:$0x2] =	wrdreg s3  }
0xaf: {  	[dreg:$0x3] =	wrdreg s5  }
0xb0: {  	[dreg:$0x4] =	wrdreg $0xC0  }
0xb1: {  	_ =	task [dreg:s7], $0x5FFFF  }
0xb2: {  	[dreg:$0x1] =	wrdreg $0xFFFFFFFF  }
0xb3: {  	[dreg:$0x0] =	wrdreg $0x60  }
0xb4: {  	[dreg:$0x2] =	wrdreg s24  }
0xb5: {  	[dreg:$0x3] =	wrdreg s16  }
0xb6: {  	[dreg:$0x4] =	wrdreg $0x9  }
0xb7: {  	_ =	task.clear_ibuf [dreg:s7], $0x5FFFF;
	_ =	strace $0x90000046  }
0xb8: {  	s29 =	simm.s32 $0x9;
	_ =	strace $0x80000048  }
0xb9: {  	_ =	swait.ge [sflag:s29], $0x1  }
0xba: {  	[sflag:s29] =	ssyncadd.s32 $0xFFFFFFFF  }
0xbb: {  	_ =	strace $0x90000048  }
0xbc: {  	_ =	sfence  }
0xbd: {  	s30 =	sld [smem:$0x0];
	_ =	sdelay $0x2  }
0xbe: {  	s31 =	sshll.u32 s1, $0xD;
	s1 =	sshrl.u32 s1, $0x2  }
0xbf: {  	s3 =	sand.u32 $0x4000, s31;
	s1 =	sadd.s32 s1, s30  }
0xc0: {  	s0 =	sor.u32 s3, s0;
	s1 =	sshll.u32 s1, $0x11  }
0xc1: {  	s0 =	sor.u32 s1, s0  }
0xc2: {  	s0 =	sadd.s32 $0x8F2B, s0  }
0xc3: {  	[sflag:s0] =	ssyncadd.remote.s32 $0x1  }
0xc4: {  	_ =	sfence.sel $0xFFFF  }
0xc5: {  	[dreg:$0x0] =	wrdreg $0xFFFFFFFF;
	(pc) =	sbr.abs _section_cstart, $3  }
0xc6: {  	[dreg:$0x1] =	wrdreg $0xFFFFFFFF  }
0xc7: {  	_ =	task.clear_ibuf [dreg:s7], $0x2FFFF;
	_ =	strace $0x9FFFFFFF  }
0xc8: {  	(tm) =	ssettm $0x7FFFFFFF  }
0xc9: {  	_ =	shalt  }
tec
execute0_lowered:
.L_overlay_start_1:
0x0: {  	(tag) =	ssettag $0x1  }
0x1: {  	s4 =	rddreg [dreg:$0x0]  }
0x2: {  	s6 =	rddreg [dreg:$0x1]  }
0x3: {  	s0 =	rddreg [dreg:$0x2];
	s2 =	simm.s32 $0x0  }
0x4: {  	s1 =	stileid.u32;
	s3 =	srdreg.scid;
	s11 =	simm.s32 $0x1880  }
0x5: {  	s12 =	simm.s32 $0x2080;
	s13 =	simm.s32 $0x2880;
	s14 =	simm.s32 $0x3080  }
0x6: {  	s15 =	simm.s32 $0x3880;
	s16 =	simm.s32 $0x4080;
	s17 =	simm.s32 $0x4880  }
0x7: {  	s18 =	simm.s32 $0x5080;
	s19 =	simm.s32 $0x5880;
	s20 =	simm.s32 $0x6080  }
0x8: {  	s21 =	simm.s32 $0x6880;
	s22 =	simm.s32 $0x7080;
	s23 =	simm.s32 $0x7880  }
0x9: {  	s24 =	simm.s32 $0x1;
	s25 =	simm.s32 $0x0;
	[smem:$0x7FF] =	sst s2  }
0xa: {  	s5 =	sshll.u32 s1, $0xF;
	s7 =	sand.u32 $0x1, s3;
	s3 =	sadd.s32 $0x7A00, s4  }
0xb: {  	s9 =	sshll.u32 s1, $0xA;
	_ =	strace $0x80000047;
	s5 =	sadd.s32 s5, s4  }
0xc: {  	s29 =	ssub.s32 $0x2, s7;
	s10 =	sshll.u32 s7, $0x9;
	s7 =	sshll.u32 s7, $0xE  }
0xd: {  	s8 =	sshrl.u32 s29, $0x1;
	s30 =	sor.u32 s10, s9;
	s5 =	sadd.s32 s7, s5  }
0xe: {  	v2 =	vlaneseq.u32;
	s7 =	simm.s32 $0x2;
	s9 =	simm.s32 $0x880;
	s10 =	simm.s32 $0x1080  }
0xf: {  	vm0 =	vmmov $0xffff;
	v1 =	vshrl.u32 v2, $0x3;
	s4 =	ssub.s32 s29, s8;
	s31 =	sshrl.u32 s30, $0x3;
	s5 =	sadd.s32 $0x207A00, s5  }
0x10: {  	v0 =	vand.u32 $0x7, v2;
	v2 =	vor.u32 $0x8, v2;
	v1 =	vmul.u32 $0x8, v1;
	s8 =	simm.s32 $0x80;
	s4 =	smax.u32 s4, $0x1;
	s6 =	sadd.s32 s31, s6  }
.LBB2_1:
0x11: {  	s26 =	smov.u32 s5;
	s28 =	simm.s32 $0x0  }
.LBB2_2:
0x12: {  	s29 =	sadd.s32 s28, s6  }
0x13: {  	[tilespmem:s2], [sflag:$0x2] =	stream.linear.gather [hbm4b:s29+s2], $0x80, $0x38;
	[tilespmem:$0x8080] =	vst v63  }
0x14: {  	_ =	swait.ge [sflag:s7], $0x80  }
0x15: {  	[sflag:s7] =	ssyncset.done $0x0  }
0x16: {  	[sflag:s7] =	ssyncadd.s32 $0xFFFFFF80  }
0x17: {  	v3 =	vld [tilespmem:$0x0];
	_ =	sdelay $0x4  }
0x18: {  	v4 =	vshll.u32 v3, $0x1  }
0x19: {  	v3 =	vand.u32 $0x7, v3;
	v4 =	vand.u32 $0xFFFFFFF0, v4  }
0x1a: {  	v3 =	vor.u32 v3, v4  }
0x1b: {  	v4 =	vperm.xlane v3, v0;
	_ =	sdelay $0x1  }
0x1c: {  	v3 =	vperm.xlane v3, v2;
	v4 =	vadd.s32 v1, v4;
	_ =	sdelay $0x1  }
0x1d: {  	v3 =	vadd.s32 v1, v3;
	_ =	sdelay $0x2  }
0x1e: {  	[tilespmem:s8], [sflag:$0x1] =	stream.indirect_vreg.gather [hbm4b:s3+s2], $0x80, v4, vm0, $0xb8;
	[tilespmem:$0x8080] =	vst v63  }
0x1f: {  	_ = 	snop  }
0x20: {  	[tilespmem:s9], [sflag:$0x1] =	stream.indirect_vreg.gather [hbm4b:s3+s2], $0x80, v3, vm0, $0xb8;
	[tilespmem:$0x8080] =	vst v63  }
0x21: {  	v3 =	vld [tilespmem:$0x10];
	_ =	sdelay $0x4  }
0x22: {  	v57 =	vshll.u32 v3, $0x1  }
0x23: {  	v3 =	vand.u32 $0x7, v3;
	v4 =	vand.u32 $0xFFFFFFF0, v57  }
0x24: {  	v3 =	vor.u32 v3, v4  }
0x25: {  	v4 =	vperm.xlane v3, v0;
	_ =	sdelay $0x1  }
0x26: {  	v3 =	vperm.xlane v3, v2;
	v4 =	vadd.s32 v1, v4;
	_ =	sdelay $0x1  }
0x27: {  	v3 =	vadd.s32 v1, v3;
	_ =	sdelay $0x2  }
0x28: {  	[tilespmem:s10], [sflag:$0x1] =	stream.indirect_vreg.gather [hbm4b:s3+s2], $0x80, v4, vm0, $0xb8;
	[tilespmem:$0x8080] =	vst v63  }
0x29: {  	_ = 	snop  }
0x2a: {  	[tilespmem:s11], [sflag:$0x1] =	stream.indirect_vreg.gather [hbm4b:s3+s2], $0x80, v3, vm0, $0xb8;
	[tilespmem:$0x8080] =	vst v63  }
0x2b: {  	v3 =	vld [tilespmem:$0x20];
	_ =	sdelay $0x4  }
0x2c: {  	v58 =	vshll.u32 v3, $0x1  }
0x2d: {  	v3 =	vand.u32 $0x7, v3;
	v4 =	vand.u32 $0xFFFFFFF0, v58  }
0x2e: {  	v3 =	vor.u32 v3, v4  }
0x2f: {  	v4 =	vperm.xlane v3, v0;
	_ =	sdelay $0x1  }
0x30: {  	v3 =	vperm.xlane v3, v2;
	v4 =	vadd.s32 v1, v4;
	_ =	sdelay $0x1  }
0x31: {  	v3 =	vadd.s32 v1, v3;
	_ =	sdelay $0x2  }
0x32: {  	[tilespmem:s12], [sflag:$0x1] =	stream.indirect_vreg.gather [hbm4b:s3+s2], $0x80, v4, vm0, $0xb8;
	[tilespmem:$0x8080] =	vst v63  }
0x33: {  	_ = 	snop  }
0x34: {  	[tilespmem:s13], [sflag:$0x1] =	stream.indirect_vreg.gather [hbm4b:s3+s2], $0x80, v3, vm0, $0xb8;
	[tilespmem:$0x8080] =	vst v63  }
0x35: {  	v3 =	vld [tilespmem:$0x30];
	_ =	sdelay $0x4  }
0x36: {  	v59 =	vshll.u32 v3, $0x1  }
0x37: {  	v3 =	vand.u32 $0x7, v3;
	v4 =	vand.u32 $0xFFFFFFF0, v59  }
0x38: {  	v3 =	vor.u32 v3, v4  }
0x39: {  	v4 =	vperm.xlane v3, v0;
	_ =	sdelay $0x1  }
0x3a: {  	v3 =	vperm.xlane v3, v2;
	v4 =	vadd.s32 v1, v4;
	_ =	sdelay $0x1  }
0x3b: {  	v3 =	vadd.s32 v1, v3;
	_ =	sdelay $0x2  }
0x3c: {  	[tilespmem:s14], [sflag:$0x1] =	stream.indirect_vreg.gather [hbm4b:s3+s2], $0x80, v4, vm0, $0xb8;
	[tilespmem:$0x8080] =	vst v63  }
0x3d: {  	_ = 	snop  }
0x3e: {  	[tilespmem:s15], [sflag:$0x1] =	stream.indirect_vreg.gather [hbm4b:s3+s2], $0x80, v3, vm0, $0xb8;
	[tilespmem:$0x8080] =	vst v63  }
0x3f: {  	v3 =	vld [tilespmem:$0x40];
	_ =	sdelay $0x4  }
0x40: {  	v60 =	vshll.u32 v3, $0x1  }
0x41: {  	v3 =	vand.u32 $0x7, v3;
	v4 =	vand.u32 $0xFFFFFFF0, v60  }
0x42: {  	v3 =	vor.u32 v3, v4  }
0x43: {  	v4 =	vperm.xlane v3, v0;
	_ =	sdelay $0x1  }
0x44: {  	v3 =	vperm.xlane v3, v2;
	v4 =	vadd.s32 v1, v4;
	_ =	sdelay $0x1  }
0x45: {  	v3 =	vadd.s32 v1, v3;
	_ =	sdelay $0x2  }
0x46: {  	[tilespmem:s16], [sflag:$0x1] =	stream.indirect_vreg.gather [hbm4b:s3+s2], $0x80, v4, vm0, $0xb8;
	[tilespmem:$0x8080] =	vst v63  }
0x47: {  	_ = 	snop  }
0x48: {  	[tilespmem:s17], [sflag:$0x1] =	stream.indirect_vreg.gather [hbm4b:s3+s2], $0x80, v3, vm0, $0xb8;
	[tilespmem:$0x8080] =	vst v63  }
0x49: {  	v3 =	vld [tilespmem:$0x50];
	_ =	sdelay $0x4  }
0x4a: {  	v61 =	vshll.u32 v3, $0x1  }
0x4b: {  	v3 =	vand.u32 $0x7, v3;
	v4 =	vand.u32 $0xFFFFFFF0, v61  }
0x4c: {  	v3 =	vor.u32 v3, v4  }
0x4d: {  	v4 =	vperm.xlane v3, v0;
	_ =	sdelay $0x1  }
0x4e: {  	v3 =	vperm.xlane v3, v2;
	v4 =	vadd.s32 v1, v4;
	_ =	sdelay $0x1  }
0x4f: {  	v3 =	vadd.s32 v1, v3;
	_ =	sdelay $0x2  }
0x50: {  	[tilespmem:s18], [sflag:$0x1] =	stream.indirect_vreg.gather [hbm4b:s3+s2], $0x80, v4, vm0, $0xb8;
	[tilespmem:$0x8080] =	vst v63  }
0x51: {  	_ = 	snop  }
0x52: {  	[tilespmem:s19], [sflag:$0x1] =	stream.indirect_vreg.gather [hbm4b:s3+s2], $0x80, v3, vm0, $0xb8;
	[tilespmem:$0x8080] =	vst v63  }
0x53: {  	v3 =	vld [tilespmem:$0x60];
	_ =	sdelay $0x4  }
0x54: {  	v62 =	vshll.u32 v3, $0x1  }
0x55: {  	v3 =	vand.u32 $0x7, v3;
	v4 =	vand.u32 $0xFFFFFFF0, v62  }
0x56: {  	v3 =	vor.u32 v3, v4  }
0x57: {  	v4 =	vperm.xlane v3, v0;
	_ =	sdelay $0x1  }
0x58: {  	v3 =	vperm.xlane v3, v2;
	v4 =	vadd.s32 v1, v4;
	_ =	sdelay $0x1  }
0x59: {  	v3 =	vadd.s32 v1, v3;
	_ =	sdelay $0x2  }
0x5a: {  	[tilespmem:s20], [sflag:$0x1] =	stream.indirect_vreg.gather [hbm4b:s3+s2], $0x80, v4, vm0, $0xb8;
	[tilespmem:$0x8080] =	vst v63  }
0x5b: {  	_ = 	snop  }
0x5c: {  	[tilespmem:s21], [sflag:$0x1] =	stream.indirect_vreg.gather [hbm4b:s3+s2], $0x80, v3, vm0, $0xb8;
	[tilespmem:$0x8080] =	vst v63  }
0x5d: {  	v3 =	vld [tilespmem:$0x70];
	_ =	sdelay $0x4  }
0x5e: {  	v63 =	vshll.u32 v3, $0x1  }
0x5f: {  	v3 =	vand.u32 $0x7, v3;
	v4 =	vand.u32 $0xFFFFFFF0, v63  }
0x60: {  	v3 =	vor.u32 v3, v4  }
0x61: {  	v4 =	vperm.xlane v3, v0;
	_ =	sdelay $0x1  }
0x62: {  	v3 =	vperm.xlane v3, v2;
	v4 =	vadd.s32 v1, v4;
	_ =	sdelay $0x1  }
0x63: {  	v3 =	vadd.s32 v1, v3;
	_ =	sdelay $0x2  }
0x64: {  	[tilespmem:s22], [sflag:$0x1] =	stream.indirect_vreg.gather [hbm4b:s3+s2], $0x80, v4, vm0, $0xb8;
	[tilespmem:$0x8080] =	vst v63  }
0x65: {  	_ = 	snop  }
0x66: {  	[tilespmem:s23], [sflag:$0x1] =	stream.indirect_vreg.gather [hbm4b:s3+s2], $0x80, v3, vm0, $0xb8;
	[tilespmem:$0x8080] =	vst v63  }
0x67: {  	_ =	swait.ge [sflag:s24], $0x8000  }
0x68: {  	p0 =	sne.s32 s28, $0x30;
	[sflag:s24] =	ssyncset.done $0x0  }
.Ltmp0:
0x69: {  	[sflag:s24] =	ssyncadd.s32 $0xFFFF8000;
	(pc) =	sbr.rel @p0 .LBB2_2-.Ltmp0, $4  }
0x6a: {  	[hbm4b:s26+s2] =	stream.linear.scatter [tilespmem:s8], [sflag:$0x2], $0x8000, $0x38;
	[tilespmem:$0x8080] =	vst v63  }
0x6b: {  	_ =	swait.ge [sflag:s7], $0x8000  }
0x6c: {  	[sflag:s7] =	ssyncset.done $0x0  }
0x6d: {  	s28 =	sadd.s32 $0x10, s28;
	s26 =	sadd.s32 $0x1000, s26;
	[sflag:s7] =	ssyncadd.s32 $0xFFFF8000  }
0x6e: {  	s25 =	sadd.s32 $0x1, s25  }
0x6f: {  	p0 =	sne.s32 s25, s4  }
.Ltmp1:
0x70: {  	_ = 	snop;
	(pc) =	sbr.rel @p0 .LBB2_1-.Ltmp1, $1  }
0x71: {  	_ =	sdelay $0x3  }
0x72: {  	_ =	sfence.sel $0x180000  }
0x73: {  	[bflag:$0x0] =	sbarrier.arrive $0xFFFF  }
0x74: {  	p0 =	sne.s32 s1, $0x0;
	_ =	strace $0x90000047  }
0x75: {  	s0 =	sadd.s32 @!p0 $0x100000, s0;
	[bflag:$0x2] =	sbarrier.arrive $0xFFFF  }
0x76: {  	[sflag:s0] =	ssyncadd.tile.s32 @!p0 $0x1;
	_ =	shalt  }
.Lfunc_end2:
_tile_overlayer_lowered:
.L_overlay_start_2:
0x77: {  	(tag) =	ssettag $0x2  }
0x78: {  	s0 =	rddreg [dreg:$0x0];
	s2 =	stileid.u32  }
0x79: {  	s1 =	rddreg [dreg:$0x1];
	p0 =	sne.s32 s2, $0x0  }
0x7a: {  	s3 =	rddreg [dreg:$0x2];
	[bflag:$0x3] =	sbarrier.arrive $0xFFFF;
	s2 =	simm.s32 @!p0 $0x1C02  }
0x7b: {  	[timem:s3], [sflag:s2] =	dma.local @!p0 [hbm:s0], s1  }
0x7c: {  	s0 =	simm.s32 @!p0 $0x2  }
0x7d: {  	_ =	swait.ge @!p0 [sflag:s0], s1  }
0x7e: {  	s1 =	ssub.s32 @!p0 $0x0, s1;
	[sflag:s0] =	ssyncset.done @!p0 $0x0  }
0x7f: {  	[sflag:s0] =	ssyncadd.s32 @!p0 s1  }
0x80: {  	[bflag:$0x3] =	sbarrier.arrive $0xFFFF  }
0x81: {  	_ =	shalt  }

// kernel: kernel.21.cloned.1.call-start
scs
__scs_entry_jumppad:
0x0: {  	(pc) =	sbr.rel $0x88, $3  }
0x1: {  	(tag) =	ssettag $0x0;
	lr =	simm.s32 $0x1  }
0x2: {  	[smem:$0x3F9F] =	sst lr;
	_ =	strace $0xD0000000  }
0x3: {  	_ = 	snop  }
0x4: {  	_ = 	snop  }
0x5: {  	_ = 	snop  }
0x6: {  	_ = 	snop  }
0x7: {  	_ = 	snop  }
__scs_overlays_trampoline_lowered:
0x8: {  	[smem:$0x3FAE] =	sst s0  }
0x9: {  	[smem:$0x3FAF] =	sst s1  }
0xa: {  	[smem:$0x3FB0] =	sst s2  }
0xb: {  	[smem:$0x3FB1] =	sst s3  }
0xc: {  	[smem:$0x3FB2] =	sst s4  }
0xd: {  	[smem:$0x3FB3] =	sst s5  }
0xe: {  	[smem:$0x3FB4] =	sst s6  }
0xf: {  	[smem:$0x3FB5] =	sst s7  }
0x10: {  	[smem:$0x3FB6] =	sst s8  }
0x11: {  	[smem:$0x3FB7] =	sst s9;
	s0 =	simm.s32 @!p0 $0x0  }
0x12: {  	s1 =	sld [smem:$0x3F9D];
	s0 =	simm.s32 @p0 $0x1  }
0x13: {  	[smem:$0x3FB8] =	sst s0;
	s0 =	simm.s32 @!p1 $0x0  }
0x14: {  	s2 =	sld [smem:$0x3F9C];
	s0 =	simm.s32 @p1 $0x1  }
0x15: {  	[smem:$0x3FB9] =	sst s0;
	s0 =	simm.s32 @!p2 $0x0  }
0x16: {  	s3 =	sld [smem:$0x3FDB];
	s0 =	simm.s32 @p2 $0x1  }
0x17: {  	s4 =	simm.s32 $0x1BF5;
	[smem:$0x3FBB] =	sst s0  }
0x18: {  	s0 =	sld [smem:$0x3F9E];
	_ =	swait.ge [sflag:s4], $0x0  }
0x19: {  	s7 =	sld [smem:$0x3F9F]  }
0x1a: {  	s8 =	sadd.s32 $0xFFFFE003, lr  }
0x1b: {  	s9 =	sadd.s32 $0xFFFFFEF7, lr;
	s5 =	simm.s32 $0xFFFFFFFF;
	p2 =	slt.u32 s8, $0xFFFFF086  }
0x1c: {  	p1 =	slt.u32 s9, $0xF7A;
	s5 =	simm.s32 @!p2 $0x0  }
0x1d: {  	s5 =	simm.s32 @p1 $0x1;
	p0 =	seq.s32 s7, s2  }
0x1e: {  	s7 =	smul.u32 @!p0 $0xF7A, s2;
	p2 =	seq.s32 @!p0 s5, $0x0  }
0x1f: {  	s9 =	smul.u32 $0xF7A, s1;
	s8 =	simm.s32 @!p0 $0x1BF5;
	p2 =	por !p2, p0  }
0x20: {  	[sflag:s8] =	ssyncset.s32 @!p0 $0xFFFFF086;
	s6 =	sadd.s32 @!p0 s3, s7;
	s7 =	simm.s32 @!p0 $0x108  }
0x21: {  	s3 =	sadd.s32 s3, s9;
	s6 =	sadd.s32 @!p0 $0x88, s6;
	s7 =	simm.s32 @p2 $0x1082  }
0x22: {  	[simem:s7], [sflag:s8] =	dma.local @!p0 [hbm:s6], $0xF7A  }
0x23: {  	s9 =	sor.u32 $0xD0000000, s2;
	s6 =	simm.s32 $0x108;
	_ =	swait.ge @!p0 [sflag:s8], $0x0  }
0x24: {  	s3 =	sadd.s32 $0x88, s3;
	s6 =	simm.s32 @!p1 $0x1082;
	[sflag:s4] =	ssyncset.s32 $0xFFFFF086  }
0x25: {  	[simem:s6], [sflag:s4] =	dma.local [hbm:s3], $0xF7A  }
0x26: {  	[smem:$0x3F9F] =	sst s1;
	(tag) =	ssettag s2;
	_ =	strace s9  }
0x27: {  	s1 =	sld [smem:$0x3FAF]  }
0x28: {  	s2 =	sld [smem:$0x3FB0]  }
0x29: {  	s4 =	sld [smem:$0x3FB2]  }
0x2a: {  	p0 =	seq.s32 s5, $0x0;
	s5 =	sld [smem:$0x3FB3]  }
0x2b: {  	s6 =	sld [smem:$0x3FB4]  }
0x2c: {  	s7 =	sld [smem:$0x3FB5]  }
0x2d: {  	s3 =	simm.s32 $0x108;
	s8 =	sld [smem:$0x3FB6]  }
0x2e: {  	s3 =	simm.s32 @!p0 $0x1082;
	s9 =	sld [smem:$0x3FB7]  }
0x2f: {  	lr =	sadd.s32 s0, s3;
	s0 =	sld [smem:$0x3FAE]  }
0x30: {  	s3 =	sld [smem:$0x3FB1]  }
0x31: {  	[smem:$0x3FBA] =	sst s10  }
0x32: {  	s10 =	sld [smem:$0x3FB8];
	_ =	sdelay $0x3  }
0x33: {  	p0 =	seq.s32 s10, $0x1;
	s10 =	sld [smem:$0x3FBA];
	_ =	sdelay $0x3  }
0x34: {  	[smem:$0x3FBA] =	sst s10  }
0x35: {  	s10 =	sld [smem:$0x3FB9];
	_ =	sdelay $0x3  }
0x36: {  	p1 =	seq.s32 s10, $0x1;
	s10 =	sld [smem:$0x3FBA];
	_ =	sdelay $0x3  }
0x37: {  	[smem:$0x3FBA] =	sst s10  }
0x38: {  	s10 =	sld [smem:$0x3FBB]  }
0x39: {  	_ = 	snop;
	(pc) =	sbr.ind lr, $3  }
0x3a: {  	_ = 	snop  }
0x3b: {  	_ = 	snop  }
0x3c: {  	p2 =	seq.s32 s10, $0x1;
	s10 =	sld [smem:$0x3FBA]  }
0x3d: {  	_ =	shalt  }
0x3e: {  	_ =	shalt  }
0x3f: {  	_ =	shalt  }
0x40: {  	_ =	shalt  }
0x41: {  	_ =	shalt  }
0x42: {  	_ =	shalt  }
0x43: {  	_ =	shalt  }
0x44: {  	_ =	shalt  }
0x45: {  	_ =	shalt  }
0x46: {  	_ =	shalt  }
0x47: {  	_ =	shalt  }
0x48: {  	_ =	shalt  }
0x49: {  	_ =	shalt  }
0x4a: {  	_ =	shalt  }
0x4b: {  	_ =	shalt  }
0x4c: {  	_ =	shalt  }
0x4d: {  	_ =	shalt  }
0x4e: {  	_ =	shalt  }
0x4f: {  	_ =	shalt  }
0x50: {  	_ =	shalt  }
0x51: {  	_ =	shalt  }
0x52: {  	_ =	shalt  }
0x53: {  	_ =	shalt  }
0x54: {  	_ =	shalt  }
0x55: {  	_ =	shalt  }
0x56: {  	_ =	shalt  }
0x57: {  	_ =	shalt  }
0x58: {  	_ =	shalt  }
0x59: {  	_ =	shalt  }
0x5a: {  	_ =	shalt  }
0x5b: {  	_ =	shalt  }
0x5c: {  	_ =	shalt  }
0x5d: {  	_ =	shalt  }
0x5e: {  	_ =	shalt  }
0x5f: {  	_ =	shalt  }
0x60: {  	_ =	shalt  }
0x61: {  	_ =	shalt  }
0x62: {  	_ =	shalt  }
0x63: {  	_ =	shalt  }
0x64: {  	_ =	shalt  }
0x65: {  	_ =	shalt  }
0x66: {  	_ =	shalt  }
0x67: {  	_ =	shalt  }
0x68: {  	_ =	shalt  }
0x69: {  	_ =	shalt  }
0x6a: {  	_ =	shalt  }
0x6b: {  	_ =	shalt  }
0x6c: {  	_ =	shalt  }
0x6d: {  	_ =	shalt  }
0x6e: {  	_ =	shalt  }
0x6f: {  	_ =	shalt  }
0x70: {  	_ =	shalt  }
0x71: {  	_ =	shalt  }
0x72: {  	_ =	shalt  }
0x73: {  	_ =	shalt  }
0x74: {  	_ =	shalt  }
0x75: {  	_ =	shalt  }
0x76: {  	_ =	shalt  }
0x77: {  	_ =	shalt  }
0x78: {  	_ =	shalt  }
0x79: {  	_ =	shalt  }
0x7a: {  	_ =	shalt  }
0x7b: {  	_ =	shalt  }
0x7c: {  	_ =	shalt  }
0x7d: {  	_ =	shalt  }
0x7e: {  	_ =	shalt  }
0x7f: {  	_ =	shalt  }
0x80: {  	_ =	shalt  }
0x81: {  	_ =	shalt  }
0x82: {  	_ =	shalt  }
0x83: {  	_ =	shalt  }
0x84: {  	_ =	shalt  }
0x85: {  	_ =	shalt  }
0x86: {  	_ =	shalt  }
0x87: {  	_ =	shalt  }
.Lfunc_end0:
.L_simem_size_0:
called_computation.1_lowered:
.L_overlay_start_0:
0x88: {  	s2 =	sld [smem:$0x3FD9]  }
0x89: {  	s3 =	sld [smem:$0x3FFE];
	_ =	sdelay $0x1  }
0x8a: {  	s1 =	srdreg.scid  }
0x8b: {  	s0 =	sand.u32 $0x1, s1  }
0x8c: {  	s16 =	sshll.u32 s0, $0xA;
	s2 =	sadd.s32 s3, s2  }
0x8d: {  	s2 =	sadd.s32 s2, s16  }
0x8e: {  	[smem:$0x3FC6] =	sst s2  }
0x8f: {  	_ = 	snop  }
0x90: {  	(tm) =	ssettm $0x1  }
0x91: {  	s17 =	sld [smem:$0x3FFB];
	_ =	sdelay $0x3  }
0x92: {  	_ =	strace s17  }
0x93: {  	s2 =	sld [smem:$0x3FFC];
	_ =	sdelay $0x3  }
0x94: {  	_ =	strace s2  }
0x95: {  	s2 =	sld [smem:$0x3FFD];
	_ =	sdelay $0x3  }
0x96: {  	_ =	strace s2  }
0x97: {  	_ =	strace $0x8FFFFFFF  }
0x98: {  	s18 =	sld [smem:$0x3FDB];
	_ =	sdelay $0x1  }
0x99: {  	s19 =	simm.s32 $_scs_section_size  }
0x9a: {  	s4 =	simm.s32 $_size__tile_overlayer_lowered;
	s5 =	simm.s32 $_tile_overlayer_lowered  }
0x9b: {  	s22 =	simm.s32 $0x1BFF;
	s21 =	sshll.u32 s5, $0x1;
	s2 =	sadd.s32 s19, s18  }
0x9c: {  	s6 =	simm.s32 $0x0;
	s20 =	sshll.u32 s4, $0x1;
	s4 =	sadd.s32 s21, s2  }
0x9d: {  	[timem:s6], [sflag:s22] =	dma.local [hbm:s4], s20  }
0x9e: {  	_ =	swait.ge [sflag:s22], s20  }
0x9f: {  	s3 =	ssub.s32 $0x0, s20;
	[sflag:s22] =	ssyncset.done $0x0  }
0xa0: {  	[sflag:s22] =	ssyncadd.s32 s3;
	_ =	sdelay $0x1  }
0xa1: {  	s23 =	simm.s32 $0x1B8B  }
0xa2: {  	_ =	swait.ge [sflag:s23], $0x1  }
0xa3: {  	[sflag:s23] =	ssyncset.done $0x0  }
0xa4: {  	s25 =	simm.s32 $0x1B8E;
	s24 =	sld [smem:$0x3FFE];
	[sflag:s23] =	ssyncadd.s32 $0xFFFFFFFF  }
0xa5: {  	s26 =	simm.s32 $execute0_lowered;
	[smem:$0x3FD2] =	sst s25  }
0xa6: {  	s4 =	sshll.u32 s26, $0x1;
	_ =	strace $0x80000049;
	[dreg:$0x1] =	wrdreg $0xFFFFFFFF  }
0xa7: {  	s28 =	simm.s32 $_size_execute0_lowered;
	s2 =	sadd.s32 s2, s4;
	[dreg:$0x0] =	wrdreg $0x0  }
0xa8: {  	s4 =	sshll.u32 s28, $0x1;
	[dreg:$0x2] =	wrdreg s2  }
0xa9: {  	[dreg:$0x3] =	wrdreg s4  }
0xaa: {  	[dreg:$0x4] =	wrdreg $0xC0  }
0xab: {  	_ =	task [dreg:s6], $0x5FFFF  }
0xac: {  	[dreg:$0x1] =	wrdreg $0xFFFFFFFF  }
0xad: {  	[dreg:$0x0] =	wrdreg $0x60  }
0xae: {  	[dreg:$0x2] =	wrdreg s24  }
0xaf: {  	[dreg:$0x3] =	wrdreg $0x9  }
0xb0: {  	_ =	task.clear_ibuf [dreg:s6], $0x4FFFF;
	_ =	strace $0x90000049  }
0xb1: {  	s29 =	simm.s32 $0x9;
	_ =	strace $0x8000004B  }
0xb2: {  	_ =	swait.ge [sflag:s29], $0x1  }
0xb3: {  	[sflag:s29] =	ssyncadd.s32 $0xFFFFFFFF  }
0xb4: {  	_ =	strace $0x9000004B  }
0xb5: {  	_ =	sfence  }
0xb6: {  	s30 =	sld [smem:$0x0];
	_ =	sdelay $0x2  }
0xb7: {  	s31 =	sshll.u32 s1, $0xD;
	s1 =	sshrl.u32 s1, $0x2  }
0xb8: {  	s3 =	sand.u32 $0x4000, s31;
	s1 =	sadd.s32 s1, s30  }
0xb9: {  	s0 =	sor.u32 s3, s0;
	s1 =	sshll.u32 s1, $0x11  }
0xba: {  	s0 =	sor.u32 s1, s0  }
0xbb: {  	s0 =	sadd.s32 $0x8F2B, s0  }
0xbc: {  	[sflag:s0] =	ssyncadd.remote.s32 $0x1  }
0xbd: {  	_ =	sfence.sel $0xFFFF  }
0xbe: {  	[dreg:$0x0] =	wrdreg $0xFFFFFFFF;
	(pc) =	sbr.abs _section_cstart, $3  }
0xbf: {  	[dreg:$0x1] =	wrdreg $0xFFFFFFFF  }
0xc0: {  	_ =	task.clear_ibuf [dreg:s6], $0x2FFFF;
	_ =	strace $0x9FFFFFFF  }
0xc1: {  	(tm) =	ssettm $0x7FFFFFFF  }
tec
execute0_lowered:
.L_overlay_start_1:
0x0: {  	(tag) =	ssettag $0x1  }
0x1: {  	s4 =	rddreg [dreg:$0x0]  }
0x2: {  	s0 =	rddreg [dreg:$0x1];
	s2 =	simm.s32 $0x0;
	s3 =	srdreg.scid  }
0x3: {  	s1 =	stileid.u32;
	s10 =	simm.s32 $0x1080;
	s11 =	simm.s32 $0x1880  }
0x4: {  	s12 =	simm.s32 $0x2080;
	s13 =	simm.s32 $0x2880;
	s14 =	simm.s32 $0x3080  }
0x5: {  	s15 =	simm.s32 $0x3880;
	s16 =	simm.s32 $0x4080;
	s17 =	simm.s32 $0x4880  }
0x6: {  	s18 =	simm.s32 $0x5080;
	s19 =	simm.s32 $0x5880;
	s20 =	simm.s32 $0x6080  }
0x7: {  	s21 =	simm.s32 $0x6880;
	s22 =	simm.s32 $0x7080;
	s23 =	simm.s32 $0x7880  }
0x8: {  	s24 =	simm.s32 $0x1;
	s25 =	simm.s32 $0x0;
	[smem:$0x7FF] =	sst s2  }
0x9: {  	s5 =	sand.u32 $0x1, s3;
	s6 =	sshll.u32 s1, $0xA;
	s3 =	sadd.s32 $0x47A00, s4  }
0xa: {  	s8 =	sshll.u32 s1, $0xF;
	_ =	strace $0x8000004A;
	s7 =	sshll.u32 s5, $0x9  }
0xb: {  	s31 =	ssub.s32 $0x2, s5;
	s8 =	sadd.s32 s8, s4;
	s5 =	sshll.u32 s5, $0xE  }
0xc: {  	s6 =	sor.u32 s7, s6;
	s9 =	sshrl.u32 s31, $0x1;
	s5 =	sadd.s32 s5, s8  }
0xd: {  	v2 =	vlaneseq.u32;
	s8 =	simm.s32 $0x80;
	s6 =	sshrl.u32 s6, $0x3;
	s7 =	ssub.s32 s31, s9  }
0xe: {  	vm0 =	vmmov $0xffff;
	v1 =	vshrl.u32 v2, $0x3;
	s5 =	sadd.s32 $0x307A00, s5;
	s9 =	simm.s32 $0x880;
	s6 =	sadd.s32 s6, s4  }
0xf: {  	v0 =	vand.u32 $0x7, v2;
	v2 =	vor.u32 $0x8, v2;
	v1 =	vmul.u32 $0x8, v1;
	s4 =	smax.u32 s7, $0x1;
	s7 =	simm.s32 $0x2;
	s6 =	sadd.s32 $0x7A00, s6  }
.LBB2_1:
0x10: {  	s26 =	smov.u32 s5;
	s28 =	simm.s32 $0x0  }
.LBB2_2:
0x11: {  	s29 =	sadd.s32 s28, s6  }
0x12: {  	[tilespmem:s2], [sflag:$0x2] =	stream.linear.gather [hbm4b:s29+s2], $0x80, $0x38;
	[tilespmem:$0x8080] =	vst v63  }
0x13: {  	_ =	swait.ge [sflag:s7], $0x80  }
0x14: {  	[sflag:s7] =	ssyncset.done $0x0  }
0x15: {  	[sflag:s7] =	ssyncadd.s32 $0xFFFFFF80  }
0x16: {  	v3 =	vld [tilespmem:$0x0];
	_ =	sdelay $0x4  }
0x17: {  	v4 =	vshll.u32 v3, $0x1  }
0x18: {  	v3 =	vand.u32 $0x7, v3;
	v4 =	vand.u32 $0xFFFFFFF0, v4  }
0x19: {  	v3 =	vor.u32 v3, v4  }
0x1a: {  	v4 =	vperm.xlane v3, v0;
	_ =	sdelay $0x1  }
0x1b: {  	v3 =	vperm.xlane v3, v2;
	v4 =	vadd.s32 v1, v4;
	_ =	sdelay $0x1  }
0x1c: {  	v3 =	vadd.s32 v1, v3;
	_ =	sdelay $0x2  }
0x1d: {  	[tilespmem:s8], [sflag:$0x1] =	stream.indirect_vreg.gather [hbm4b:s3+s2], $0x80, v4, vm0, $0xb8;
	[tilespmem:$0x8080] =	vst v63  }
0x1e: {  	_ = 	snop  }
0x1f: {  	[tilespmem:s9], [sflag:$0x1] =	stream.indirect_vreg.gather [hbm4b:s3+s2], $0x80, v3, vm0, $0xb8;
	[tilespmem:$0x8080] =	vst v63  }
0x20: {  	v3 =	vld [tilespmem:$0x10];
	_ =	sdelay $0x4  }
0x21: {  	v57 =	vshll.u32 v3, $0x1  }
0x22: {  	v3 =	vand.u32 $0x7, v3;
	v4 =	vand.u32 $0xFFFFFFF0, v57  }
0x23: {  	v3 =	vor.u32 v3, v4  }
0x24: {  	v4 =	vperm.xlane v3, v0;
	_ =	sdelay $0x1  }
0x25: {  	v3 =	vperm.xlane v3, v2;
	v4 =	vadd.s32 v1, v4;
	_ =	sdelay $0x1  }
0x26: {  	v3 =	vadd.s32 v1, v3;
	_ =	sdelay $0x2  }
0x27: {  	[tilespmem:s10], [sflag:$0x1] =	stream.indirect_vreg.gather [hbm4b:s3+s2], $0x80, v4, vm0, $0xb8;
	[tilespmem:$0x8080] =	vst v63  }
0x28: {  	_ = 	snop  }
0x29: {  	[tilespmem:s11], [sflag:$0x1] =	stream.indirect_vreg.gather [hbm4b:s3+s2], $0x80, v3, vm0, $0xb8;
	[tilespmem:$0x8080] =	vst v63  }
0x2a: {  	v3 =	vld [tilespmem:$0x20];
	_ =	sdelay $0x4  }
0x2b: {  	v58 =	vshll.u32 v3, $0x1  }
0x2c: {  	v3 =	vand.u32 $0x7, v3;
	v4 =	vand.u32 $0xFFFFFFF0, v58  }
0x2d: {  	v3 =	vor.u32 v3, v4  }
0x2e: {  	v4 =	vperm.xlane v3, v0;
	_ =	sdelay $0x1  }
0x2f: {  	v3 =	vperm.xlane v3, v2;
	v4 =	vadd.s32 v1, v4;
	_ =	sdelay $0x1  }
0x30: {  	v3 =	vadd.s32 v1, v3;
	_ =	sdelay $0x2  }
0x31: {  	[tilespmem:s12], [sflag:$0x1] =	stream.indirect_vreg.gather [hbm4b:s3+s2], $0x80, v4, vm0, $0xb8;
	[tilespmem:$0x8080] =	vst v63  }
0x32: {  	_ = 	snop  }
0x33: {  	[tilespmem:s13], [sflag:$0x1] =	stream.indirect_vreg.gather [hbm4b:s3+s2], $0x80, v3, vm0, $0xb8;
	[tilespmem:$0x8080] =	vst v63  }
0x34: {  	v3 =	vld [tilespmem:$0x30];
	_ =	sdelay $0x4  }
0x35: {  	v59 =	vshll.u32 v3, $0x1  }
0x36: {  	v3 =	vand.u32 $0x7, v3;
	v4 =	vand.u32 $0xFFFFFFF0, v59  }
0x37: {  	v3 =	vor.u32 v3, v4  }
0x38: {  	v4 =	vperm.xlane v3, v0;
	_ =	sdelay $0x1  }
0x39: {  	v3 =	vperm.xlane v3, v2;
	v4 =	vadd.s32 v1, v4;
	_ =	sdelay $0x1  }
0x3a: {  	v3 =	vadd.s32 v1, v3;
	_ =	sdelay $0x2  }
0x3b: {  	[tilespmem:s14], [sflag:$0x1] =	stream.indirect_vreg.gather [hbm4b:s3+s2], $0x80, v4, vm0, $0xb8;
	[tilespmem:$0x8080] =	vst v63  }
0x3c: {  	_ = 	snop  }
0x3d: {  	[tilespmem:s15], [sflag:$0x1] =	stream.indirect_vreg.gather [hbm4b:s3+s2], $0x80, v3, vm0, $0xb8;
	[tilespmem:$0x8080] =	vst v63  }
0x3e: {  	v3 =	vld [tilespmem:$0x40];
	_ =	sdelay $0x4  }
0x3f: {  	v60 =	vshll.u32 v3, $0x1  }
0x40: {  	v3 =	vand.u32 $0x7, v3;
	v4 =	vand.u32 $0xFFFFFFF0, v60  }
0x41: {  	v3 =	vor.u32 v3, v4  }
0x42: {  	v4 =	vperm.xlane v3, v0;
	_ =	sdelay $0x1  }
0x43: {  	v3 =	vperm.xlane v3, v2;
	v4 =	vadd.s32 v1, v4;
	_ =	sdelay $0x1  }
0x44: {  	v3 =	vadd.s32 v1, v3;
	_ =	sdelay $0x2  }
0x45: {  	[tilespmem:s16], [sflag:$0x1] =	stream.indirect_vreg.gather [hbm4b:s3+s2], $0x80, v4, vm0, $0xb8;
	[tilespmem:$0x8080] =	vst v63  }
0x46: {  	_ = 	snop  }
0x47: {  	[tilespmem:s17], [sflag:$0x1] =	stream.indirect_vreg.gather [hbm4b:s3+s2], $0x80, v3, vm0, $0xb8;
	[tilespmem:$0x8080] =	vst v63  }
0x48: {  	v3 =	vld [tilespmem:$0x50];
	_ =	sdelay $0x4  }
0x49: {  	v61 =	vshll.u32 v3, $0x1  }
0x4a: {  	v3 =	vand.u32 $0x7, v3;
	v4 =	vand.u32 $0xFFFFFFF0, v61  }
0x4b: {  	v3 =	vor.u32 v3, v4  }
0x4c: {  	v4 =	vperm.xlane v3, v0;
	_ =	sdelay $0x1  }
0x4d: {  	v3 =	vperm.xlane v3, v2;
	v4 =	vadd.s32 v1, v4;
	_ =	sdelay $0x1  }
0x4e: {  	v3 =	vadd.s32 v1, v3;
	_ =	sdelay $0x2  }
0x4f: {  	[tilespmem:s18], [sflag:$0x1] =	stream.indirect_vreg.gather [hbm4b:s3+s2], $0x80, v4, vm0, $0xb8;
	[tilespmem:$0x8080] =	vst v63  }
0x50: {  	_ = 	snop  }
0x51: {  	[tilespmem:s19], [sflag:$0x1] =	stream.indirect_vreg.gather [hbm4b:s3+s2], $0x80, v3, vm0, $0xb8;
	[tilespmem:$0x8080] =	vst v63  }
0x52: {  	v3 =	vld [tilespmem:$0x60];
	_ =	sdelay $0x4  }
0x53: {  	v62 =	vshll.u32 v3, $0x1  }
0x54: {  	v3 =	vand.u32 $0x7, v3;
	v4 =	vand.u32 $0xFFFFFFF0, v62  }
0x55: {  	v3 =	vor.u32 v3, v4  }
0x56: {  	v4 =	vperm.xlane v3, v0;
	_ =	sdelay $0x1  }
0x57: {  	v3 =	vperm.xlane v3, v2;
	v4 =	vadd.s32 v1, v4;
	_ =	sdelay $0x1  }
0x58: {  	v3 =	vadd.s32 v1, v3;
	_ =	sdelay $0x2  }
0x59: {  	[tilespmem:s20], [sflag:$0x1] =	stream.indirect_vreg.gather [hbm4b:s3+s2], $0x80, v4, vm0, $0xb8;
	[tilespmem:$0x8080] =	vst v63  }
0x5a: {  	_ = 	snop  }
0x5b: {  	[tilespmem:s21], [sflag:$0x1] =	stream.indirect_vreg.gather [hbm4b:s3+s2], $0x80, v3, vm0, $0xb8;
	[tilespmem:$0x8080] =	vst v63  }
0x5c: {  	v3 =	vld [tilespmem:$0x70];
	_ =	sdelay $0x4  }
0x5d: {  	v63 =	vshll.u32 v3, $0x1  }
0x5e: {  	v3 =	vand.u32 $0x7, v3;
	v4 =	vand.u32 $0xFFFFFFF0, v63  }
0x5f: {  	v3 =	vor.u32 v3, v4  }
0x60: {  	v4 =	vperm.xlane v3, v0;
	_ =	sdelay $0x1  }
0x61: {  	v3 =	vperm.xlane v3, v2;
	v4 =	vadd.s32 v1, v4;
	_ =	sdelay $0x1  }
0x62: {  	v3 =	vadd.s32 v1, v3;
	_ =	sdelay $0x2  }
0x63: {  	[tilespmem:s22], [sflag:$0x1] =	stream.indirect_vreg.gather [hbm4b:s3+s2], $0x80, v4, vm0, $0xb8;
	[tilespmem:$0x8080] =	vst v63  }
0x64: {  	_ = 	snop  }
0x65: {  	[tilespmem:s23], [sflag:$0x1] =	stream.indirect_vreg.gather [hbm4b:s3+s2], $0x80, v3, vm0, $0xb8;
	[tilespmem:$0x8080] =	vst v63  }
0x66: {  	_ =	swait.ge [sflag:s24], $0x8000  }
0x67: {  	p0 =	sne.s32 s28, $0x30;
	[sflag:s24] =	ssyncset.done $0x0  }
.Ltmp0:
0x68: {  	[sflag:s24] =	ssyncadd.s32 $0xFFFF8000;
	(pc) =	sbr.rel @p0 .LBB2_2-.Ltmp0, $4  }
0x69: {  	[hbm4b:s26+s2] =	stream.linear.scatter [tilespmem:s8], [sflag:$0x2], $0x8000, $0x38;
	[tilespmem:$0x8080] =	vst v63  }
0x6a: {  	_ =	swait.ge [sflag:s7], $0x8000  }
0x6b: {  	[sflag:s7] =	ssyncset.done $0x0  }
0x6c: {  	s28 =	sadd.s32 $0x10, s28;
	s26 =	sadd.s32 $0x1000, s26;
	[sflag:s7] =	ssyncadd.s32 $0xFFFF8000  }
0x6d: {  	s25 =	sadd.s32 $0x1, s25  }
0x6e: {  	p0 =	sne.s32 s25, s4  }
.Ltmp1:
0x6f: {  	_ = 	snop;
	(pc) =	sbr.rel @p0 .LBB2_1-.Ltmp1, $1  }
0x70: {  	_ =	sdelay $0x3  }
0x71: {  	_ =	sfence.sel $0x180000  }
0x72: {  	[bflag:$0x0] =	sbarrier.arrive $0xFFFF  }
0x73: {  	p0 =	sne.s32 s1, $0x0;
	_ =	strace $0x9000004A  }
0x74: {  	s0 =	sadd.s32 @!p0 $0x100000, s0;
	[bflag:$0x2] =	sbarrier.arrive $0xFFFF  }
0x75: {  	[sflag:s0] =	ssyncadd.tile.s32 @!p0 $0x1;
	_ =	shalt  }
.Lfunc_end2:
_tile_overlayer_lowered:
.L_overlay_start_2:
0x76: {  	(tag) =	ssettag $0x2  }
0x77: {  	s0 =	rddreg [dreg:$0x0];
	s2 =	stileid.u32  }
0x78: {  	s1 =	rddreg [dreg:$0x1];
	p0 =	sne.s32 s2, $0x0  }
0x79: {  	s3 =	rddreg [dreg:$0x2];
	[bflag:$0x3] =	sbarrier.arrive $0xFFFF;
	s2 =	simm.s32 @!p0 $0x1C02  }
0x7a: {  	[timem:s3], [sflag:s2] =	dma.local @!p0 [hbm:s0], s1  }
0x7b: {  	s0 =	simm.s32 @!p0 $0x2  }
0x7c: {  	_ =	swait.ge @!p0 [sflag:s0], s1  }
0x7d: {  	s1 =	ssub.s32 @!p0 $0x0, s1;
	[sflag:s0] =	ssyncset.done @!p0 $0x0  }
0x7e: {  	[sflag:s0] =	ssyncadd.s32 @!p0 s1  }
0x7f: {  	[bflag:$0x3] =	sbarrier.arrive $0xFFFF  }
0x80: {  	_ =	shalt  }

// kernel: kernel.24.cloned.1.call-start
scs
__scs_entry_jumppad:
0x0: {  	(pc) =	sbr.rel $0x88, $3  }
0x1: {  	(tag) =	ssettag $0x0;
	lr =	simm.s32 $0x1  }
0x2: {  	[smem:$0x3F9F] =	sst lr;
	_ =	strace $0xD0000000  }
0x3: {  	_ = 	snop  }
0x4: {  	_ = 	snop  }
0x5: {  	_ = 	snop  }
0x6: {  	_ = 	snop  }
0x7: {  	_ = 	snop  }
__scs_overlays_trampoline_lowered:
0x8: {  	[smem:$0x3FAE] =	sst s0  }
0x9: {  	[smem:$0x3FAF] =	sst s1  }
0xa: {  	[smem:$0x3FB0] =	sst s2  }
0xb: {  	[smem:$0x3FB1] =	sst s3  }
0xc: {  	[smem:$0x3FB2] =	sst s4  }
0xd: {  	[smem:$0x3FB3] =	sst s5  }
0xe: {  	[smem:$0x3FB4] =	sst s6  }
0xf: {  	[smem:$0x3FB5] =	sst s7  }
0x10: {  	[smem:$0x3FB6] =	sst s8  }
0x11: {  	[smem:$0x3FB7] =	sst s9;
	s0 =	simm.s32 @!p0 $0x0  }
0x12: {  	s1 =	sld [smem:$0x3F9D];
	s0 =	simm.s32 @p0 $0x1  }
0x13: {  	[smem:$0x3FB8] =	sst s0;
	s0 =	simm.s32 @!p1 $0x0  }
0x14: {  	s2 =	sld [smem:$0x3F9C];
	s0 =	simm.s32 @p1 $0x1  }
0x15: {  	[smem:$0x3FB9] =	sst s0;
	s0 =	simm.s32 @!p2 $0x0  }
0x16: {  	s3 =	sld [smem:$0x3FDB];
	s0 =	simm.s32 @p2 $0x1  }
0x17: {  	s4 =	simm.s32 $0x1BF5;
	[smem:$0x3FBB] =	sst s0  }
0x18: {  	s0 =	sld [smem:$0x3F9E];
	_ =	swait.ge [sflag:s4], $0x0  }
0x19: {  	s7 =	sld [smem:$0x3F9F]  }
0x1a: {  	s8 =	sadd.s32 $0xFFFFE003, lr  }
0x1b: {  	s9 =	sadd.s32 $0xFFFFFEF7, lr;
	s5 =	simm.s32 $0xFFFFFFFF;
	p2 =	slt.u32 s8, $0xFFFFF086  }
0x1c: {  	p1 =	slt.u32 s9, $0xF7A;
	s5 =	simm.s32 @!p2 $0x0  }
0x1d: {  	s5 =	simm.s32 @p1 $0x1;
	p0 =	seq.s32 s7, s2  }
0x1e: {  	s7 =	smul.u32 @!p0 $0xF7A, s2;
	p2 =	seq.s32 @!p0 s5, $0x0  }
0x1f: {  	s9 =	smul.u32 $0xF7A, s1;
	s8 =	simm.s32 @!p0 $0x1BF5;
	p2 =	por !p2, p0  }
0x20: {  	[sflag:s8] =	ssyncset.s32 @!p0 $0xFFFFF086;
	s6 =	sadd.s32 @!p0 s3, s7;
	s7 =	simm.s32 @!p0 $0x108  }
0x21: {  	s3 =	sadd.s32 s3, s9;
	s6 =	sadd.s32 @!p0 $0x88, s6;
	s7 =	simm.s32 @p2 $0x1082  }
0x22: {  	[simem:s7], [sflag:s8] =	dma.local @!p0 [hbm:s6], $0xF7A  }
0x23: {  	s9 =	sor.u32 $0xD0000000, s2;
	s6 =	simm.s32 $0x108;
	_ =	swait.ge @!p0 [sflag:s8], $0x0  }
0x24: {  	s3 =	sadd.s32 $0x88, s3;
	s6 =	simm.s32 @!p1 $0x1082;
	[sflag:s4] =	ssyncset.s32 $0xFFFFF086  }
0x25: {  	[simem:s6], [sflag:s4] =	dma.local [hbm:s3], $0xF7A  }
0x26: {  	[smem:$0x3F9F] =	sst s1;
	(tag) =	ssettag s2;
	_ =	strace s9  }
0x27: {  	s1 =	sld [smem:$0x3FAF]  }
0x28: {  	s2 =	sld [smem:$0x3FB0]  }
0x29: {  	s4 =	sld [smem:$0x3FB2]  }
0x2a: {  	p0 =	seq.s32 s5, $0x0;
	s5 =	sld [smem:$0x3FB3]  }
0x2b: {  	s6 =	sld [smem:$0x3FB4]  }
0x2c: {  	s7 =	sld [smem:$0x3FB5]  }
0x2d: {  	s3 =	simm.s32 $0x108;
	s8 =	sld [smem:$0x3FB6]  }
0x2e: {  	s3 =	simm.s32 @!p0 $0x1082;
	s9 =	sld [smem:$0x3FB7]  }
0x2f: {  	lr =	sadd.s32 s0, s3;
	s0 =	sld [smem:$0x3FAE]  }
0x30: {  	s3 =	sld [smem:$0x3FB1]  }
0x31: {  	[smem:$0x3FBA] =	sst s10  }
0x32: {  	s10 =	sld [smem:$0x3FB8];
	_ =	sdelay $0x3  }
0x33: {  	p0 =	seq.s32 s10, $0x1;
	s10 =	sld [smem:$0x3FBA];
	_ =	sdelay $0x3  }
0x34: {  	[smem:$0x3FBA] =	sst s10  }
0x35: {  	s10 =	sld [smem:$0x3FB9];
	_ =	sdelay $0x3  }
0x36: {  	p1 =	seq.s32 s10, $0x1;
	s10 =	sld [smem:$0x3FBA];
	_ =	sdelay $0x3  }
0x37: {  	[smem:$0x3FBA] =	sst s10  }
0x38: {  	s10 =	sld [smem:$0x3FBB]  }
0x39: {  	_ = 	snop;
	(pc) =	sbr.ind lr, $3  }
0x3a: {  	_ = 	snop  }
0x3b: {  	_ = 	snop  }
0x3c: {  	p2 =	seq.s32 s10, $0x1;
	s10 =	sld [smem:$0x3FBA]  }
0x3d: {  	_ =	shalt  }
0x3e: {  	_ =	shalt  }
0x3f: {  	_ =	shalt  }
0x40: {  	_ =	shalt  }
0x41: {  	_ =	shalt  }
0x42: {  	_ =	shalt  }
0x43: {  	_ =	shalt  }
0x44: {  	_ =	shalt  }
0x45: {  	_ =	shalt  }
0x46: {  	_ =	shalt  }
0x47: {  	_ =	shalt  }
0x48: {  	_ =	shalt  }
0x49: {  	_ =	shalt  }
0x4a: {  	_ =	shalt  }
0x4b: {  	_ =	shalt  }
0x4c: {  	_ =	shalt  }
0x4d: {  	_ =	shalt  }
0x4e: {  	_ =	shalt  }
0x4f: {  	_ =	shalt  }
0x50: {  	_ =	shalt  }
0x51: {  	_ =	shalt  }
0x52: {  	_ =	shalt  }
0x53: {  	_ =	shalt  }
0x54: {  	_ =	shalt  }
0x55: {  	_ =	shalt  }
0x56: {  	_ =	shalt  }
0x57: {  	_ =	shalt  }
0x58: {  	_ =	shalt  }
0x59: {  	_ =	shalt  }
0x5a: {  	_ =	shalt  }
0x5b: {  	_ =	shalt  }
0x5c: {  	_ =	shalt  }
0x5d: {  	_ =	shalt  }
0x5e: {  	_ =	shalt  }
0x5f: {  	_ =	shalt  }
0x60: {  	_ =	shalt  }
0x61: {  	_ =	shalt  }
0x62: {  	_ =	shalt  }
0x63: {  	_ =	shalt  }
0x64: {  	_ =	shalt  }
0x65: {  	_ =	shalt  }
0x66: {  	_ =	shalt  }
0x67: {  	_ =	shalt  }
0x68: {  	_ =	shalt  }
0x69: {  	_ =	shalt  }
0x6a: {  	_ =	shalt  }
0x6b: {  	_ =	shalt  }
0x6c: {  	_ =	shalt  }
0x6d: {  	_ =	shalt  }
0x6e: {  	_ =	shalt  }
0x6f: {  	_ =	shalt  }
0x70: {  	_ =	shalt  }
0x71: {  	_ =	shalt  }
0x72: {  	_ =	shalt  }
0x73: {  	_ =	shalt  }
0x74: {  	_ =	shalt  }
0x75: {  	_ =	shalt  }
0x76: {  	_ =	shalt  }
0x77: {  	_ =	shalt  }
0x78: {  	_ =	shalt  }
0x79: {  	_ =	shalt  }
0x7a: {  	_ =	shalt  }
0x7b: {  	_ =	shalt  }
0x7c: {  	_ =	shalt  }
0x7d: {  	_ =	shalt  }
0x7e: {  	_ =	shalt  }
0x7f: {  	_ =	shalt  }
0x80: {  	_ =	shalt  }
0x81: {  	_ =	shalt  }
0x82: {  	_ =	shalt  }
0x83: {  	_ =	shalt  }
0x84: {  	_ =	shalt  }
0x85: {  	_ =	shalt  }
0x86: {  	_ =	shalt  }
0x87: {  	_ =	shalt  }
.Lfunc_end0:
.L_simem_size_0:
called_computation.2_lowered:
.L_overlay_start_0:
0x88: {  	s2 =	sld [smem:$0x3FD9]  }
0x89: {  	s3 =	sld [smem:$0x3FFE];
	_ =	sdelay $0x1  }
0x8a: {  	s1 =	srdreg.scid  }
0x8b: {  	s0 =	sand.u32 $0x1, s1  }
0x8c: {  	s16 =	sshll.u32 s0, $0xA;
	s2 =	sadd.s32 s3, s2  }
0x8d: {  	s2 =	sadd.s32 s2, s16  }
0x8e: {  	[smem:$0x3FC6] =	sst s2  }
0x8f: {  	_ = 	snop  }
0x90: {  	(tm) =	ssettm $0x1  }
0x91: {  	s17 =	sld [smem:$0x3FFB];
	_ =	sdelay $0x3  }
0x92: {  	_ =	strace s17  }
0x93: {  	s2 =	sld [smem:$0x3FFC];
	_ =	sdelay $0x3  }
0x94: {  	_ =	strace s2  }
0x95: {  	s2 =	sld [smem:$0x3FFD];
	_ =	sdelay $0x3  }
0x96: {  	_ =	strace s2  }
0x97: {  	_ =	strace $0x8FFFFFFF  }
0x98: {  	s18 =	sld [smem:$0x3FDB];
	_ =	sdelay $0x1  }
0x99: {  	s19 =	simm.s32 $_scs_section_size  }
0x9a: {  	s4 =	simm.s32 $_size__tile_overlayer_lowered;
	s5 =	simm.s32 $_tile_overlayer_lowered  }
0x9b: {  	s22 =	simm.s32 $0x1BFF;
	s21 =	sshll.u32 s5, $0x1;
	s2 =	sadd.s32 s19, s18  }
0x9c: {  	s6 =	simm.s32 $0x0;
	s20 =	sshll.u32 s4, $0x1;
	s4 =	sadd.s32 s21, s2  }
0x9d: {  	[timem:s6], [sflag:s22] =	dma.local [hbm:s4], s20  }
0x9e: {  	_ =	swait.ge [sflag:s22], s20  }
0x9f: {  	s3 =	ssub.s32 $0x0, s20;
	[sflag:s22] =	ssyncset.done $0x0  }
0xa0: {  	[sflag:s22] =	ssyncadd.s32 s3;
	_ =	sdelay $0x1  }
0xa1: {  	s23 =	simm.s32 $0x1B8B  }
0xa2: {  	_ =	swait.ge [sflag:s23], $0x1  }
0xa3: {  	[sflag:s23] =	ssyncset.done $0x0  }
0xa4: {  	s25 =	simm.s32 $0x1B8E;
	s24 =	sld [smem:$0x3FFE];
	[sflag:s23] =	ssyncadd.s32 $0xFFFFFFFF  }
0xa5: {  	s26 =	simm.s32 $execute0_lowered;
	[smem:$0x3FD2] =	sst s25  }
0xa6: {  	s4 =	sshll.u32 s26, $0x1;
	_ =	strace $0x8000004C;
	[dreg:$0x1] =	wrdreg $0xFFFFFFFF  }
0xa7: {  	s28 =	simm.s32 $_size_execute0_lowered;
	s2 =	sadd.s32 s2, s4;
	[dreg:$0x0] =	wrdreg $0x0  }
0xa8: {  	s4 =	sshll.u32 s28, $0x1;
	[dreg:$0x2] =	wrdreg s2  }
0xa9: {  	[dreg:$0x3] =	wrdreg s4  }
0xaa: {  	[dreg:$0x4] =	wrdreg $0xC0  }
0xab: {  	_ =	task [dreg:s6], $0x5FFFF  }
0xac: {  	[dreg:$0x1] =	wrdreg $0xFFFFFFFF  }
0xad: {  	[dreg:$0x0] =	wrdreg $0x60  }
0xae: {  	[dreg:$0x2] =	wrdreg s24  }
0xaf: {  	[dreg:$0x3] =	wrdreg $0x9  }
0xb0: {  	_ =	task.clear_ibuf [dreg:s6], $0x4FFFF;
	_ =	strace $0x9000004C  }
0xb1: {  	s29 =	simm.s32 $0x9;
	_ =	strace $0x8000004E  }
0xb2: {  	_ =	swait.ge [sflag:s29], $0x1  }
0xb3: {  	[sflag:s29] =	ssyncadd.s32 $0xFFFFFFFF  }
0xb4: {  	_ =	strace $0x9000004E  }
0xb5: {  	_ =	sfence  }
0xb6: {  	s30 =	sld [smem:$0x0];
	_ =	sdelay $0x2  }
0xb7: {  	s31 =	sshll.u32 s1, $0xD;
	s1 =	sshrl.u32 s1, $0x2  }
0xb8: {  	s3 =	sand.u32 $0x4000, s31;
	s1 =	sadd.s32 s1, s30  }
0xb9: {  	s0 =	sor.u32 s3, s0;
	s1 =	sshll.u32 s1, $0x11  }
0xba: {  	s0 =	sor.u32 s1, s0  }
0xbb: {  	s0 =	sadd.s32 $0x8F2B, s0  }
0xbc: {  	[sflag:s0] =	ssyncadd.remote.s32 $0x1  }
0xbd: {  	_ =	sfence.sel $0xFFFF  }
0xbe: {  	[dreg:$0x0] =	wrdreg $0xFFFFFFFF;
	(pc) =	sbr.abs _section_cstart, $3  }
0xbf: {  	[dreg:$0x1] =	wrdreg $0xFFFFFFFF  }
0xc0: {  	_ =	task.clear_ibuf [dreg:s6], $0x2FFFF;
	_ =	strace $0x9FFFFFFF  }
0xc1: {  	(tm) =	ssettm $0x7FFFFFFF  }
tec
execute0_lowered:
.L_overlay_start_1:
0x0: {  	(tag) =	ssettag $0x1  }
0x1: {  	s4 =	rddreg [dreg:$0x0]  }
0x2: {  	s0 =	rddreg [dreg:$0x1];
	s2 =	simm.s32 $0x0;
	s3 =	srdreg.scid  }
0x3: {  	s1 =	stileid.u32;
	s10 =	simm.s32 $0x1080;
	s11 =	simm.s32 $0x1880  }
0x4: {  	s12 =	simm.s32 $0x2080;
	s13 =	simm.s32 $0x2880;
	s14 =	simm.s32 $0x3080  }
0x5: {  	s15 =	simm.s32 $0x3880;
	s16 =	simm.s32 $0x4080;
	s17 =	simm.s32 $0x4880  }
0x6: {  	s18 =	simm.s32 $0x5080;
	s19 =	simm.s32 $0x5880;
	s20 =	simm.s32 $0x6080  }
0x7: {  	s21 =	simm.s32 $0x6880;
	s22 =	simm.s32 $0x7080;
	s23 =	simm.s32 $0x7880  }
0x8: {  	s24 =	simm.s32 $0x1;
	s25 =	simm.s32 $0x0;
	[smem:$0x7FF] =	sst s2  }
0x9: {  	s5 =	sand.u32 $0x1, s3;
	s6 =	sshll.u32 s1, $0xA;
	s3 =	sadd.s32 $0x87A00, s4  }
0xa: {  	s8 =	sshll.u32 s1, $0xF;
	_ =	strace $0x8000004D;
	s7 =	sshll.u32 s5, $0x9  }
0xb: {  	s31 =	ssub.s32 $0x2, s5;
	s8 =	sadd.s32 s8, s4;
	s5 =	sshll.u32 s5, $0xE  }
0xc: {  	s6 =	sor.u32 s7, s6;
	s9 =	sshrl.u32 s31, $0x1;
	s5 =	sadd.s32 s5, s8  }
0xd: {  	v2 =	vlaneseq.u32;
	s8 =	simm.s32 $0x80;
	s6 =	sshrl.u32 s6, $0x3;
	s7 =	ssub.s32 s31, s9  }
0xe: {  	vm0 =	vmmov $0xffff;
	v1 =	vshrl.u32 v2, $0x3;
	s5 =	sadd.s32 $0x547A00, s5;
	s9 =	simm.s32 $0x880;
	s6 =	sadd.s32 s6, s4  }
0xf: {  	v0 =	vand.u32 $0x7, v2;
	v2 =	vor.u32 $0x8, v2;
	v1 =	vmul.u32 $0x8, v1;
	s4 =	smax.u32 s7, $0x1;
	s7 =	simm.s32 $0x2;
	s6 =	sadd.s32 $0x8200, s6  }
.LBB2_1:
0x10: {  	s26 =	smov.u32 s5;
	s28 =	simm.s32 $0x0  }
.LBB2_2:
0x11: {  	s29 =	sadd.s32 s28, s6  }
0x12: {  	[tilespmem:s2], [sflag:$0x2] =	stream.linear.gather [hbm4b:s29+s2], $0x80, $0x38;
	[tilespmem:$0x8080] =	vst v63  }
0x13: {  	_ =	swait.ge [sflag:s7], $0x80  }
0x14: {  	[sflag:s7] =	ssyncset.done $0x0  }
0x15: {  	[sflag:s7] =	ssyncadd.s32 $0xFFFFFF80  }
0x16: {  	v3 =	vld [tilespmem:$0x0];
	_ =	sdelay $0x4  }
0x17: {  	v4 =	vshll.u32 v3, $0x1  }
0x18: {  	v3 =	vand.u32 $0x7, v3;
	v4 =	vand.u32 $0xFFFFFFF0, v4  }
0x19: {  	v3 =	vor.u32 v3, v4  }
0x1a: {  	v4 =	vperm.xlane v3, v0;
	_ =	sdelay $0x1  }
0x1b: {  	v3 =	vperm.xlane v3, v2;
	v4 =	vadd.s32 v1, v4;
	_ =	sdelay $0x1  }
0x1c: {  	v3 =	vadd.s32 v1, v3;
	_ =	sdelay $0x2  }
0x1d: {  	[tilespmem:s8], [sflag:$0x1] =	stream.indirect_vreg.gather [hbm4b:s3+s2], $0x80, v4, vm0, $0xb8;
	[tilespmem:$0x8080] =	vst v63  }
0x1e: {  	_ = 	snop  }
0x1f: {  	[tilespmem:s9], [sflag:$0x1] =	stream.indirect_vreg.gather [hbm4b:s3+s2], $0x80, v3, vm0, $0xb8;
	[tilespmem:$0x8080] =	vst v63  }
0x20: {  	v3 =	vld [tilespmem:$0x10];
	_ =	sdelay $0x4  }
0x21: {  	v57 =	vshll.u32 v3, $0x1  }
0x22: {  	v3 =	vand.u32 $0x7, v3;
	v4 =	vand.u32 $0xFFFFFFF0, v57  }
0x23: {  	v3 =	vor.u32 v3, v4  }
0x24: {  	v4 =	vperm.xlane v3, v0;
	_ =	sdelay $0x1  }
0x25: {  	v3 =	vperm.xlane v3, v2;
	v4 =	vadd.s32 v1, v4;
	_ =	sdelay $0x1  }
0x26: {  	v3 =	vadd.s32 v1, v3;
	_ =	sdelay $0x2  }
0x27: {  	[tilespmem:s10], [sflag:$0x1] =	stream.indirect_vreg.gather [hbm4b:s3+s2], $0x80, v4, vm0, $0xb8;
	[tilespmem:$0x8080] =	vst v63  }
0x28: {  	_ = 	snop  }
0x29: {  	[tilespmem:s11], [sflag:$0x1] =	stream.indirect_vreg.gather [hbm4b:s3+s2], $0x80, v3, vm0, $0xb8;
	[tilespmem:$0x8080] =	vst v63  }
0x2a: {  	v3 =	vld [tilespmem:$0x20];
	_ =	sdelay $0x4  }
0x2b: {  	v58 =	vshll.u32 v3, $0x1  }
0x2c: {  	v3 =	vand.u32 $0x7, v3;
	v4 =	vand.u32 $0xFFFFFFF0, v58  }
0x2d: {  	v3 =	vor.u32 v3, v4  }
0x2e: {  	v4 =	vperm.xlane v3, v0;
	_ =	sdelay $0x1  }
0x2f: {  	v3 =	vperm.xlane v3, v2;
	v4 =	vadd.s32 v1, v4;
	_ =	sdelay $0x1  }
0x30: {  	v3 =	vadd.s32 v1, v3;
	_ =	sdelay $0x2  }
0x31: {  	[tilespmem:s12], [sflag:$0x1] =	stream.indirect_vreg.gather [hbm4b:s3+s2], $0x80, v4, vm0, $0xb8;
	[tilespmem:$0x8080] =	vst v63  }
0x32: {  	_ = 	snop  }
0x33: {  	[tilespmem:s13], [sflag:$0x1] =	stream.indirect_vreg.gather [hbm4b:s3+s2], $0x80, v3, vm0, $0xb8;
	[tilespmem:$0x8080] =	vst v63  }
0x34: {  	v3 =	vld [tilespmem:$0x30];
	_ =	sdelay $0x4  }
0x35: {  	v59 =	vshll.u32 v3, $0x1  }
0x36: {  	v3 =	vand.u32 $0x7, v3;
	v4 =	vand.u32 $0xFFFFFFF0, v59  }
0x37: {  	v3 =	vor.u32 v3, v4  }
0x38: {  	v4 =	vperm.xlane v3, v0;
	_ =	sdelay $0x1  }
0x39: {  	v3 =	vperm.xlane v3, v2;
	v4 =	vadd.s32 v1, v4;
	_ =	sdelay $0x1  }
0x3a: {  	v3 =	vadd.s32 v1, v3;
	_ =	sdelay $0x2  }
0x3b: {  	[tilespmem:s14], [sflag:$0x1] =	stream.indirect_vreg.gather [hbm4b:s3+s2], $0x80, v4, vm0, $0xb8;
	[tilespmem:$0x8080] =	vst v63  }
0x3c: {  	_ = 	snop  }
0x3d: {  	[tilespmem:s15], [sflag:$0x1] =	stream.indirect_vreg.gather [hbm4b:s3+s2], $0x80, v3, vm0, $0xb8;
	[tilespmem:$0x8080] =	vst v63  }
0x3e: {  	v3 =	vld [tilespmem:$0x40];
	_ =	sdelay $0x4  }
0x3f: {  	v60 =	vshll.u32 v3, $0x1  }
0x40: {  	v3 =	vand.u32 $0x7, v3;
	v4 =	vand.u32 $0xFFFFFFF0, v60  }
0x41: {  	v3 =	vor.u32 v3, v4  }
0x42: {  	v4 =	vperm.xlane v3, v0;
	_ =	sdelay $0x1  }
0x43: {  	v3 =	vperm.xlane v3, v2;
	v4 =	vadd.s32 v1, v4;
	_ =	sdelay $0x1  }
0x44: {  	v3 =	vadd.s32 v1, v3;
	_ =	sdelay $0x2  }
0x45: {  	[tilespmem:s16], [sflag:$0x1] =	stream.indirect_vreg.gather [hbm4b:s3+s2], $0x80, v4, vm0, $0xb8;
	[tilespmem:$0x8080] =	vst v63  }
0x46: {  	_ = 	snop  }
0x47: {  	[tilespmem:s17], [sflag:$0x1] =	stream.indirect_vreg.gather [hbm4b:s3+s2], $0x80, v3, vm0, $0xb8;
	[tilespmem:$0x8080] =	vst v63  }
0x48: {  	v3 =	vld [tilespmem:$0x50];
	_ =	sdelay $0x4  }
0x49: {  	v61 =	vshll.u32 v3, $0x1  }
0x4a: {  	v3 =	vand.u32 $0x7, v3;
	v4 =	vand.u32 $0xFFFFFFF0, v61  }
0x4b: {  	v3 =	vor.u32 v3, v4  }
0x4c: {  	v4 =	vperm.xlane v3, v0;
	_ =	sdelay $0x1  }
0x4d: {  	v3 =	vperm.xlane v3, v2;
	v4 =	vadd.s32 v1, v4;
	_ =	sdelay $0x1  }
0x4e: {  	v3 =	vadd.s32 v1, v3;
	_ =	sdelay $0x2  }
0x4f: {  	[tilespmem:s18], [sflag:$0x1] =	stream.indirect_vreg.gather [hbm4b:s3+s2], $0x80, v4, vm0, $0xb8;
	[tilespmem:$0x8080] =	vst v63  }
0x50: {  	_ = 	snop  }
0x51: {  	[tilespmem:s19], [sflag:$0x1] =	stream.indirect_vreg.gather [hbm4b:s3+s2], $0x80, v3, vm0, $0xb8;
	[tilespmem:$0x8080] =	vst v63  }
0x52: {  	v3 =	vld [tilespmem:$0x60];
	_ =	sdelay $0x4  }
0x53: {  	v62 =	vshll.u32 v3, $0x1  }
0x54: {  	v3 =	vand.u32 $0x7, v3;
	v4 =	vand.u32 $0xFFFFFFF0, v62  }
0x55: {  	v3 =	vor.u32 v3, v4  }
0x56: {  	v4 =	vperm.xlane v3, v0;
	_ =	sdelay $0x1  }
0x57: {  	v3 =	vperm.xlane v3, v2;
	v4 =	vadd.s32 v1, v4;
	_ =	sdelay $0x1  }
0x58: {  	v3 =	vadd.s32 v1, v3;
	_ =	sdelay $0x2  }
0x59: {  	[tilespmem:s20], [sflag:$0x1] =	stream.indirect_vreg.gather [hbm4b:s3+s2], $0x80, v4, vm0, $0xb8;
	[tilespmem:$0x8080] =	vst v63  }
0x5a: {  	_ = 	snop  }
0x5b: {  	[tilespmem:s21], [sflag:$0x1] =	stream.indirect_vreg.gather [hbm4b:s3+s2], $0x80, v3, vm0, $0xb8;
	[tilespmem:$0x8080] =	vst v63  }
0x5c: {  	v3 =	vld [tilespmem:$0x70];
	_ =	sdelay $0x4  }
0x5d: {  	v63 =	vshll.u32 v3, $0x1  }
0x5e: {  	v3 =	vand.u32 $0x7, v3;
	v4 =	vand.u32 $0xFFFFFFF0, v63  }
0x5f: {  	v3 =	vor.u32 v3, v4  }
0x60: {  	v4 =	vperm.xlane v3, v0;
	_ =	sdelay $0x1  }
0x61: {  	v3 =	vperm.xlane v3, v2;
	v4 =	vadd.s32 v1, v4;
	_ =	sdelay $0x1  }
0x62: {  	v3 =	vadd.s32 v1, v3;
	_ =	sdelay $0x2  }
0x63: {  	[tilespmem:s22], [sflag:$0x1] =	stream.indirect_vreg.gather [hbm4b:s3+s2], $0x80, v4, vm0, $0xb8;
	[tilespmem:$0x8080] =	vst v63  }
0x64: {  	_ = 	snop  }
0x65: {  	[tilespmem:s23], [sflag:$0x1] =	stream.indirect_vreg.gather [hbm4b:s3+s2], $0x80, v3, vm0, $0xb8;
	[tilespmem:$0x8080] =	vst v63  }
0x66: {  	_ =	swait.ge [sflag:s24], $0x8000  }
0x67: {  	p0 =	sne.s32 s28, $0x30;
	[sflag:s24] =	ssyncset.done $0x0  }
.Ltmp0:
0x68: {  	[sflag:s24] =	ssyncadd.s32 $0xFFFF8000;
	(pc) =	sbr.rel @p0 .LBB2_2-.Ltmp0, $4  }
0x69: {  	[hbm4b:s26+s2] =	stream.linear.scatter [tilespmem:s8], [sflag:$0x2], $0x8000, $0x38;
	[tilespmem:$0x8080] =	vst v63  }
0x6a: {  	_ =	swait.ge [sflag:s7], $0x8000  }
0x6b: {  	[sflag:s7] =	ssyncset.done $0x0  }
0x6c: {  	s28 =	sadd.s32 $0x10, s28;
	s26 =	sadd.s32 $0x1000, s26;
	[sflag:s7] =	ssyncadd.s32 $0xFFFF8000  }
0x6d: {  	s25 =	sadd.s32 $0x1, s25  }
0x6e: {  	p0 =	sne.s32 s25, s4  }
.Ltmp1:
0x6f: {  	_ = 	snop;
	(pc) =	sbr.rel @p0 .LBB2_1-.Ltmp1, $1  }
0x70: {  	_ =	sdelay $0x3  }
0x71: {  	_ =	sfence.sel $0x180000  }
0x72: {  	[bflag:$0x0] =	sbarrier.arrive $0xFFFF  }
0x73: {  	p0 =	sne.s32 s1, $0x0;
	_ =	strace $0x9000004D  }
0x74: {  	s0 =	sadd.s32 @!p0 $0x100000, s0;
	[bflag:$0x2] =	sbarrier.arrive $0xFFFF  }
0x75: {  	[sflag:s0] =	ssyncadd.tile.s32 @!p0 $0x1;
	_ =	shalt  }
.Lfunc_end2:
_tile_overlayer_lowered:
.L_overlay_start_2:
0x76: {  	(tag) =	ssettag $0x2  }
0x77: {  	s0 =	rddreg [dreg:$0x0];
	s2 =	stileid.u32  }
0x78: {  	s1 =	rddreg [dreg:$0x1];
	p0 =	sne.s32 s2, $0x0  }
0x79: {  	s3 =	rddreg [dreg:$0x2];
	[bflag:$0x3] =	sbarrier.arrive $0xFFFF;
	s2 =	simm.s32 @!p0 $0x1C02  }
0x7a: {  	[timem:s3], [sflag:s2] =	dma.local @!p0 [hbm:s0], s1  }
0x7b: {  	s0 =	simm.s32 @!p0 $0x2  }
0x7c: {  	_ =	swait.ge @!p0 [sflag:s0], s1  }
0x7d: {  	s1 =	ssub.s32 @!p0 $0x0, s1;
	[sflag:s0] =	ssyncset.done @!p0 $0x0  }
0x7e: {  	[sflag:s0] =	ssyncadd.s32 @!p0 s1  }
0x7f: {  	[bflag:$0x3] =	sbarrier.arrive $0xFFFF  }
0x80: {  	_ =	shalt  }

// kernel: kernel.27.cloned.1.call-start
scs
__scs_entry_jumppad:
0x0: {  	(pc) =	sbr.rel $0x88, $3  }
0x1: {  	(tag) =	ssettag $0x0;
	lr =	simm.s32 $0x1  }
0x2: {  	[smem:$0x3F9F] =	sst lr;
	_ =	strace $0xD0000000  }
0x3: {  	_ = 	snop  }
0x4: {  	_ = 	snop  }
0x5: {  	_ = 	snop  }
0x6: {  	_ = 	snop  }
0x7: {  	_ = 	snop  }
__scs_overlays_trampoline_lowered:
0x8: {  	[smem:$0x3FAE] =	sst s0  }
0x9: {  	[smem:$0x3FAF] =	sst s1  }
0xa: {  	[smem:$0x3FB0] =	sst s2  }
0xb: {  	[smem:$0x3FB1] =	sst s3  }
0xc: {  	[smem:$0x3FB2] =	sst s4  }
0xd: {  	[smem:$0x3FB3] =	sst s5  }
0xe: {  	[smem:$0x3FB4] =	sst s6  }
0xf: {  	[smem:$0x3FB5] =	sst s7  }
0x10: {  	[smem:$0x3FB6] =	sst s8  }
0x11: {  	[smem:$0x3FB7] =	sst s9;
	s0 =	simm.s32 @!p0 $0x0  }
0x12: {  	s1 =	sld [smem:$0x3F9D];
	s0 =	simm.s32 @p0 $0x1  }
0x13: {  	[smem:$0x3FB8] =	sst s0;
	s0 =	simm.s32 @!p1 $0x0  }
0x14: {  	s2 =	sld [smem:$0x3F9C];
	s0 =	simm.s32 @p1 $0x1  }
0x15: {  	[smem:$0x3FB9] =	sst s0;
	s0 =	simm.s32 @!p2 $0x0  }
0x16: {  	s3 =	sld [smem:$0x3FDB];
	s0 =	simm.s32 @p2 $0x1  }
0x17: {  	s4 =	simm.s32 $0x1BF5;
	[smem:$0x3FBB] =	sst s0  }
0x18: {  	s0 =	sld [smem:$0x3F9E];
	_ =	swait.ge [sflag:s4], $0x0  }
0x19: {  	s7 =	sld [smem:$0x3F9F]  }
0x1a: {  	s8 =	sadd.s32 $0xFFFFE003, lr  }
0x1b: {  	s9 =	sadd.s32 $0xFFFFFEF7, lr;
	s5 =	simm.s32 $0xFFFFFFFF;
	p2 =	slt.u32 s8, $0xFFFFF086  }
0x1c: {  	p1 =	slt.u32 s9, $0xF7A;
	s5 =	simm.s32 @!p2 $0x0  }
0x1d: {  	s5 =	simm.s32 @p1 $0x1;
	p0 =	seq.s32 s7, s2  }
0x1e: {  	s7 =	smul.u32 @!p0 $0xF7A, s2;
	p2 =	seq.s32 @!p0 s5, $0x0  }
0x1f: {  	s9 =	smul.u32 $0xF7A, s1;
	s8 =	simm.s32 @!p0 $0x1BF5;
	p2 =	por !p2, p0  }
0x20: {  	[sflag:s8] =	ssyncset.s32 @!p0 $0xFFFFF086;
	s6 =	sadd.s32 @!p0 s3, s7;
	s7 =	simm.s32 @!p0 $0x108  }
0x21: {  	s3 =	sadd.s32 s3, s9;
	s6 =	sadd.s32 @!p0 $0x88, s6;
	s7 =	simm.s32 @p2 $0x1082  }
0x22: {  	[simem:s7], [sflag:s8] =	dma.local @!p0 [hbm:s6], $0xF7A  }
0x23: {  	s9 =	sor.u32 $0xD0000000, s2;
	s6 =	simm.s32 $0x108;
	_ =	swait.ge @!p0 [sflag:s8], $0x0  }
0x24: {  	s3 =	sadd.s32 $0x88, s3;
	s6 =	simm.s32 @!p1 $0x1082;
	[sflag:s4] =	ssyncset.s32 $0xFFFFF086  }
0x25: {  	[simem:s6], [sflag:s4] =	dma.local [hbm:s3], $0xF7A  }
0x26: {  	[smem:$0x3F9F] =	sst s1;
	(tag) =	ssettag s2;
	_ =	strace s9  }
0x27: {  	s1 =	sld [smem:$0x3FAF]  }
0x28: {  	s2 =	sld [smem:$0x3FB0]  }
0x29: {  	s4 =	sld [smem:$0x3FB2]  }
0x2a: {  	p0 =	seq.s32 s5, $0x0;
	s5 =	sld [smem:$0x3FB3]  }
0x2b: {  	s6 =	sld [smem:$0x3FB4]  }
0x2c: {  	s7 =	sld [smem:$0x3FB5]  }
0x2d: {  	s3 =	simm.s32 $0x108;
	s8 =	sld [smem:$0x3FB6]  }
0x2e: {  	s3 =	simm.s32 @!p0 $0x1082;
	s9 =	sld [smem:$0x3FB7]  }
0x2f: {  	lr =	sadd.s32 s0, s3;
	s0 =	sld [smem:$0x3FAE]  }
0x30: {  	s3 =	sld [smem:$0x3FB1]  }
0x31: {  	[smem:$0x3FBA] =	sst s10  }
0x32: {  	s10 =	sld [smem:$0x3FB8];
	_ =	sdelay $0x3  }
0x33: {  	p0 =	seq.s32 s10, $0x1;
	s10 =	sld [smem:$0x3FBA];
	_ =	sdelay $0x3  }
0x34: {  	[smem:$0x3FBA] =	sst s10  }
0x35: {  	s10 =	sld [smem:$0x3FB9];
	_ =	sdelay $0x3  }
0x36: {  	p1 =	seq.s32 s10, $0x1;
	s10 =	sld [smem:$0x3FBA];
	_ =	sdelay $0x3  }
0x37: {  	[smem:$0x3FBA] =	sst s10  }
0x38: {  	s10 =	sld [smem:$0x3FBB]  }
0x39: {  	_ = 	snop;
	(pc) =	sbr.ind lr, $3  }
0x3a: {  	_ = 	snop  }
0x3b: {  	_ = 	snop  }
0x3c: {  	p2 =	seq.s32 s10, $0x1;
	s10 =	sld [smem:$0x3FBA]  }
0x3d: {  	_ =	shalt  }
0x3e: {  	_ =	shalt  }
0x3f: {  	_ =	shalt  }
0x40: {  	_ =	shalt  }
0x41: {  	_ =	shalt  }
0x42: {  	_ =	shalt  }
0x43: {  	_ =	shalt  }
0x44: {  	_ =	shalt  }
0x45: {  	_ =	shalt  }
0x46: {  	_ =	shalt  }
0x47: {  	_ =	shalt  }
0x48: {  	_ =	shalt  }
0x49: {  	_ =	shalt  }
0x4a: {  	_ =	shalt  }
0x4b: {  	_ =	shalt  }
0x4c: {  	_ =	shalt  }
0x4d: {  	_ =	shalt  }
0x4e: {  	_ =	shalt  }
0x4f: {  	_ =	shalt  }
0x50: {  	_ =	shalt  }
0x51: {  	_ =	shalt  }
0x52: {  	_ =	shalt  }
0x53: {  	_ =	shalt  }
0x54: {  	_ =	shalt  }
0x55: {  	_ =	shalt  }
0x56: {  	_ =	shalt  }
0x57: {  	_ =	shalt  }
0x58: {  	_ =	shalt  }
0x59: {  	_ =	shalt  }
0x5a: {  	_ =	shalt  }
0x5b: {  	_ =	shalt  }
0x5c: {  	_ =	shalt  }
0x5d: {  	_ =	shalt  }
0x5e: {  	_ =	shalt  }
0x5f: {  	_ =	shalt  }
0x60: {  	_ =	shalt  }
0x61: {  	_ =	shalt  }
0x62: {  	_ =	shalt  }
0x63: {  	_ =	shalt  }
0x64: {  	_ =	shalt  }
0x65: {  	_ =	shalt  }
0x66: {  	_ =	shalt  }
0x67: {  	_ =	shalt  }
0x68: {  	_ =	shalt  }
0x69: {  	_ =	shalt  }
0x6a: {  	_ =	shalt  }
0x6b: {  	_ =	shalt  }
0x6c: {  	_ =	shalt  }
0x6d: {  	_ =	shalt  }
0x6e: {  	_ =	shalt  }
0x6f: {  	_ =	shalt  }
0x70: {  	_ =	shalt  }
0x71: {  	_ =	shalt  }
0x72: {  	_ =	shalt  }
0x73: {  	_ =	shalt  }
0x74: {  	_ =	shalt  }
0x75: {  	_ =	shalt  }
0x76: {  	_ =	shalt  }
0x77: {  	_ =	shalt  }
0x78: {  	_ =	shalt  }
0x79: {  	_ =	shalt  }
0x7a: {  	_ =	shalt  }
0x7b: {  	_ =	shalt  }
0x7c: {  	_ =	shalt  }
0x7d: {  	_ =	shalt  }
0x7e: {  	_ =	shalt  }
0x7f: {  	_ =	shalt  }
0x80: {  	_ =	shalt  }
0x81: {  	_ =	shalt  }
0x82: {  	_ =	shalt  }
0x83: {  	_ =	shalt  }
0x84: {  	_ =	shalt  }
0x85: {  	_ =	shalt  }
0x86: {  	_ =	shalt  }
0x87: {  	_ =	shalt  }
.Lfunc_end0:
.L_simem_size_0:
called_computation.3_lowered:
.L_overlay_start_0:
0x88: {  	s2 =	sld [smem:$0x3FD9]  }
0x89: {  	s3 =	sld [smem:$0x3FFE];
	_ =	sdelay $0x1  }
0x8a: {  	s1 =	srdreg.scid  }
0x8b: {  	s0 =	sand.u32 $0x1, s1  }
0x8c: {  	s16 =	sshll.u32 s0, $0xA;
	s2 =	sadd.s32 s3, s2  }
0x8d: {  	s2 =	sadd.s32 s2, s16  }
0x8e: {  	[smem:$0x3FC6] =	sst s2  }
0x8f: {  	_ = 	snop  }
0x90: {  	(tm) =	ssettm $0x1  }
0x91: {  	s17 =	sld [smem:$0x3FFB];
	_ =	sdelay $0x3  }
0x92: {  	_ =	strace s17  }
0x93: {  	s2 =	sld [smem:$0x3FFC];
	_ =	sdelay $0x3  }
0x94: {  	_ =	strace s2  }
0x95: {  	s2 =	sld [smem:$0x3FFD];
	_ =	sdelay $0x3  }
0x96: {  	_ =	strace s2  }
0x97: {  	_ =	strace $0x8FFFFFFF  }
0x98: {  	s18 =	sld [smem:$0x3FDB];
	_ =	sdelay $0x1  }
0x99: {  	s19 =	simm.s32 $_scs_section_size  }
0x9a: {  	s4 =	simm.s32 $_size__tile_overlayer_lowered;
	s5 =	simm.s32 $_tile_overlayer_lowered  }
0x9b: {  	s22 =	simm.s32 $0x1BFF;
	s21 =	sshll.u32 s5, $0x1;
	s2 =	sadd.s32 s19, s18  }
0x9c: {  	s6 =	simm.s32 $0x0;
	s20 =	sshll.u32 s4, $0x1;
	s4 =	sadd.s32 s21, s2  }
0x9d: {  	[timem:s6], [sflag:s22] =	dma.local [hbm:s4], s20  }
0x9e: {  	_ =	swait.ge [sflag:s22], s20  }
0x9f: {  	s3 =	ssub.s32 $0x0, s20;
	[sflag:s22] =	ssyncset.done $0x0  }
0xa0: {  	[sflag:s22] =	ssyncadd.s32 s3;
	_ =	sdelay $0x1  }
0xa1: {  	s23 =	simm.s32 $0x1B8B  }
0xa2: {  	_ =	swait.ge [sflag:s23], $0x1  }
0xa3: {  	[sflag:s23] =	ssyncset.done $0x0  }
0xa4: {  	s25 =	simm.s32 $0x1B8E;
	s24 =	sld [smem:$0x3FFE];
	[sflag:s23] =	ssyncadd.s32 $0xFFFFFFFF  }
0xa5: {  	s26 =	simm.s32 $execute0_lowered;
	[smem:$0x3FD2] =	sst s25  }
0xa6: {  	s4 =	sshll.u32 s26, $0x1;
	_ =	strace $0x8000004F;
	[dreg:$0x1] =	wrdreg $0xFFFFFFFF  }
0xa7: {  	s28 =	simm.s32 $_size_execute0_lowered;
	s2 =	sadd.s32 s2, s4;
	[dreg:$0x0] =	wrdreg $0x0  }
0xa8: {  	s4 =	sshll.u32 s28, $0x1;
	[dreg:$0x2] =	wrdreg s2  }
0xa9: {  	[dreg:$0x3] =	wrdreg s4  }
0xaa: {  	[dreg:$0x4] =	wrdreg $0xC0  }
0xab: {  	_ =	task [dreg:s6], $0x5FFFF  }
0xac: {  	[dreg:$0x1] =	wrdreg $0xFFFFFFFF  }
0xad: {  	[dreg:$0x0] =	wrdreg $0x60  }
0xae: {  	[dreg:$0x2] =	wrdreg s24  }
0xaf: {  	[dreg:$0x3] =	wrdreg $0x9  }
0xb0: {  	_ =	task.clear_ibuf [dreg:s6], $0x4FFFF;
	_ =	strace $0x9000004F  }
0xb1: {  	s29 =	simm.s32 $0x9;
	_ =	strace $0x80000051  }
0xb2: {  	_ =	swait.ge [sflag:s29], $0x1  }
0xb3: {  	[sflag:s29] =	ssyncadd.s32 $0xFFFFFFFF  }
0xb4: {  	_ =	strace $0x90000051  }
0xb5: {  	_ =	sfence  }
0xb6: {  	s30 =	sld [smem:$0x0];
	_ =	sdelay $0x2  }
0xb7: {  	s31 =	sshll.u32 s1, $0xD;
	s1 =	sshrl.u32 s1, $0x2  }
0xb8: {  	s3 =	sand.u32 $0x4000, s31;
	s1 =	sadd.s32 s1, s30  }
0xb9: {  	s0 =	sor.u32 s3, s0;
	s1 =	sshll.u32 s1, $0x11  }
0xba: {  	s0 =	sor.u32 s1, s0  }
0xbb: {  	s0 =	sadd.s32 $0x8F2B, s0  }
0xbc: {  	[sflag:s0] =	ssyncadd.remote.s32 $0x1  }
0xbd: {  	_ =	sfence.sel $0xFFFF  }
0xbe: {  	[dreg:$0x0] =	wrdreg $0xFFFFFFFF;
	(pc) =	sbr.abs _section_cstart, $3  }
0xbf: {  	[dreg:$0x1] =	wrdreg $0xFFFFFFFF  }
0xc0: {  	_ =	task.clear_ibuf [dreg:s6], $0x2FFFF;
	_ =	strace $0x9FFFFFFF  }
0xc1: {  	(tm) =	ssettm $0x7FFFFFFF  }
tec
execute0_lowered:
.L_overlay_start_1:
0x0: {  	(tag) =	ssettag $0x1  }
0x1: {  	s4 =	rddreg [dreg:$0x0]  }
0x2: {  	s0 =	rddreg [dreg:$0x1];
	s2 =	simm.s32 $0x0;
	s3 =	srdreg.scid  }
0x3: {  	s1 =	stileid.u32;
	s10 =	simm.s32 $0x1080;
	s11 =	simm.s32 $0x1880  }
0x4: {  	s12 =	simm.s32 $0x2080;
	s13 =	simm.s32 $0x2880;
	s14 =	simm.s32 $0x3080  }
0x5: {  	s15 =	simm.s32 $0x3880;
	s16 =	simm.s32 $0x4080;
	s17 =	simm.s32 $0x4880  }
0x6: {  	s18 =	simm.s32 $0x5080;
	s19 =	simm.s32 $0x5880;
	s20 =	simm.s32 $0x6080  }
0x7: {  	s21 =	simm.s32 $0x6880;
	s22 =	simm.s32 $0x7080;
	s23 =	simm.s32 $0x7880  }
0x8: {  	s24 =	simm.s32 $0x1;
	s25 =	simm.s32 $0x0;
	[smem:$0x7FF] =	sst s2  }
0x9: {  	s5 =	sand.u32 $0x1, s3;
	s6 =	sshll.u32 s1, $0xA;
	s3 =	sadd.s32 $0xC7A00, s4  }
0xa: {  	s8 =	sshll.u32 s1, $0xF;
	_ =	strace $0x80000050;
	s7 =	sshll.u32 s5, $0x9  }
0xb: {  	s31 =	ssub.s32 $0x2, s5;
	s8 =	sadd.s32 s8, s4;
	s5 =	sshll.u32 s5, $0xE  }
0xc: {  	s6 =	sor.u32 s7, s6;
	s9 =	sshrl.u32 s31, $0x1;
	s5 =	sadd.s32 s5, s8  }
0xd: {  	v2 =	vlaneseq.u32;
	s8 =	simm.s32 $0x80;
	s6 =	sshrl.u32 s6, $0x3;
	s7 =	ssub.s32 s31, s9  }
0xe: {  	vm0 =	vmmov $0xffff;
	v1 =	vshrl.u32 v2, $0x3;
	s5 =	sadd.s32 $0x5C7A00, s5;
	s9 =	simm.s32 $0x880;
	s6 =	sadd.s32 s6, s4  }
0xf: {  	v0 =	vand.u32 $0x7, v2;
	v2 =	vor.u32 $0x8, v2;
	v1 =	vmul.u32 $0x8, v1;
	s4 =	smax.u32 s7, $0x1;
	s7 =	simm.s32 $0x2;
	s6 =	sadd.s32 $0x88A00, s6  }
.LBB2_1:
0x10: {  	s26 =	smov.u32 s5;
	s28 =	simm.s32 $0x0  }
.LBB2_2:
0x11: {  	s29 =	sadd.s32 s28, s6  }
0x12: {  	[tilespmem:s2], [sflag:$0x2] =	stream.linear.gather [hbm4b:s29+s2], $0x80, $0x38;
	[tilespmem:$0x8080] =	vst v63  }
0x13: {  	_ =	swait.ge [sflag:s7], $0x80  }
0x14: {  	[sflag:s7] =	ssyncset.done $0x0  }
0x15: {  	[sflag:s7] =	ssyncadd.s32 $0xFFFFFF80  }
0x16: {  	v3 =	vld [tilespmem:$0x0];
	_ =	sdelay $0x4  }
0x17: {  	v4 =	vshll.u32 v3, $0x1  }
0x18: {  	v3 =	vand.u32 $0x7, v3;
	v4 =	vand.u32 $0xFFFFFFF0, v4  }
0x19: {  	v3 =	vor.u32 v3, v4  }
0x1a: {  	v4 =	vperm.xlane v3, v0;
	_ =	sdelay $0x1  }
0x1b: {  	v3 =	vperm.xlane v3, v2;
	v4 =	vadd.s32 v1, v4;
	_ =	sdelay $0x1  }
0x1c: {  	v3 =	vadd.s32 v1, v3;
	_ =	sdelay $0x2  }
0x1d: {  	[tilespmem:s8], [sflag:$0x1] =	stream.indirect_vreg.gather [hbm4b:s3+s2], $0x80, v4, vm0, $0xb8;
	[tilespmem:$0x8080] =	vst v63  }
0x1e: {  	_ = 	snop  }
0x1f: {  	[tilespmem:s9], [sflag:$0x1] =	stream.indirect_vreg.gather [hbm4b:s3+s2], $0x80, v3, vm0, $0xb8;
	[tilespmem:$0x8080] =	vst v63  }
0x20: {  	v3 =	vld [tilespmem:$0x10];
	_ =	sdelay $0x4  }
0x21: {  	v57 =	vshll.u32 v3, $0x1  }
0x22: {  	v3 =	vand.u32 $0x7, v3;
	v4 =	vand.u32 $0xFFFFFFF0, v57  }
0x23: {  	v3 =	vor.u32 v3, v4  }
0x24: {  	v4 =	vperm.xlane v3, v0;
	_ =	sdelay $0x1  }
0x25: {  	v3 =	vperm.xlane v3, v2;
	v4 =	vadd.s32 v1, v4;
	_ =	sdelay $0x1  }
0x26: {  	v3 =	vadd.s32 v1, v3;
	_ =	sdelay $0x2  }
0x27: {  	[tilespmem:s10], [sflag:$0x1] =	stream.indirect_vreg.gather [hbm4b:s3+s2], $0x80, v4, vm0, $0xb8;
	[tilespmem:$0x8080] =	vst v63  }
0x28: {  	_ = 	snop  }
0x29: {  	[tilespmem:s11], [sflag:$0x1] =	stream.indirect_vreg.gather [hbm4b:s3+s2], $0x80, v3, vm0, $0xb8;
	[tilespmem:$0x8080] =	vst v63  }
0x2a: {  	v3 =	vld [tilespmem:$0x20];
	_ =	sdelay $0x4  }
0x2b: {  	v58 =	vshll.u32 v3, $0x1  }
0x2c: {  	v3 =	vand.u32 $0x7, v3;
	v4 =	vand.u32 $0xFFFFFFF0, v58  }
0x2d: {  	v3 =	vor.u32 v3, v4  }
0x2e: {  	v4 =	vperm.xlane v3, v0;
	_ =	sdelay $0x1  }
0x2f: {  	v3 =	vperm.xlane v3, v2;
	v4 =	vadd.s32 v1, v4;
	_ =	sdelay $0x1  }
0x30: {  	v3 =	vadd.s32 v1, v3;
	_ =	sdelay $0x2  }
0x31: {  	[tilespmem:s12], [sflag:$0x1] =	stream.indirect_vreg.gather [hbm4b:s3+s2], $0x80, v4, vm0, $0xb8;
	[tilespmem:$0x8080] =	vst v63  }
0x32: {  	_ = 	snop  }
0x33: {  	[tilespmem:s13], [sflag:$0x1] =	stream.indirect_vreg.gather [hbm4b:s3+s2], $0x80, v3, vm0, $0xb8;
	[tilespmem:$0x8080] =	vst v63  }
0x34: {  	v3 =	vld [tilespmem:$0x30];
	_ =	sdelay $0x4  }
0x35: {  	v59 =	vshll.u32 v3, $0x1  }
0x36: {  	v3 =	vand.u32 $0x7, v3;
	v4 =	vand.u32 $0xFFFFFFF0, v59  }
0x37: {  	v3 =	vor.u32 v3, v4  }
0x38: {  	v4 =	vperm.xlane v3, v0;
	_ =	sdelay $0x1  }
0x39: {  	v3 =	vperm.xlane v3, v2;
	v4 =	vadd.s32 v1, v4;
	_ =	sdelay $0x1  }
0x3a: {  	v3 =	vadd.s32 v1, v3;
	_ =	sdelay $0x2  }
0x3b: {  	[tilespmem:s14], [sflag:$0x1] =	stream.indirect_vreg.gather [hbm4b:s3+s2], $0x80, v4, vm0, $0xb8;
	[tilespmem:$0x8080] =	vst v63  }
0x3c: {  	_ = 	snop  }
0x3d: {  	[tilespmem:s15], [sflag:$0x1] =	stream.indirect_vreg.gather [hbm4b:s3+s2], $0x80, v3, vm0, $0xb8;
	[tilespmem:$0x8080] =	vst v63  }
0x3e: {  	v3 =	vld [tilespmem:$0x40];
	_ =	sdelay $0x4  }
0x3f: {  	v60 =	vshll.u32 v3, $0x1  }
0x40: {  	v3 =	vand.u32 $0x7, v3;
	v4 =	vand.u32 $0xFFFFFFF0, v60  }
0x41: {  	v3 =	vor.u32 v3, v4  }
0x42: {  	v4 =	vperm.xlane v3, v0;
	_ =	sdelay $0x1  }
0x43: {  	v3 =	vperm.xlane v3, v2;
	v4 =	vadd.s32 v1, v4;
	_ =	sdelay $0x1  }
0x44: {  	v3 =	vadd.s32 v1, v3;
	_ =	sdelay $0x2  }
0x45: {  	[tilespmem:s16], [sflag:$0x1] =	stream.indirect_vreg.gather [hbm4b:s3+s2], $0x80, v4, vm0, $0xb8;
	[tilespmem:$0x8080] =	vst v63  }
0x46: {  	_ = 	snop  }
0x47: {  	[tilespmem:s17], [sflag:$0x1] =	stream.indirect_vreg.gather [hbm4b:s3+s2], $0x80, v3, vm0, $0xb8;
	[tilespmem:$0x8080] =	vst v63  }
0x48: {  	v3 =	vld [tilespmem:$0x50];
	_ =	sdelay $0x4  }
0x49: {  	v61 =	vshll.u32 v3, $0x1  }
0x4a: {  	v3 =	vand.u32 $0x7, v3;
	v4 =	vand.u32 $0xFFFFFFF0, v61  }
0x4b: {  	v3 =	vor.u32 v3, v4  }
0x4c: {  	v4 =	vperm.xlane v3, v0;
	_ =	sdelay $0x1  }
0x4d: {  	v3 =	vperm.xlane v3, v2;
	v4 =	vadd.s32 v1, v4;
	_ =	sdelay $0x1  }
0x4e: {  	v3 =	vadd.s32 v1, v3;
	_ =	sdelay $0x2  }
0x4f: {  	[tilespmem:s18], [sflag:$0x1] =	stream.indirect_vreg.gather [hbm4b:s3+s2], $0x80, v4, vm0, $0xb8;
	[tilespmem:$0x8080] =	vst v63  }
0x50: {  	_ = 	snop  }
0x51: {  	[tilespmem:s19], [sflag:$0x1] =	stream.indirect_vreg.gather [hbm4b:s3+s2], $0x80, v3, vm0, $0xb8;
	[tilespmem:$0x8080] =	vst v63  }
0x52: {  	v3 =	vld [tilespmem:$0x60];
	_ =	sdelay $0x4  }
0x53: {  	v62 =	vshll.u32 v3, $0x1  }
0x54: {  	v3 =	vand.u32 $0x7, v3;
	v4 =	vand.u32 $0xFFFFFFF0, v62  }
0x55: {  	v3 =	vor.u32 v3, v4  }
0x56: {  	v4 =	vperm.xlane v3, v0;
	_ =	sdelay $0x1  }
0x57: {  	v3 =	vperm.xlane v3, v2;
	v4 =	vadd.s32 v1, v4;
	_ =	sdelay $0x1  }
0x58: {  	v3 =	vadd.s32 v1, v3;
	_ =	sdelay $0x2  }
0x59: {  	[tilespmem:s20], [sflag:$0x1] =	stream.indirect_vreg.gather [hbm4b:s3+s2], $0x80, v4, vm0, $0xb8;
	[tilespmem:$0x8080] =	vst v63  }
0x5a: {  	_ = 	snop  }
0x5b: {  	[tilespmem:s21], [sflag:$0x1] =	stream.indirect_vreg.gather [hbm4b:s3+s2], $0x80, v3, vm0, $0xb8;
	[tilespmem:$0x8080] =	vst v63  }
0x5c: {  	v3 =	vld [tilespmem:$0x70];
	_ =	sdelay $0x4  }
0x5d: {  	v63 =	vshll.u32 v3, $0x1  }
0x5e: {  	v3 =	vand.u32 $0x7, v3;
	v4 =	vand.u32 $0xFFFFFFF0, v63  }
0x5f: {  	v3 =	vor.u32 v3, v4  }
0x60: {  	v4 =	vperm.xlane v3, v0;
	_ =	sdelay $0x1  }
0x61: {  	v3 =	vperm.xlane v3, v2;
	v4 =	vadd.s32 v1, v4;
	_ =	sdelay $0x1  }
0x62: {  	v3 =	vadd.s32 v1, v3;
	_ =	sdelay $0x2  }
0x63: {  	[tilespmem:s22], [sflag:$0x1] =	stream.indirect_vreg.gather [hbm4b:s3+s2], $0x80, v4, vm0, $0xb8;
	[tilespmem:$0x8080] =	vst v63  }
0x64: {  	_ = 	snop  }
0x65: {  	[tilespmem:s23], [sflag:$0x1] =	stream.indirect_vreg.gather [hbm4b:s3+s2], $0x80, v3, vm0, $0xb8;
	[tilespmem:$0x8080] =	vst v63  }
0x66: {  	_ =	swait.ge [sflag:s24], $0x8000  }
0x67: {  	p0 =	sne.s32 s28, $0x30;
	[sflag:s24] =	ssyncset.done $0x0  }
.Ltmp0:
0x68: {  	[sflag:s24] =	ssyncadd.s32 $0xFFFF8000;
	(pc) =	sbr.rel @p0 .LBB2_2-.Ltmp0, $4  }
0x69: {  	[hbm4b:s26+s2] =	stream.linear.scatter [tilespmem:s8], [sflag:$0x2], $0x8000, $0x38;
	[tilespmem:$0x8080] =	vst v63  }
0x6a: {  	_ =	swait.ge [sflag:s7], $0x8000  }
0x6b: {  	[sflag:s7] =	ssyncset.done $0x0  }
0x6c: {  	s28 =	sadd.s32 $0x10, s28;
	s26 =	sadd.s32 $0x1000, s26;
	[sflag:s7] =	ssyncadd.s32 $0xFFFF8000  }
0x6d: {  	s25 =	sadd.s32 $0x1, s25  }
0x6e: {  	p0 =	sne.s32 s25, s4  }
.Ltmp1:
0x6f: {  	_ = 	snop;
	(pc) =	sbr.rel @p0 .LBB2_1-.Ltmp1, $1  }
0x70: {  	_ =	sdelay $0x3  }
0x71: {  	_ =	sfence.sel $0x180000  }
0x72: {  	[bflag:$0x0] =	sbarrier.arrive $0xFFFF  }
0x73: {  	p0 =	sne.s32 s1, $0x0;
	_ =	strace $0x90000050  }
0x74: {  	s0 =	sadd.s32 @!p0 $0x100000, s0;
	[bflag:$0x2] =	sbarrier.arrive $0xFFFF  }
0x75: {  	[sflag:s0] =	ssyncadd.tile.s32 @!p0 $0x1;
	_ =	shalt  }
.Lfunc_end2:
_tile_overlayer_lowered:
.L_overlay_start_2:
0x76: {  	(tag) =	ssettag $0x2  }
0x77: {  	s0 =	rddreg [dreg:$0x0];
	s2 =	stileid.u32  }
0x78: {  	s1 =	rddreg [dreg:$0x1];
	p0 =	sne.s32 s2, $0x0  }
0x79: {  	s3 =	rddreg [dreg:$0x2];
	[bflag:$0x3] =	sbarrier.arrive $0xFFFF;
	s2 =	simm.s32 @!p0 $0x1C02  }
0x7a: {  	[timem:s3], [sflag:s2] =	dma.local @!p0 [hbm:s0], s1  }
0x7b: {  	s0 =	simm.s32 @!p0 $0x2  }
0x7c: {  	_ =	swait.ge @!p0 [sflag:s0], s1  }
0x7d: {  	s1 =	ssub.s32 @!p0 $0x0, s1;
	[sflag:s0] =	ssyncset.done @!p0 $0x0  }
0x7e: {  	[sflag:s0] =	ssyncadd.s32 @!p0 s1  }
0x7f: {  	[bflag:$0x3] =	sbarrier.arrive $0xFFFF  }
0x80: {  	_ =	shalt  }

// kernel: kernel.30.cloned.1.call-start
scs
__scs_entry_jumppad:
0x0: {  	(pc) =	sbr.rel $0x88, $3  }
0x1: {  	(tag) =	ssettag $0x0;
	lr =	simm.s32 $0x1  }
0x2: {  	[smem:$0x3F9F] =	sst lr;
	_ =	strace $0xD0000000  }
0x3: {  	_ = 	snop  }
0x4: {  	_ = 	snop  }
0x5: {  	_ = 	snop  }
0x6: {  	_ = 	snop  }
0x7: {  	_ = 	snop  }
__scs_overlays_trampoline_lowered:
0x8: {  	[smem:$0x3FAE] =	sst s0  }
0x9: {  	[smem:$0x3FAF] =	sst s1  }
0xa: {  	[smem:$0x3FB0] =	sst s2  }
0xb: {  	[smem:$0x3FB1] =	sst s3  }
0xc: {  	[smem:$0x3FB2] =	sst s4  }
0xd: {  	[smem:$0x3FB3] =	sst s5  }
0xe: {  	[smem:$0x3FB4] =	sst s6  }
0xf: {  	[smem:$0x3FB5] =	sst s7  }
0x10: {  	[smem:$0x3FB6] =	sst s8  }
0x11: {  	[smem:$0x3FB7] =	sst s9;
	s0 =	simm.s32 @!p0 $0x0  }
0x12: {  	s1 =	sld [smem:$0x3F9D];
	s0 =	simm.s32 @p0 $0x1  }
0x13: {  	[smem:$0x3FB8] =	sst s0;
	s0 =	simm.s32 @!p1 $0x0  }
0x14: {  	s2 =	sld [smem:$0x3F9C];
	s0 =	simm.s32 @p1 $0x1  }
0x15: {  	[smem:$0x3FB9] =	sst s0;
	s0 =	simm.s32 @!p2 $0x0  }
0x16: {  	s3 =	sld [smem:$0x3FDB];
	s0 =	simm.s32 @p2 $0x1  }
0x17: {  	s4 =	simm.s32 $0x1BF5;
	[smem:$0x3FBB] =	sst s0  }
0x18: {  	s0 =	sld [smem:$0x3F9E];
	_ =	swait.ge [sflag:s4], $0x0  }
0x19: {  	s7 =	sld [smem:$0x3F9F]  }
0x1a: {  	s8 =	sadd.s32 $0xFFFFE003, lr  }
0x1b: {  	s9 =	sadd.s32 $0xFFFFFEF7, lr;
	s5 =	simm.s32 $0xFFFFFFFF;
	p2 =	slt.u32 s8, $0xFFFFF086  }
0x1c: {  	p1 =	slt.u32 s9, $0xF7A;
	s5 =	simm.s32 @!p2 $0x0  }
0x1d: {  	s5 =	simm.s32 @p1 $0x1;
	p0 =	seq.s32 s7, s2  }
0x1e: {  	s7 =	smul.u32 @!p0 $0xF7A, s2;
	p2 =	seq.s32 @!p0 s5, $0x0  }
0x1f: {  	s9 =	smul.u32 $0xF7A, s1;
	s8 =	simm.s32 @!p0 $0x1BF5;
	p2 =	por !p2, p0  }
0x20: {  	[sflag:s8] =	ssyncset.s32 @!p0 $0xFFFFF086;
	s6 =	sadd.s32 @!p0 s3, s7;
	s7 =	simm.s32 @!p0 $0x108  }
0x21: {  	s3 =	sadd.s32 s3, s9;
	s6 =	sadd.s32 @!p0 $0x88, s6;
	s7 =	simm.s32 @p2 $0x1082  }
0x22: {  	[simem:s7], [sflag:s8] =	dma.local @!p0 [hbm:s6], $0xF7A  }
0x23: {  	s9 =	sor.u32 $0xD0000000, s2;
	s6 =	simm.s32 $0x108;
	_ =	swait.ge @!p0 [sflag:s8], $0x0  }
0x24: {  	s3 =	sadd.s32 $0x88, s3;
	s6 =	simm.s32 @!p1 $0x1082;
	[sflag:s4] =	ssyncset.s32 $0xFFFFF086  }
0x25: {  	[simem:s6], [sflag:s4] =	dma.local [hbm:s3], $0xF7A  }
0x26: {  	[smem:$0x3F9F] =	sst s1;
	(tag) =	ssettag s2;
	_ =	strace s9  }
0x27: {  	s1 =	sld [smem:$0x3FAF]  }
0x28: {  	s2 =	sld [smem:$0x3FB0]  }
0x29: {  	s4 =	sld [smem:$0x3FB2]  }
0x2a: {  	p0 =	seq.s32 s5, $0x0;
	s5 =	sld [smem:$0x3FB3]  }
0x2b: {  	s6 =	sld [smem:$0x3FB4]  }
0x2c: {  	s7 =	sld [smem:$0x3FB5]  }
0x2d: {  	s3 =	simm.s32 $0x108;
	s8 =	sld [smem:$0x3FB6]  }
0x2e: {  	s3 =	simm.s32 @!p0 $0x1082;
	s9 =	sld [smem:$0x3FB7]  }
0x2f: {  	lr =	sadd.s32 s0, s3;
	s0 =	sld [smem:$0x3FAE]  }
0x30: {  	s3 =	sld [smem:$0x3FB1]  }
0x31: {  	[smem:$0x3FBA] =	sst s10  }
0x32: {  	s10 =	sld [smem:$0x3FB8];
	_ =	sdelay $0x3  }
0x33: {  	p0 =	seq.s32 s10, $0x1;
	s10 =	sld [smem:$0x3FBA];
	_ =	sdelay $0x3  }
0x34: {  	[smem:$0x3FBA] =	sst s10  }
0x35: {  	s10 =	sld [smem:$0x3FB9];
	_ =	sdelay $0x3  }
0x36: {  	p1 =	seq.s32 s10, $0x1;
	s10 =	sld [smem:$0x3FBA];
	_ =	sdelay $0x3  }
0x37: {  	[smem:$0x3FBA] =	sst s10  }
0x38: {  	s10 =	sld [smem:$0x3FBB]  }
0x39: {  	_ = 	snop;
	(pc) =	sbr.ind lr, $3  }
0x3a: {  	_ = 	snop  }
0x3b: {  	_ = 	snop  }
0x3c: {  	p2 =	seq.s32 s10, $0x1;
	s10 =	sld [smem:$0x3FBA]  }
0x3d: {  	_ =	shalt  }
0x3e: {  	_ =	shalt  }
0x3f: {  	_ =	shalt  }
0x40: {  	_ =	shalt  }
0x41: {  	_ =	shalt  }
0x42: {  	_ =	shalt  }
0x43: {  	_ =	shalt  }
0x44: {  	_ =	shalt  }
0x45: {  	_ =	shalt  }
0x46: {  	_ =	shalt  }
0x47: {  	_ =	shalt  }
0x48: {  	_ =	shalt  }
0x49: {  	_ =	shalt  }
0x4a: {  	_ =	shalt  }
0x4b: {  	_ =	shalt  }
0x4c: {  	_ =	shalt  }
0x4d: {  	_ =	shalt  }
0x4e: {  	_ =	shalt  }
0x4f: {  	_ =	shalt  }
0x50: {  	_ =	shalt  }
0x51: {  	_ =	shalt  }
0x52: {  	_ =	shalt  }
0x53: {  	_ =	shalt  }
0x54: {  	_ =	shalt  }
0x55: {  	_ =	shalt  }
0x56: {  	_ =	shalt  }
0x57: {  	_ =	shalt  }
0x58: {  	_ =	shalt  }
0x59: {  	_ =	shalt  }
0x5a: {  	_ =	shalt  }
0x5b: {  	_ =	shalt  }
0x5c: {  	_ =	shalt  }
0x5d: {  	_ =	shalt  }
0x5e: {  	_ =	shalt  }
0x5f: {  	_ =	shalt  }
0x60: {  	_ =	shalt  }
0x61: {  	_ =	shalt  }
0x62: {  	_ =	shalt  }
0x63: {  	_ =	shalt  }
0x64: {  	_ =	shalt  }
0x65: {  	_ =	shalt  }
0x66: {  	_ =	shalt  }
0x67: {  	_ =	shalt  }
0x68: {  	_ =	shalt  }
0x69: {  	_ =	shalt  }
0x6a: {  	_ =	shalt  }
0x6b: {  	_ =	shalt  }
0x6c: {  	_ =	shalt  }
0x6d: {  	_ =	shalt  }
0x6e: {  	_ =	shalt  }
0x6f: {  	_ =	shalt  }
0x70: {  	_ =	shalt  }
0x71: {  	_ =	shalt  }
0x72: {  	_ =	shalt  }
0x73: {  	_ =	shalt  }
0x74: {  	_ =	shalt  }
0x75: {  	_ =	shalt  }
0x76: {  	_ =	shalt  }
0x77: {  	_ =	shalt  }
0x78: {  	_ =	shalt  }
0x79: {  	_ =	shalt  }
0x7a: {  	_ =	shalt  }
0x7b: {  	_ =	shalt  }
0x7c: {  	_ =	shalt  }
0x7d: {  	_ =	shalt  }
0x7e: {  	_ =	shalt  }
0x7f: {  	_ =	shalt  }
0x80: {  	_ =	shalt  }
0x81: {  	_ =	shalt  }
0x82: {  	_ =	shalt  }
0x83: {  	_ =	shalt  }
0x84: {  	_ =	shalt  }
0x85: {  	_ =	shalt  }
0x86: {  	_ =	shalt  }
0x87: {  	_ =	shalt  }
.Lfunc_end0:
.L_simem_size_0:
called_computation.4_lowered:
.L_overlay_start_0:
0x88: {  	s2 =	sld [smem:$0x3FD9]  }
0x89: {  	s3 =	sld [smem:$0x3FFE];
	_ =	sdelay $0x1  }
0x8a: {  	s1 =	srdreg.scid  }
0x8b: {  	s0 =	sand.u32 $0x1, s1  }
0x8c: {  	s16 =	sshll.u32 s0, $0xA;
	s2 =	sadd.s32 s3, s2  }
0x8d: {  	s2 =	sadd.s32 s2, s16  }
0x8e: {  	[smem:$0x3FC6] =	sst s2  }
0x8f: {  	_ = 	snop  }
0x90: {  	(tm) =	ssettm $0x1  }
0x91: {  	s17 =	sld [smem:$0x3FFB];
	_ =	sdelay $0x3  }
0x92: {  	_ =	strace s17  }
0x93: {  	s2 =	sld [smem:$0x3FFC];
	_ =	sdelay $0x3  }
0x94: {  	_ =	strace s2  }
0x95: {  	s2 =	sld [smem:$0x3FFD];
	_ =	sdelay $0x3  }
0x96: {  	_ =	strace s2  }
0x97: {  	_ =	strace $0x8FFFFFFF  }
0x98: {  	s18 =	sld [smem:$0x3FDB];
	_ =	sdelay $0x1  }
0x99: {  	s19 =	simm.s32 $_scs_section_size  }
0x9a: {  	s4 =	simm.s32 $_size__tile_overlayer_lowered;
	s5 =	simm.s32 $_tile_overlayer_lowered  }
0x9b: {  	s22 =	simm.s32 $0x1BFF;
	s21 =	sshll.u32 s5, $0x1;
	s2 =	sadd.s32 s19, s18  }
0x9c: {  	s6 =	simm.s32 $0x0;
	s20 =	sshll.u32 s4, $0x1;
	s4 =	sadd.s32 s21, s2  }
0x9d: {  	[timem:s6], [sflag:s22] =	dma.local [hbm:s4], s20  }
0x9e: {  	_ =	swait.ge [sflag:s22], s20  }
0x9f: {  	s3 =	ssub.s32 $0x0, s20;
	[sflag:s22] =	ssyncset.done $0x0  }
0xa0: {  	[sflag:s22] =	ssyncadd.s32 s3;
	_ =	sdelay $0x1  }
0xa1: {  	s23 =	simm.s32 $0x1B8B  }
0xa2: {  	_ =	swait.ge [sflag:s23], $0x1  }
0xa3: {  	[sflag:s23] =	ssyncset.done $0x0  }
0xa4: {  	s25 =	simm.s32 $0x1B8E;
	s24 =	sld [smem:$0x3FFE];
	[sflag:s23] =	ssyncadd.s32 $0xFFFFFFFF  }
0xa5: {  	s26 =	simm.s32 $execute0_lowered;
	[smem:$0x3FD2] =	sst s25  }
0xa6: {  	s4 =	sshll.u32 s26, $0x1;
	_ =	strace $0x80000052;
	[dreg:$0x1] =	wrdreg $0xFFFFFFFF  }
0xa7: {  	s28 =	simm.s32 $_size_execute0_lowered;
	s2 =	sadd.s32 s2, s4;
	[dreg:$0x0] =	wrdreg $0x0  }
0xa8: {  	s4 =	sshll.u32 s28, $0x1;
	[dreg:$0x2] =	wrdreg s2  }
0xa9: {  	[dreg:$0x3] =	wrdreg s4  }
0xaa: {  	[dreg:$0x4] =	wrdreg $0xC0  }
0xab: {  	_ =	task [dreg:s6], $0x5FFFF  }
0xac: {  	[dreg:$0x1] =	wrdreg $0xFFFFFFFF  }
0xad: {  	[dreg:$0x0] =	wrdreg $0x60  }
0xae: {  	[dreg:$0x2] =	wrdreg s24  }
0xaf: {  	[dreg:$0x3] =	wrdreg $0x9  }
0xb0: {  	_ =	task.clear_ibuf [dreg:s6], $0x4FFFF;
	_ =	strace $0x90000052  }
0xb1: {  	s29 =	simm.s32 $0x9;
	_ =	strace $0x80000054  }
0xb2: {  	_ =	swait.ge [sflag:s29], $0x1  }
0xb3: {  	[sflag:s29] =	ssyncadd.s32 $0xFFFFFFFF  }
0xb4: {  	_ =	strace $0x90000054  }
0xb5: {  	_ =	sfence  }
0xb6: {  	s30 =	sld [smem:$0x0];
	_ =	sdelay $0x2  }
0xb7: {  	s31 =	sshll.u32 s1, $0xD;
	s1 =	sshrl.u32 s1, $0x2  }
0xb8: {  	s3 =	sand.u32 $0x4000, s31;
	s1 =	sadd.s32 s1, s30  }
0xb9: {  	s0 =	sor.u32 s3, s0;
	s1 =	sshll.u32 s1, $0x11  }
0xba: {  	s0 =	sor.u32 s1, s0  }
0xbb: {  	s0 =	sadd.s32 $0x8F2B, s0  }
0xbc: {  	[sflag:s0] =	ssyncadd.remote.s32 $0x1  }
0xbd: {  	_ =	sfence.sel $0xFFFF  }
0xbe: {  	[dreg:$0x0] =	wrdreg $0xFFFFFFFF;
	(pc) =	sbr.abs _section_cstart, $3  }
0xbf: {  	[dreg:$0x1] =	wrdreg $0xFFFFFFFF  }
0xc0: {  	_ =	task.clear_ibuf [dreg:s6], $0x2FFFF;
	_ =	strace $0x9FFFFFFF  }
0xc1: {  	(tm) =	ssettm $0x7FFFFFFF  }
tec
execute0_lowered:
.L_overlay_start_1:
0x0: {  	(tag) =	ssettag $0x1  }
0x1: {  	s4 =	rddreg [dreg:$0x0]  }
0x2: {  	s0 =	rddreg [dreg:$0x1];
	s2 =	simm.s32 $0x0;
	s3 =	srdreg.scid  }
0x3: {  	s1 =	stileid.u32;
	s10 =	simm.s32 $0x1080;
	s11 =	simm.s32 $0x1880  }
0x4: {  	s12 =	simm.s32 $0x2080;
	s13 =	simm.s32 $0x2880;
	s14 =	simm.s32 $0x3080  }
0x5: {  	s15 =	simm.s32 $0x3880;
	s16 =	simm.s32 $0x4080;
	s17 =	simm.s32 $0x4880  }
0x6: {  	s18 =	simm.s32 $0x5080;
	s19 =	simm.s32 $0x5880;
	s20 =	simm.s32 $0x6080  }
0x7: {  	s21 =	simm.s32 $0x6880;
	s22 =	simm.s32 $0x7080;
	s23 =	simm.s32 $0x7880  }
0x8: {  	s24 =	simm.s32 $0x1;
	s25 =	simm.s32 $0x0;
	[smem:$0x7FF] =	sst s2  }
0x9: {  	s5 =	sand.u32 $0x1, s3;
	s6 =	sshll.u32 s1, $0xA;
	s3 =	sadd.s32 $0x107A00, s4  }
0xa: {  	s8 =	sshll.u32 s1, $0xF;
	_ =	strace $0x80000053;
	s7 =	sshll.u32 s5, $0x9  }
0xb: {  	s31 =	ssub.s32 $0x2, s5;
	s8 =	sadd.s32 s8, s4;
	s5 =	sshll.u32 s5, $0xE  }
0xc: {  	s6 =	sor.u32 s7, s6;
	s9 =	sshrl.u32 s31, $0x1;
	s5 =	sadd.s32 s5, s8  }
0xd: {  	v2 =	vlaneseq.u32;
	s8 =	simm.s32 $0x80;
	s6 =	sshrl.u32 s6, $0x3;
	s7 =	ssub.s32 s31, s9  }
0xe: {  	vm0 =	vmmov $0xffff;
	v1 =	vshrl.u32 v2, $0x3;
	s5 =	sadd.s32 $0x407A00, s5;
	s9 =	simm.s32 $0x880;
	s6 =	sadd.s32 s6, s4  }
0xf: {  	v0 =	vand.u32 $0x7, v2;
	v2 =	vor.u32 $0x8, v2;
	v1 =	vmul.u32 $0x8, v1;
	s4 =	smax.u32 s7, $0x1;
	s7 =	simm.s32 $0x2;
	s6 =	sadd.s32 $0x89200, s6  }
.LBB2_1:
0x10: {  	s26 =	smov.u32 s5;
	s28 =	simm.s32 $0x0  }
.LBB2_2:
0x11: {  	s29 =	sadd.s32 s28, s6  }
0x12: {  	[tilespmem:s2], [sflag:$0x2] =	stream.linear.gather [hbm4b:s29+s2], $0x80, $0x38;
	[tilespmem:$0x8080] =	vst v63  }
0x13: {  	_ =	swait.ge [sflag:s7], $0x80  }
0x14: {  	[sflag:s7] =	ssyncset.done $0x0  }
0x15: {  	[sflag:s7] =	ssyncadd.s32 $0xFFFFFF80  }
0x16: {  	v3 =	vld [tilespmem:$0x0];
	_ =	sdelay $0x4  }
0x17: {  	v4 =	vshll.u32 v3, $0x1  }
0x18: {  	v3 =	vand.u32 $0x7, v3;
	v4 =	vand.u32 $0xFFFFFFF0, v4  }
0x19: {  	v3 =	vor.u32 v3, v4  }
0x1a: {  	v4 =	vperm.xlane v3, v0;
	_ =	sdelay $0x1  }
0x1b: {  	v3 =	vperm.xlane v3, v2;
	v4 =	vadd.s32 v1, v4;
	_ =	sdelay $0x1  }
0x1c: {  	v3 =	vadd.s32 v1, v3;
	_ =	sdelay $0x2  }
0x1d: {  	[tilespmem:s8], [sflag:$0x1] =	stream.indirect_vreg.gather [hbm4b:s3+s2], $0x80, v4, vm0, $0xb8;
	[tilespmem:$0x8080] =	vst v63  }
0x1e: {  	_ = 	snop  }
0x1f: {  	[tilespmem:s9], [sflag:$0x1] =	stream.indirect_vreg.gather [hbm4b:s3+s2], $0x80, v3, vm0, $0xb8;
	[tilespmem:$0x8080] =	vst v63  }
0x20: {  	v3 =	vld [tilespmem:$0x10];
	_ =	sdelay $0x4  }
0x21: {  	v57 =	vshll.u32 v3, $0x1  }
0x22: {  	v3 =	vand.u32 $0x7, v3;
	v4 =	vand.u32 $0xFFFFFFF0, v57  }
0x23: {  	v3 =	vor.u32 v3, v4  }
0x24: {  	v4 =	vperm.xlane v3, v0;
	_ =	sdelay $0x1  }
0x25: {  	v3 =	vperm.xlane v3, v2;
	v4 =	vadd.s32 v1, v4;
	_ =	sdelay $0x1  }
0x26: {  	v3 =	vadd.s32 v1, v3;
	_ =	sdelay $0x2  }
0x27: {  	[tilespmem:s10], [sflag:$0x1] =	stream.indirect_vreg.gather [hbm4b:s3+s2], $0x80, v4, vm0, $0xb8;
	[tilespmem:$0x8080] =	vst v63  }
0x28: {  	_ = 	snop  }
0x29: {  	[tilespmem:s11], [sflag:$0x1] =	stream.indirect_vreg.gather [hbm4b:s3+s2], $0x80, v3, vm0, $0xb8;
	[tilespmem:$0x8080] =	vst v63  }
0x2a: {  	v3 =	vld [tilespmem:$0x20];
	_ =	sdelay $0x4  }
0x2b: {  	v58 =	vshll.u32 v3, $0x1  }
0x2c: {  	v3 =	vand.u32 $0x7, v3;
	v4 =	vand.u32 $0xFFFFFFF0, v58  }
0x2d: {  	v3 =	vor.u32 v3, v4  }
0x2e: {  	v4 =	vperm.xlane v3, v0;
	_ =	sdelay $0x1  }
0x2f: {  	v3 =	vperm.xlane v3, v2;
	v4 =	vadd.s32 v1, v4;
	_ =	sdelay $0x1  }
0x30: {  	v3 =	vadd.s32 v1, v3;
	_ =	sdelay $0x2  }
0x31: {  	[tilespmem:s12], [sflag:$0x1] =	stream.indirect_vreg.gather [hbm4b:s3+s2], $0x80, v4, vm0, $0xb8;
	[tilespmem:$0x8080] =	vst v63  }
0x32: {  	_ = 	snop  }
0x33: {  	[tilespmem:s13], [sflag:$0x1] =	stream.indirect_vreg.gather [hbm4b:s3+s2], $0x80, v3, vm0, $0xb8;
	[tilespmem:$0x8080] =	vst v63  }
0x34: {  	v3 =	vld [tilespmem:$0x30];
	_ =	sdelay $0x4  }
0x35: {  	v59 =	vshll.u32 v3, $0x1  }
0x36: {  	v3 =	vand.u32 $0x7, v3;
	v4 =	vand.u32 $0xFFFFFFF0, v59  }
0x37: {  	v3 =	vor.u32 v3, v4  }
0x38: {  	v4 =	vperm.xlane v3, v0;
	_ =	sdelay $0x1  }
0x39: {  	v3 =	vperm.xlane v3, v2;
	v4 =	vadd.s32 v1, v4;
	_ =	sdelay $0x1  }
0x3a: {  	v3 =	vadd.s32 v1, v3;
	_ =	sdelay $0x2  }
0x3b: {  	[tilespmem:s14], [sflag:$0x1] =	stream.indirect_vreg.gather [hbm4b:s3+s2], $0x80, v4, vm0, $0xb8;
	[tilespmem:$0x8080] =	vst v63  }
0x3c: {  	_ = 	snop  }
0x3d: {  	[tilespmem:s15], [sflag:$0x1] =	stream.indirect_vreg.gather [hbm4b:s3+s2], $0x80, v3, vm0, $0xb8;
	[tilespmem:$0x8080] =	vst v63  }
0x3e: {  	v3 =	vld [tilespmem:$0x40];
	_ =	sdelay $0x4  }
0x3f: {  	v60 =	vshll.u32 v3, $0x1  }
0x40: {  	v3 =	vand.u32 $0x7, v3;
	v4 =	vand.u32 $0xFFFFFFF0, v60  }
0x41: {  	v3 =	vor.u32 v3, v4  }
0x42: {  	v4 =	vperm.xlane v3, v0;
	_ =	sdelay $0x1  }
0x43: {  	v3 =	vperm.xlane v3, v2;
	v4 =	vadd.s32 v1, v4;
	_ =	sdelay $0x1  }
0x44: {  	v3 =	vadd.s32 v1, v3;
	_ =	sdelay $0x2  }
0x45: {  	[tilespmem:s16], [sflag:$0x1] =	stream.indirect_vreg.gather [hbm4b:s3+s2], $0x80, v4, vm0, $0xb8;
	[tilespmem:$0x8080] =	vst v63  }
0x46: {  	_ = 	snop  }
0x47: {  	[tilespmem:s17], [sflag:$0x1] =	stream.indirect_vreg.gather [hbm4b:s3+s2], $0x80, v3, vm0, $0xb8;
	[tilespmem:$0x8080] =	vst v63  }
0x48: {  	v3 =	vld [tilespmem:$0x50];
	_ =	sdelay $0x4  }
0x49: {  	v61 =	vshll.u32 v3, $0x1  }
0x4a: {  	v3 =	vand.u32 $0x7, v3;
	v4 =	vand.u32 $0xFFFFFFF0, v61  }
0x4b: {  	v3 =	vor.u32 v3, v4  }
0x4c: {  	v4 =	vperm.xlane v3, v0;
	_ =	sdelay $0x1  }
0x4d: {  	v3 =	vperm.xlane v3, v2;
	v4 =	vadd.s32 v1, v4;
	_ =	sdelay $0x1  }
0x4e: {  	v3 =	vadd.s32 v1, v3;
	_ =	sdelay $0x2  }
0x4f: {  	[tilespmem:s18], [sflag:$0x1] =	stream.indirect_vreg.gather [hbm4b:s3+s2], $0x80, v4, vm0, $0xb8;
	[tilespmem:$0x8080] =	vst v63  }
0x50: {  	_ = 	snop  }
0x51: {  	[tilespmem:s19], [sflag:$0x1] =	stream.indirect_vreg.gather [hbm4b:s3+s2], $0x80, v3, vm0, $0xb8;
	[tilespmem:$0x8080] =	vst v63  }
0x52: {  	v3 =	vld [tilespmem:$0x60];
	_ =	sdelay $0x4  }
0x53: {  	v62 =	vshll.u32 v3, $0x1  }
0x54: {  	v3 =	vand.u32 $0x7, v3;
	v4 =	vand.u32 $0xFFFFFFF0, v62  }
0x55: {  	v3 =	vor.u32 v3, v4  }
0x56: {  	v4 =	vperm.xlane v3, v0;
	_ =	sdelay $0x1  }
0x57: {  	v3 =	vperm.xlane v3, v2;
	v4 =	vadd.s32 v1, v4;
	_ =	sdelay $0x1  }
0x58: {  	v3 =	vadd.s32 v1, v3;
	_ =	sdelay $0x2  }
0x59: {  	[tilespmem:s20], [sflag:$0x1] =	stream.indirect_vreg.gather [hbm4b:s3+s2], $0x80, v4, vm0, $0xb8;
	[tilespmem:$0x8080] =	vst v63  }
0x5a: {  	_ = 	snop  }
0x5b: {  	[tilespmem:s21], [sflag:$0x1] =	stream.indirect_vreg.gather [hbm4b:s3+s2], $0x80, v3, vm0, $0xb8;
	[tilespmem:$0x8080] =	vst v63  }
0x5c: {  	v3 =	vld [tilespmem:$0x70];
	_ =	sdelay $0x4  }
0x5d: {  	v63 =	vshll.u32 v3, $0x1  }
0x5e: {  	v3 =	vand.u32 $0x7, v3;
	v4 =	vand.u32 $0xFFFFFFF0, v63  }
0x5f: {  	v3 =	vor.u32 v3, v4  }
0x60: {  	v4 =	vperm.xlane v3, v0;
	_ =	sdelay $0x1  }
0x61: {  	v3 =	vperm.xlane v3, v2;
	v4 =	vadd.s32 v1, v4;
	_ =	sdelay $0x1  }
0x62: {  	v3 =	vadd.s32 v1, v3;
	_ =	sdelay $0x2  }
0x63: {  	[tilespmem:s22], [sflag:$0x1] =	stream.indirect_vreg.gather [hbm4b:s3+s2], $0x80, v4, vm0, $0xb8;
	[tilespmem:$0x8080] =	vst v63  }
0x64: {  	_ = 	snop  }
0x65: {  	[tilespmem:s23], [sflag:$0x1] =	stream.indirect_vreg.gather [hbm4b:s3+s2], $0x80, v3, vm0, $0xb8;
	[tilespmem:$0x8080] =	vst v63  }
0x66: {  	_ =	swait.ge [sflag:s24], $0x8000  }
0x67: {  	p0 =	sne.s32 s28, $0x30;
	[sflag:s24] =	ssyncset.done $0x0  }
.Ltmp0:
0x68: {  	[sflag:s24] =	ssyncadd.s32 $0xFFFF8000;
	(pc) =	sbr.rel @p0 .LBB2_2-.Ltmp0, $4  }
0x69: {  	[hbm4b:s26+s2] =	stream.linear.scatter [tilespmem:s8], [sflag:$0x2], $0x8000, $0x38;
	[tilespmem:$0x8080] =	vst v63  }
0x6a: {  	_ =	swait.ge [sflag:s7], $0x8000  }
0x6b: {  	[sflag:s7] =	ssyncset.done $0x0  }
0x6c: {  	s28 =	sadd.s32 $0x10, s28;
	s26 =	sadd.s32 $0x1000, s26;
	[sflag:s7] =	ssyncadd.s32 $0xFFFF8000  }
0x6d: {  	s25 =	sadd.s32 $0x1, s25  }
0x6e: {  	p0 =	sne.s32 s25, s4  }
.Ltmp1:
0x6f: {  	_ = 	snop;
	(pc) =	sbr.rel @p0 .LBB2_1-.Ltmp1, $1  }
0x70: {  	_ =	sdelay $0x3  }
0x71: {  	_ =	sfence.sel $0x180000  }
0x72: {  	[bflag:$0x0] =	sbarrier.arrive $0xFFFF  }
0x73: {  	p0 =	sne.s32 s1, $0x0;
	_ =	strace $0x90000053  }
0x74: {  	s0 =	sadd.s32 @!p0 $0x100000, s0;
	[bflag:$0x2] =	sbarrier.arrive $0xFFFF  }
0x75: {  	[sflag:s0] =	ssyncadd.tile.s32 @!p0 $0x1;
	_ =	shalt  }
.Lfunc_end2:
_tile_overlayer_lowered:
.L_overlay_start_2:
0x76: {  	(tag) =	ssettag $0x2  }
0x77: {  	s0 =	rddreg [dreg:$0x0];
	s2 =	stileid.u32  }
0x78: {  	s1 =	rddreg [dreg:$0x1];
	p0 =	sne.s32 s2, $0x0  }
0x79: {  	s3 =	rddreg [dreg:$0x2];
	[bflag:$0x3] =	sbarrier.arrive $0xFFFF;
	s2 =	simm.s32 @!p0 $0x1C02  }
0x7a: {  	[timem:s3], [sflag:s2] =	dma.local @!p0 [hbm:s0], s1  }
0x7b: {  	s0 =	simm.s32 @!p0 $0x2  }
0x7c: {  	_ =	swait.ge @!p0 [sflag:s0], s1  }
0x7d: {  	s1 =	ssub.s32 @!p0 $0x0, s1;
	[sflag:s0] =	ssyncset.done @!p0 $0x0  }
0x7e: {  	[sflag:s0] =	ssyncadd.s32 @!p0 s1  }
0x7f: {  	[bflag:$0x3] =	sbarrier.arrive $0xFFFF  }
0x80: {  	_ =	shalt  }

// kernel: kernel.33.cloned.1.call-start
scs
__scs_entry_jumppad:
0x0: {  	(pc) =	sbr.rel $0x88, $3  }
0x1: {  	(tag) =	ssettag $0x0;
	lr =	simm.s32 $0x1  }
0x2: {  	[smem:$0x3F9F] =	sst lr;
	_ =	strace $0xD0000000  }
0x3: {  	_ = 	snop  }
0x4: {  	_ = 	snop  }
0x5: {  	_ = 	snop  }
0x6: {  	_ = 	snop  }
0x7: {  	_ = 	snop  }
__scs_overlays_trampoline_lowered:
0x8: {  	[smem:$0x3FAE] =	sst s0  }
0x9: {  	[smem:$0x3FAF] =	sst s1  }
0xa: {  	[smem:$0x3FB0] =	sst s2  }
0xb: {  	[smem:$0x3FB1] =	sst s3  }
0xc: {  	[smem:$0x3FB2] =	sst s4  }
0xd: {  	[smem:$0x3FB3] =	sst s5  }
0xe: {  	[smem:$0x3FB4] =	sst s6  }
0xf: {  	[smem:$0x3FB5] =	sst s7  }
0x10: {  	[smem:$0x3FB6] =	sst s8  }
0x11: {  	[smem:$0x3FB7] =	sst s9;
	s0 =	simm.s32 @!p0 $0x0  }
0x12: {  	s1 =	sld [smem:$0x3F9D];
	s0 =	simm.s32 @p0 $0x1  }
0x13: {  	[smem:$0x3FB8] =	sst s0;
	s0 =	simm.s32 @!p1 $0x0  }
0x14: {  	s2 =	sld [smem:$0x3F9C];
	s0 =	simm.s32 @p1 $0x1  }
0x15: {  	[smem:$0x3FB9] =	sst s0;
	s0 =	simm.s32 @!p2 $0x0  }
0x16: {  	s3 =	sld [smem:$0x3FDB];
	s0 =	simm.s32 @p2 $0x1  }
0x17: {  	s4 =	simm.s32 $0x1BF5;
	[smem:$0x3FBB] =	sst s0  }
0x18: {  	s0 =	sld [smem:$0x3F9E];
	_ =	swait.ge [sflag:s4], $0x0  }
0x19: {  	s7 =	sld [smem:$0x3F9F]  }
0x1a: {  	s8 =	sadd.s32 $0xFFFFE003, lr  }
0x1b: {  	s9 =	sadd.s32 $0xFFFFFEF7, lr;
	s5 =	simm.s32 $0xFFFFFFFF;
	p2 =	slt.u32 s8, $0xFFFFF086  }
0x1c: {  	p1 =	slt.u32 s9, $0xF7A;
	s5 =	simm.s32 @!p2 $0x0  }
0x1d: {  	s5 =	simm.s32 @p1 $0x1;
	p0 =	seq.s32 s7, s2  }
0x1e: {  	s7 =	smul.u32 @!p0 $0xF7A, s2;
	p2 =	seq.s32 @!p0 s5, $0x0  }
0x1f: {  	s9 =	smul.u32 $0xF7A, s1;
	s8 =	simm.s32 @!p0 $0x1BF5;
	p2 =	por !p2, p0  }
0x20: {  	[sflag:s8] =	ssyncset.s32 @!p0 $0xFFFFF086;
	s6 =	sadd.s32 @!p0 s3, s7;
	s7 =	simm.s32 @!p0 $0x108  }
0x21: {  	s3 =	sadd.s32 s3, s9;
	s6 =	sadd.s32 @!p0 $0x88, s6;
	s7 =	simm.s32 @p2 $0x1082  }
0x22: {  	[simem:s7], [sflag:s8] =	dma.local @!p0 [hbm:s6], $0xF7A  }
0x23: {  	s9 =	sor.u32 $0xD0000000, s2;
	s6 =	simm.s32 $0x108;
	_ =	swait.ge @!p0 [sflag:s8], $0x0  }
0x24: {  	s3 =	sadd.s32 $0x88, s3;
	s6 =	simm.s32 @!p1 $0x1082;
	[sflag:s4] =	ssyncset.s32 $0xFFFFF086  }
0x25: {  	[simem:s6], [sflag:s4] =	dma.local [hbm:s3], $0xF7A  }
0x26: {  	[smem:$0x3F9F] =	sst s1;
	(tag) =	ssettag s2;
	_ =	strace s9  }
0x27: {  	s1 =	sld [smem:$0x3FAF]  }
0x28: {  	s2 =	sld [smem:$0x3FB0]  }
0x29: {  	s4 =	sld [smem:$0x3FB2]  }
0x2a: {  	p0 =	seq.s32 s5, $0x0;
	s5 =	sld [smem:$0x3FB3]  }
0x2b: {  	s6 =	sld [smem:$0x3FB4]  }
0x2c: {  	s7 =	sld [smem:$0x3FB5]  }
0x2d: {  	s3 =	simm.s32 $0x108;
	s8 =	sld [smem:$0x3FB6]  }
0x2e: {  	s3 =	simm.s32 @!p0 $0x1082;
	s9 =	sld [smem:$0x3FB7]  }
0x2f: {  	lr =	sadd.s32 s0, s3;
	s0 =	sld [smem:$0x3FAE]  }
0x30: {  	s3 =	sld [smem:$0x3FB1]  }
0x31: {  	[smem:$0x3FBA] =	sst s10  }
0x32: {  	s10 =	sld [smem:$0x3FB8];
	_ =	sdelay $0x3  }
0x33: {  	p0 =	seq.s32 s10, $0x1;
	s10 =	sld [smem:$0x3FBA];
	_ =	sdelay $0x3  }
0x34: {  	[smem:$0x3FBA] =	sst s10  }
0x35: {  	s10 =	sld [smem:$0x3FB9];
	_ =	sdelay $0x3  }
0x36: {  	p1 =	seq.s32 s10, $0x1;
	s10 =	sld [smem:$0x3FBA];
	_ =	sdelay $0x3  }
0x37: {  	[smem:$0x3FBA] =	sst s10  }
0x38: {  	s10 =	sld [smem:$0x3FBB]  }
0x39: {  	_ = 	snop;
	(pc) =	sbr.ind lr, $3  }
0x3a: {  	_ = 	snop  }
0x3b: {  	_ = 	snop  }
0x3c: {  	p2 =	seq.s32 s10, $0x1;
	s10 =	sld [smem:$0x3FBA]  }
0x3d: {  	_ =	shalt  }
0x3e: {  	_ =	shalt  }
0x3f: {  	_ =	shalt  }
0x40: {  	_ =	shalt  }
0x41: {  	_ =	shalt  }
0x42: {  	_ =	shalt  }
0x43: {  	_ =	shalt  }
0x44: {  	_ =	shalt  }
0x45: {  	_ =	shalt  }
0x46: {  	_ =	shalt  }
0x47: {  	_ =	shalt  }
0x48: {  	_ =	shalt  }
0x49: {  	_ =	shalt  }
0x4a: {  	_ =	shalt  }
0x4b: {  	_ =	shalt  }
0x4c: {  	_ =	shalt  }
0x4d: {  	_ =	shalt  }
0x4e: {  	_ =	shalt  }
0x4f: {  	_ =	shalt  }
0x50: {  	_ =	shalt  }
0x51: {  	_ =	shalt  }
0x52: {  	_ =	shalt  }
0x53: {  	_ =	shalt  }
0x54: {  	_ =	shalt  }
0x55: {  	_ =	shalt  }
0x56: {  	_ =	shalt  }
0x57: {  	_ =	shalt  }
0x58: {  	_ =	shalt  }
0x59: {  	_ =	shalt  }
0x5a: {  	_ =	shalt  }
0x5b: {  	_ =	shalt  }
0x5c: {  	_ =	shalt  }
0x5d: {  	_ =	shalt  }
0x5e: {  	_ =	shalt  }
0x5f: {  	_ =	shalt  }
0x60: {  	_ =	shalt  }
0x61: {  	_ =	shalt  }
0x62: {  	_ =	shalt  }
0x63: {  	_ =	shalt  }
0x64: {  	_ =	shalt  }
0x65: {  	_ =	shalt  }
0x66: {  	_ =	shalt  }
0x67: {  	_ =	shalt  }
0x68: {  	_ =	shalt  }
0x69: {  	_ =	shalt  }
0x6a: {  	_ =	shalt  }
0x6b: {  	_ =	shalt  }
0x6c: {  	_ =	shalt  }
0x6d: {  	_ =	shalt  }
0x6e: {  	_ =	shalt  }
0x6f: {  	_ =	shalt  }
0x70: {  	_ =	shalt  }
0x71: {  	_ =	shalt  }
0x72: {  	_ =	shalt  }
0x73: {  	_ =	shalt  }
0x74: {  	_ =	shalt  }
0x75: {  	_ =	shalt  }
0x76: {  	_ =	shalt  }
0x77: {  	_ =	shalt  }
0x78: {  	_ =	shalt  }
0x79: {  	_ =	shalt  }
0x7a: {  	_ =	shalt  }
0x7b: {  	_ =	shalt  }
0x7c: {  	_ =	shalt  }
0x7d: {  	_ =	shalt  }
0x7e: {  	_ =	shalt  }
0x7f: {  	_ =	shalt  }
0x80: {  	_ =	shalt  }
0x81: {  	_ =	shalt  }
0x82: {  	_ =	shalt  }
0x83: {  	_ =	shalt  }
0x84: {  	_ =	shalt  }
0x85: {  	_ =	shalt  }
0x86: {  	_ =	shalt  }
0x87: {  	_ =	shalt  }
.Lfunc_end0:
.L_simem_size_0:
called_computation.5_lowered:
.L_overlay_start_0:
0x88: {  	s2 =	sld [smem:$0x3FD9]  }
0x89: {  	s3 =	sld [smem:$0x3FFE];
	_ =	sdelay $0x1  }
0x8a: {  	s1 =	srdreg.scid  }
0x8b: {  	s0 =	sand.u32 $0x1, s1  }
0x8c: {  	s16 =	sshll.u32 s0, $0xA;
	s2 =	sadd.s32 s3, s2  }
0x8d: {  	s2 =	sadd.s32 s2, s16  }
0x8e: {  	[smem:$0x3FC6] =	sst s2  }
0x8f: {  	_ = 	snop  }
0x90: {  	(tm) =	ssettm $0x1  }
0x91: {  	s17 =	sld [smem:$0x3FFB];
	_ =	sdelay $0x3  }
0x92: {  	_ =	strace s17  }
0x93: {  	s2 =	sld [smem:$0x3FFC];
	_ =	sdelay $0x3  }
0x94: {  	_ =	strace s2  }
0x95: {  	s2 =	sld [smem:$0x3FFD];
	_ =	sdelay $0x3  }
0x96: {  	_ =	strace s2  }
0x97: {  	_ =	strace $0x8FFFFFFF  }
0x98: {  	s18 =	sld [smem:$0x3FDB];
	_ =	sdelay $0x1  }
0x99: {  	s19 =	simm.s32 $_scs_section_size  }
0x9a: {  	s4 =	simm.s32 $_size__tile_overlayer_lowered;
	s5 =	simm.s32 $_tile_overlayer_lowered  }
0x9b: {  	s22 =	simm.s32 $0x1BFF;
	s21 =	sshll.u32 s5, $0x1;
	s2 =	sadd.s32 s19, s18  }
0x9c: {  	s6 =	simm.s32 $0x0;
	s20 =	sshll.u32 s4, $0x1;
	s4 =	sadd.s32 s21, s2  }
0x9d: {  	[timem:s6], [sflag:s22] =	dma.local [hbm:s4], s20  }
0x9e: {  	_ =	swait.ge [sflag:s22], s20  }
0x9f: {  	s3 =	ssub.s32 $0x0, s20;
	[sflag:s22] =	ssyncset.done $0x0  }
0xa0: {  	[sflag:s22] =	ssyncadd.s32 s3;
	_ =	sdelay $0x1  }
0xa1: {  	s23 =	simm.s32 $0x1B8B  }
0xa2: {  	_ =	swait.ge [sflag:s23], $0x1  }
0xa3: {  	[sflag:s23] =	ssyncset.done $0x0  }
0xa4: {  	s25 =	simm.s32 $0x1B8E;
	s24 =	sld [smem:$0x3FFE];
	[sflag:s23] =	ssyncadd.s32 $0xFFFFFFFF  }
0xa5: {  	s26 =	simm.s32 $execute0_lowered;
	[smem:$0x3FD2] =	sst s25  }
0xa6: {  	s4 =	sshll.u32 s26, $0x1;
	_ =	strace $0x80000055;
	[dreg:$0x1] =	wrdreg $0xFFFFFFFF  }
0xa7: {  	s28 =	simm.s32 $_size_execute0_lowered;
	s2 =	sadd.s32 s2, s4;
	[dreg:$0x0] =	wrdreg $0x0  }
0xa8: {  	s4 =	sshll.u32 s28, $0x1;
	[dreg:$0x2] =	wrdreg s2  }
0xa9: {  	[dreg:$0x3] =	wrdreg s4  }
0xaa: {  	[dreg:$0x4] =	wrdreg $0xC0  }
0xab: {  	_ =	task [dreg:s6], $0x5FFFF  }
0xac: {  	[dreg:$0x1] =	wrdreg $0xFFFFFFFF  }
0xad: {  	[dreg:$0x0] =	wrdreg $0x60  }
0xae: {  	[dreg:$0x2] =	wrdreg s24  }
0xaf: {  	[dreg:$0x3] =	wrdreg $0x9  }
0xb0: {  	_ =	task.clear_ibuf [dreg:s6], $0x4FFFF;
	_ =	strace $0x90000055  }
0xb1: {  	s29 =	simm.s32 $0x9;
	_ =	strace $0x80000057  }
0xb2: {  	_ =	swait.ge [sflag:s29], $0x1  }
0xb3: {  	[sflag:s29] =	ssyncadd.s32 $0xFFFFFFFF  }
0xb4: {  	_ =	strace $0x90000057  }
0xb5: {  	_ =	sfence  }
0xb6: {  	s30 =	sld [smem:$0x0];
	_ =	sdelay $0x2  }
0xb7: {  	s31 =	sshll.u32 s1, $0xD;
	s1 =	sshrl.u32 s1, $0x2  }
0xb8: {  	s3 =	sand.u32 $0x4000, s31;
	s1 =	sadd.s32 s1, s30  }
0xb9: {  	s0 =	sor.u32 s3, s0;
	s1 =	sshll.u32 s1, $0x11  }
0xba: {  	s0 =	sor.u32 s1, s0  }
0xbb: {  	s0 =	sadd.s32 $0x8F2B, s0  }
0xbc: {  	[sflag:s0] =	ssyncadd.remote.s32 $0x1  }
0xbd: {  	_ =	sfence.sel $0xFFFF  }
0xbe: {  	[dreg:$0x0] =	wrdreg $0xFFFFFFFF;
	(pc) =	sbr.abs _section_cstart, $3  }
0xbf: {  	[dreg:$0x1] =	wrdreg $0xFFFFFFFF  }
0xc0: {  	_ =	task.clear_ibuf [dreg:s6], $0x2FFFF;
	_ =	strace $0x9FFFFFFF  }
0xc1: {  	(tm) =	ssettm $0x7FFFFFFF  }
tec
execute0_lowered:
.L_overlay_start_1:
0x0: {  	(tag) =	ssettag $0x1  }
0x1: {  	s4 =	rddreg [dreg:$0x0]  }
0x2: {  	s0 =	rddreg [dreg:$0x1];
	s2 =	simm.s32 $0x0;
	s3 =	srdreg.scid  }
0x3: {  	s1 =	stileid.u32;
	s10 =	simm.s32 $0x1080;
	s11 =	simm.s32 $0x1880  }
0x4: {  	s12 =	simm.s32 $0x2080;
	s13 =	simm.s32 $0x2880;
	s14 =	simm.s32 $0x3080  }
0x5: {  	s15 =	simm.s32 $0x3880;
	s16 =	simm.s32 $0x4080;
	s17 =	simm.s32 $0x4880  }
0x6: {  	s18 =	simm.s32 $0x5080;
	s19 =	simm.s32 $0x5880;
	s20 =	simm.s32 $0x6080  }
0x7: {  	s21 =	simm.s32 $0x6880;
	s22 =	simm.s32 $0x7080;
	s23 =	simm.s32 $0x7880  }
0x8: {  	s24 =	simm.s32 $0x1;
	s25 =	simm.s32 $0x0;
	[smem:$0x7FF] =	sst s2  }
0x9: {  	s5 =	sand.u32 $0x1, s3;
	s6 =	sshll.u32 s1, $0xA;
	s3 =	sadd.s32 $0x147A00, s4  }
0xa: {  	s8 =	sshll.u32 s1, $0xF;
	_ =	strace $0x80000056;
	s7 =	sshll.u32 s5, $0x9  }
0xb: {  	s31 =	ssub.s32 $0x2, s5;
	s8 =	sadd.s32 s8, s4;
	s5 =	sshll.u32 s5, $0xE  }
0xc: {  	s6 =	sor.u32 s7, s6;
	s9 =	sshrl.u32 s31, $0x1;
	s5 =	sadd.s32 s5, s8  }
0xd: {  	v2 =	vlaneseq.u32;
	s8 =	simm.s32 $0x80;
	s6 =	sshrl.u32 s6, $0x3;
	s7 =	ssub.s32 s31, s9  }
0xe: {  	vm0 =	vmmov $0xffff;
	v1 =	vshrl.u32 v2, $0x3;
	s5 =	sadd.s32 $0x6C7A00, s5;
	s9 =	simm.s32 $0x880;
	s6 =	sadd.s32 s6, s4  }
0xf: {  	v0 =	vand.u32 $0x7, v2;
	v2 =	vor.u32 $0x8, v2;
	v1 =	vmul.u32 $0x8, v1;
	s4 =	smax.u32 s7, $0x1;
	s7 =	simm.s32 $0x2;
	s6 =	sadd.s32 $0x109A00, s6  }
.LBB2_1:
0x10: {  	s26 =	smov.u32 s5;
	s28 =	simm.s32 $0x0  }
.LBB2_2:
0x11: {  	s29 =	sadd.s32 s28, s6  }
0x12: {  	[tilespmem:s2], [sflag:$0x2] =	stream.linear.gather [hbm4b:s29+s2], $0x80, $0x38;
	[tilespmem:$0x8080] =	vst v63  }
0x13: {  	_ =	swait.ge [sflag:s7], $0x80  }
0x14: {  	[sflag:s7] =	ssyncset.done $0x0  }
0x15: {  	[sflag:s7] =	ssyncadd.s32 $0xFFFFFF80  }
0x16: {  	v3 =	vld [tilespmem:$0x0];
	_ =	sdelay $0x4  }
0x17: {  	v4 =	vshll.u32 v3, $0x1  }
0x18: {  	v3 =	vand.u32 $0x7, v3;
	v4 =	vand.u32 $0xFFFFFFF0, v4  }
0x19: {  	v3 =	vor.u32 v3, v4  }
0x1a: {  	v4 =	vperm.xlane v3, v0;
	_ =	sdelay $0x1  }
0x1b: {  	v3 =	vperm.xlane v3, v2;
	v4 =	vadd.s32 v1, v4;
	_ =	sdelay $0x1  }
0x1c: {  	v3 =	vadd.s32 v1, v3;
	_ =	sdelay $0x2  }
0x1d: {  	[tilespmem:s8], [sflag:$0x1] =	stream.indirect_vreg.gather [hbm4b:s3+s2], $0x80, v4, vm0, $0xb8;
	[tilespmem:$0x8080] =	vst v63  }
0x1e: {  	_ = 	snop  }
0x1f: {  	[tilespmem:s9], [sflag:$0x1] =	stream.indirect_vreg.gather [hbm4b:s3+s2], $0x80, v3, vm0, $0xb8;
	[tilespmem:$0x8080] =	vst v63  }
0x20: {  	v3 =	vld [tilespmem:$0x10];
	_ =	sdelay $0x4  }
0x21: {  	v57 =	vshll.u32 v3, $0x1  }
0x22: {  	v3 =	vand.u32 $0x7, v3;
	v4 =	vand.u32 $0xFFFFFFF0, v57  }
0x23: {  	v3 =	vor.u32 v3, v4  }
0x24: {  	v4 =	vperm.xlane v3, v0;
	_ =	sdelay $0x1  }
0x25: {  	v3 =	vperm.xlane v3, v2;
	v4 =	vadd.s32 v1, v4;
	_ =	sdelay $0x1  }
0x26: {  	v3 =	vadd.s32 v1, v3;
	_ =	sdelay $0x2  }
0x27: {  	[tilespmem:s10], [sflag:$0x1] =	stream.indirect_vreg.gather [hbm4b:s3+s2], $0x80, v4, vm0, $0xb8;
	[tilespmem:$0x8080] =	vst v63  }
0x28: {  	_ = 	snop  }
0x29: {  	[tilespmem:s11], [sflag:$0x1] =	stream.indirect_vreg.gather [hbm4b:s3+s2], $0x80, v3, vm0, $0xb8;
	[tilespmem:$0x8080] =	vst v63  }
0x2a: {  	v3 =	vld [tilespmem:$0x20];
	_ =	sdelay $0x4  }
0x2b: {  	v58 =	vshll.u32 v3, $0x1  }
0x2c: {  	v3 =	vand.u32 $0x7, v3;
	v4 =	vand.u32 $0xFFFFFFF0, v58  }
0x2d: {  	v3 =	vor.u32 v3, v4  }
0x2e: {  	v4 =	vperm.xlane v3, v0;
	_ =	sdelay $0x1  }
0x2f: {  	v3 =	vperm.xlane v3, v2;
	v4 =	vadd.s32 v1, v4;
	_ =	sdelay $0x1  }
0x30: {  	v3 =	vadd.s32 v1, v3;
	_ =	sdelay $0x2  }
0x31: {  	[tilespmem:s12], [sflag:$0x1] =	stream.indirect_vreg.gather [hbm4b:s3+s2], $0x80, v4, vm0, $0xb8;
	[tilespmem:$0x8080] =	vst v63  }
0x32: {  	_ = 	snop  }
0x33: {  	[tilespmem:s13], [sflag:$0x1] =	stream.indirect_vreg.gather [hbm4b:s3+s2], $0x80, v3, vm0, $0xb8;
	[tilespmem:$0x8080] =	vst v63  }
0x34: {  	v3 =	vld [tilespmem:$0x30];
	_ =	sdelay $0x4  }
0x35: {  	v59 =	vshll.u32 v3, $0x1  }
0x36: {  	v3 =	vand.u32 $0x7, v3;
	v4 =	vand.u32 $0xFFFFFFF0, v59  }
0x37: {  	v3 =	vor.u32 v3, v4  }
0x38: {  	v4 =	vperm.xlane v3, v0;
	_ =	sdelay $0x1  }
0x39: {  	v3 =	vperm.xlane v3, v2;
	v4 =	vadd.s32 v1, v4;
	_ =	sdelay $0x1  }
0x3a: {  	v3 =	vadd.s32 v1, v3;
	_ =	sdelay $0x2  }
0x3b: {  	[tilespmem:s14], [sflag:$0x1] =	stream.indirect_vreg.gather [hbm4b:s3+s2], $0x80, v4, vm0, $0xb8;
	[tilespmem:$0x8080] =	vst v63  }
0x3c: {  	_ = 	snop  }
0x3d: {  	[tilespmem:s15], [sflag:$0x1] =	stream.indirect_vreg.gather [hbm4b:s3+s2], $0x80, v3, vm0, $0xb8;
	[tilespmem:$0x8080] =	vst v63  }
0x3e: {  	v3 =	vld [tilespmem:$0x40];
	_ =	sdelay $0x4  }
0x3f: {  	v60 =	vshll.u32 v3, $0x1  }
0x40: {  	v3 =	vand.u32 $0x7, v3;
	v4 =	vand.u32 $0xFFFFFFF0, v60  }
0x41: {  	v3 =	vor.u32 v3, v4  }
0x42: {  	v4 =	vperm.xlane v3, v0;
	_ =	sdelay $0x1  }
0x43: {  	v3 =	vperm.xlane v3, v2;
	v4 =	vadd.s32 v1, v4;
	_ =	sdelay $0x1  }
0x44: {  	v3 =	vadd.s32 v1, v3;
	_ =	sdelay $0x2  }
0x45: {  	[tilespmem:s16], [sflag:$0x1] =	stream.indirect_vreg.gather [hbm4b:s3+s2], $0x80, v4, vm0, $0xb8;
	[tilespmem:$0x8080] =	vst v63  }
0x46: {  	_ = 	snop  }
0x47: {  	[tilespmem:s17], [sflag:$0x1] =	stream.indirect_vreg.gather [hbm4b:s3+s2], $0x80, v3, vm0, $0xb8;
	[tilespmem:$0x8080] =	vst v63  }
0x48: {  	v3 =	vld [tilespmem:$0x50];
	_ =	sdelay $0x4  }
0x49: {  	v61 =	vshll.u32 v3, $0x1  }
0x4a: {  	v3 =	vand.u32 $0x7, v3;
	v4 =	vand.u32 $0xFFFFFFF0, v61  }
0x4b: {  	v3 =	vor.u32 v3, v4  }
0x4c: {  	v4 =	vperm.xlane v3, v0;
	_ =	sdelay $0x1  }
0x4d: {  	v3 =	vperm.xlane v3, v2;
	v4 =	vadd.s32 v1, v4;
	_ =	sdelay $0x1  }
0x4e: {  	v3 =	vadd.s32 v1, v3;
	_ =	sdelay $0x2  }
0x4f: {  	[tilespmem:s18], [sflag:$0x1] =	stream.indirect_vreg.gather [hbm4b:s3+s2], $0x80, v4, vm0, $0xb8;
	[tilespmem:$0x8080] =	vst v63  }
0x50: {  	_ = 	snop  }
0x51: {  	[tilespmem:s19], [sflag:$0x1] =	stream.indirect_vreg.gather [hbm4b:s3+s2], $0x80, v3, vm0, $0xb8;
	[tilespmem:$0x8080] =	vst v63  }
0x52: {  	v3 =	vld [tilespmem:$0x60];
	_ =	sdelay $0x4  }
0x53: {  	v62 =	vshll.u32 v3, $0x1  }
0x54: {  	v3 =	vand.u32 $0x7, v3;
	v4 =	vand.u32 $0xFFFFFFF0, v62  }
0x55: {  	v3 =	vor.u32 v3, v4  }
0x56: {  	v4 =	vperm.xlane v3, v0;
	_ =	sdelay $0x1  }
0x57: {  	v3 =	vperm.xlane v3, v2;
	v4 =	vadd.s32 v1, v4;
	_ =	sdelay $0x1  }
0x58: {  	v3 =	vadd.s32 v1, v3;
	_ =	sdelay $0x2  }
0x59: {  	[tilespmem:s20], [sflag:$0x1] =	stream.indirect_vreg.gather [hbm4b:s3+s2], $0x80, v4, vm0, $0xb8;
	[tilespmem:$0x8080] =	vst v63  }
0x5a: {  	_ = 	snop  }
0x5b: {  	[tilespmem:s21], [sflag:$0x1] =	stream.indirect_vreg.gather [hbm4b:s3+s2], $0x80, v3, vm0, $0xb8;
	[tilespmem:$0x8080] =	vst v63  }
0x5c: {  	v3 =	vld [tilespmem:$0x70];
	_ =	sdelay $0x4  }
0x5d: {  	v63 =	vshll.u32 v3, $0x1  }
0x5e: {  	v3 =	vand.u32 $0x7, v3;
	v4 =	vand.u32 $0xFFFFFFF0, v63  }
0x5f: {  	v3 =	vor.u32 v3, v4  }
0x60: {  	v4 =	vperm.xlane v3, v0;
	_ =	sdelay $0x1  }
0x61: {  	v3 =	vperm.xlane v3, v2;
	v4 =	vadd.s32 v1, v4;
	_ =	sdelay $0x1  }
0x62: {  	v3 =	vadd.s32 v1, v3;
	_ =	sdelay $0x2  }
0x63: {  	[tilespmem:s22], [sflag:$0x1] =	stream.indirect_vreg.gather [hbm4b:s3+s2], $0x80, v4, vm0, $0xb8;
	[tilespmem:$0x8080] =	vst v63  }
0x64: {  	_ = 	snop  }
0x65: {  	[tilespmem:s23], [sflag:$0x1] =	stream.indirect_vreg.gather [hbm4b:s3+s2], $0x80, v3, vm0, $0xb8;
	[tilespmem:$0x8080] =	vst v63  }
0x66: {  	_ =	swait.ge [sflag:s24], $0x8000  }
0x67: {  	p0 =	sne.s32 s28, $0x30;
	[sflag:s24] =	ssyncset.done $0x0  }
.Ltmp0:
0x68: {  	[sflag:s24] =	ssyncadd.s32 $0xFFFF8000;
	(pc) =	sbr.rel @p0 .LBB2_2-.Ltmp0, $4  }
0x69: {  	[hbm4b:s26+s2] =	stream.linear.scatter [tilespmem:s8], [sflag:$0x2], $0x8000, $0x38;
	[tilespmem:$0x8080] =	vst v63  }
0x6a: {  	_ =	swait.ge [sflag:s7], $0x8000  }
0x6b: {  	[sflag:s7] =	ssyncset.done $0x0  }
0x6c: {  	s28 =	sadd.s32 $0x10, s28;
	s26 =	sadd.s32 $0x1000, s26;
	[sflag:s7] =	ssyncadd.s32 $0xFFFF8000  }
0x6d: {  	s25 =	sadd.s32 $0x1, s25  }
0x6e: {  	p0 =	sne.s32 s25, s4  }
.Ltmp1:
0x6f: {  	_ = 	snop;
	(pc) =	sbr.rel @p0 .LBB2_1-.Ltmp1, $1  }
0x70: {  	_ =	sdelay $0x3  }
0x71: {  	_ =	sfence.sel $0x180000  }
0x72: {  	[bflag:$0x0] =	sbarrier.arrive $0xFFFF  }
0x73: {  	p0 =	sne.s32 s1, $0x0;
	_ =	strace $0x90000056  }
0x74: {  	s0 =	sadd.s32 @!p0 $0x100000, s0;
	[bflag:$0x2] =	sbarrier.arrive $0xFFFF  }
0x75: {  	[sflag:s0] =	ssyncadd.tile.s32 @!p0 $0x1;
	_ =	shalt  }
.Lfunc_end2:
_tile_overlayer_lowered:
.L_overlay_start_2:
0x76: {  	(tag) =	ssettag $0x2  }
0x77: {  	s0 =	rddreg [dreg:$0x0];
	s2 =	stileid.u32  }
0x78: {  	s1 =	rddreg [dreg:$0x1];
	p0 =	sne.s32 s2, $0x0  }
0x79: {  	s3 =	rddreg [dreg:$0x2];
	[bflag:$0x3] =	sbarrier.arrive $0xFFFF;
	s2 =	simm.s32 @!p0 $0x1C02  }
0x7a: {  	[timem:s3], [sflag:s2] =	dma.local @!p0 [hbm:s0], s1  }
0x7b: {  	s0 =	simm.s32 @!p0 $0x2  }
0x7c: {  	_ =	swait.ge @!p0 [sflag:s0], s1  }
0x7d: {  	s1 =	ssub.s32 @!p0 $0x0, s1;
	[sflag:s0] =	ssyncset.done @!p0 $0x0  }
0x7e: {  	[sflag:s0] =	ssyncadd.s32 @!p0 s1  }
0x7f: {  	[bflag:$0x3] =	sbarrier.arrive $0xFFFF  }
0x80: {  	_ =	shalt  }

// kernel: kernel.36.cloned.1.call-start
scs
__scs_entry_jumppad:
0x0: {  	(pc) =	sbr.rel $0x88, $3  }
0x1: {  	(tag) =	ssettag $0x0;
	lr =	simm.s32 $0x1  }
0x2: {  	[smem:$0x3F9F] =	sst lr;
	_ =	strace $0xD0000000  }
0x3: {  	_ = 	snop  }
0x4: {  	_ = 	snop  }
0x5: {  	_ = 	snop  }
0x6: {  	_ = 	snop  }
0x7: {  	_ = 	snop  }
__scs_overlays_trampoline_lowered:
0x8: {  	[smem:$0x3FAE] =	sst s0  }
0x9: {  	[smem:$0x3FAF] =	sst s1  }
0xa: {  	[smem:$0x3FB0] =	sst s2  }
0xb: {  	[smem:$0x3FB1] =	sst s3  }
0xc: {  	[smem:$0x3FB2] =	sst s4  }
0xd: {  	[smem:$0x3FB3] =	sst s5  }
0xe: {  	[smem:$0x3FB4] =	sst s6  }
0xf: {  	[smem:$0x3FB5] =	sst s7  }
0x10: {  	[smem:$0x3FB6] =	sst s8  }
0x11: {  	[smem:$0x3FB7] =	sst s9;
	s0 =	simm.s32 @!p0 $0x0  }
0x12: {  	s1 =	sld [smem:$0x3F9D];
	s0 =	simm.s32 @p0 $0x1  }
0x13: {  	[smem:$0x3FB8] =	sst s0;
	s0 =	simm.s32 @!p1 $0x0  }
0x14: {  	s2 =	sld [smem:$0x3F9C];
	s0 =	simm.s32 @p1 $0x1  }
0x15: {  	[smem:$0x3FB9] =	sst s0;
	s0 =	simm.s32 @!p2 $0x0  }
0x16: {  	s3 =	sld [smem:$0x3FDB];
	s0 =	simm.s32 @p2 $0x1  }
0x17: {  	s4 =	simm.s32 $0x1BF5;
	[smem:$0x3FBB] =	sst s0  }
0x18: {  	s0 =	sld [smem:$0x3F9E];
	_ =	swait.ge [sflag:s4], $0x0  }
0x19: {  	s7 =	sld [smem:$0x3F9F]  }
0x1a: {  	s8 =	sadd.s32 $0xFFFFE003, lr  }
0x1b: {  	s9 =	sadd.s32 $0xFFFFFEF7, lr;
	s5 =	simm.s32 $0xFFFFFFFF;
	p2 =	slt.u32 s8, $0xFFFFF086  }
0x1c: {  	p1 =	slt.u32 s9, $0xF7A;
	s5 =	simm.s32 @!p2 $0x0  }
0x1d: {  	s5 =	simm.s32 @p1 $0x1;
	p0 =	seq.s32 s7, s2  }
0x1e: {  	s7 =	smul.u32 @!p0 $0xF7A, s2;
	p2 =	seq.s32 @!p0 s5, $0x0  }
0x1f: {  	s9 =	smul.u32 $0xF7A, s1;
	s8 =	simm.s32 @!p0 $0x1BF5;
	p2 =	por !p2, p0  }
0x20: {  	[sflag:s8] =	ssyncset.s32 @!p0 $0xFFFFF086;
	s6 =	sadd.s32 @!p0 s3, s7;
	s7 =	simm.s32 @!p0 $0x108  }
0x21: {  	s3 =	sadd.s32 s3, s9;
	s6 =	sadd.s32 @!p0 $0x88, s6;
	s7 =	simm.s32 @p2 $0x1082  }
0x22: {  	[simem:s7], [sflag:s8] =	dma.local @!p0 [hbm:s6], $0xF7A  }
0x23: {  	s9 =	sor.u32 $0xD0000000, s2;
	s6 =	simm.s32 $0x108;
	_ =	swait.ge @!p0 [sflag:s8], $0x0  }
0x24: {  	s3 =	sadd.s32 $0x88, s3;
	s6 =	simm.s32 @!p1 $0x1082;
	[sflag:s4] =	ssyncset.s32 $0xFFFFF086  }
0x25: {  	[simem:s6], [sflag:s4] =	dma.local [hbm:s3], $0xF7A  }
0x26: {  	[smem:$0x3F9F] =	sst s1;
	(tag) =	ssettag s2;
	_ =	strace s9  }
0x27: {  	s1 =	sld [smem:$0x3FAF]  }
0x28: {  	s2 =	sld [smem:$0x3FB0]  }
0x29: {  	s4 =	sld [smem:$0x3FB2]  }
0x2a: {  	p0 =	seq.s32 s5, $0x0;
	s5 =	sld [smem:$0x3FB3]  }
0x2b: {  	s6 =	sld [smem:$0x3FB4]  }
0x2c: {  	s7 =	sld [smem:$0x3FB5]  }
0x2d: {  	s3 =	simm.s32 $0x108;
	s8 =	sld [smem:$0x3FB6]  }
0x2e: {  	s3 =	simm.s32 @!p0 $0x1082;
	s9 =	sld [smem:$0x3FB7]  }
0x2f: {  	lr =	sadd.s32 s0, s3;
	s0 =	sld [smem:$0x3FAE]  }
0x30: {  	s3 =	sld [smem:$0x3FB1]  }
0x31: {  	[smem:$0x3FBA] =	sst s10  }
0x32: {  	s10 =	sld [smem:$0x3FB8];
	_ =	sdelay $0x3  }
0x33: {  	p0 =	seq.s32 s10, $0x1;
	s10 =	sld [smem:$0x3FBA];
	_ =	sdelay $0x3  }
0x34: {  	[smem:$0x3FBA] =	sst s10  }
0x35: {  	s10 =	sld [smem:$0x3FB9];
	_ =	sdelay $0x3  }
0x36: {  	p1 =	seq.s32 s10, $0x1;
	s10 =	sld [smem:$0x3FBA];
	_ =	sdelay $0x3  }
0x37: {  	[smem:$0x3FBA] =	sst s10  }
0x38: {  	s10 =	sld [smem:$0x3FBB]  }
0x39: {  	_ = 	snop;
	(pc) =	sbr.ind lr, $3  }
0x3a: {  	_ = 	snop  }
0x3b: {  	_ = 	snop  }
0x3c: {  	p2 =	seq.s32 s10, $0x1;
	s10 =	sld [smem:$0x3FBA]  }
0x3d: {  	_ =	shalt  }
0x3e: {  	_ =	shalt  }
0x3f: {  	_ =	shalt  }
0x40: {  	_ =	shalt  }
0x41: {  	_ =	shalt  }
0x42: {  	_ =	shalt  }
0x43: {  	_ =	shalt  }
0x44: {  	_ =	shalt  }
0x45: {  	_ =	shalt  }
0x46: {  	_ =	shalt  }
0x47: {  	_ =	shalt  }
0x48: {  	_ =	shalt  }
0x49: {  	_ =	shalt  }
0x4a: {  	_ =	shalt  }
0x4b: {  	_ =	shalt  }
0x4c: {  	_ =	shalt  }
0x4d: {  	_ =	shalt  }
0x4e: {  	_ =	shalt  }
0x4f: {  	_ =	shalt  }
0x50: {  	_ =	shalt  }
0x51: {  	_ =	shalt  }
0x52: {  	_ =	shalt  }
0x53: {  	_ =	shalt  }
0x54: {  	_ =	shalt  }
0x55: {  	_ =	shalt  }
0x56: {  	_ =	shalt  }
0x57: {  	_ =	shalt  }
0x58: {  	_ =	shalt  }
0x59: {  	_ =	shalt  }
0x5a: {  	_ =	shalt  }
0x5b: {  	_ =	shalt  }
0x5c: {  	_ =	shalt  }
0x5d: {  	_ =	shalt  }
0x5e: {  	_ =	shalt  }
0x5f: {  	_ =	shalt  }
0x60: {  	_ =	shalt  }
0x61: {  	_ =	shalt  }
0x62: {  	_ =	shalt  }
0x63: {  	_ =	shalt  }
0x64: {  	_ =	shalt  }
0x65: {  	_ =	shalt  }
0x66: {  	_ =	shalt  }
0x67: {  	_ =	shalt  }
0x68: {  	_ =	shalt  }
0x69: {  	_ =	shalt  }
0x6a: {  	_ =	shalt  }
0x6b: {  	_ =	shalt  }
0x6c: {  	_ =	shalt  }
0x6d: {  	_ =	shalt  }
0x6e: {  	_ =	shalt  }
0x6f: {  	_ =	shalt  }
0x70: {  	_ =	shalt  }
0x71: {  	_ =	shalt  }
0x72: {  	_ =	shalt  }
0x73: {  	_ =	shalt  }
0x74: {  	_ =	shalt  }
0x75: {  	_ =	shalt  }
0x76: {  	_ =	shalt  }
0x77: {  	_ =	shalt  }
0x78: {  	_ =	shalt  }
0x79: {  	_ =	shalt  }
0x7a: {  	_ =	shalt  }
0x7b: {  	_ =	shalt  }
0x7c: {  	_ =	shalt  }
0x7d: {  	_ =	shalt  }
0x7e: {  	_ =	shalt  }
0x7f: {  	_ =	shalt  }
0x80: {  	_ =	shalt  }
0x81: {  	_ =	shalt  }
0x82: {  	_ =	shalt  }
0x83: {  	_ =	shalt  }
0x84: {  	_ =	shalt  }
0x85: {  	_ =	shalt  }
0x86: {  	_ =	shalt  }
0x87: {  	_ =	shalt  }
.Lfunc_end0:
.L_simem_size_0:
called_computation.6_lowered:
.L_overlay_start_0:
0x88: {  	s2 =	sld [smem:$0x3FD9]  }
0x89: {  	s3 =	sld [smem:$0x3FFE];
	_ =	sdelay $0x1  }
0x8a: {  	s1 =	srdreg.scid  }
0x8b: {  	s0 =	sand.u32 $0x1, s1  }
0x8c: {  	s16 =	sshll.u32 s0, $0xA;
	s2 =	sadd.s32 s3, s2  }
0x8d: {  	s2 =	sadd.s32 s2, s16  }
0x8e: {  	[smem:$0x3FC6] =	sst s2  }
0x8f: {  	_ = 	snop  }
0x90: {  	(tm) =	ssettm $0x1  }
0x91: {  	s17 =	sld [smem:$0x3FFB];
	_ =	sdelay $0x3  }
0x92: {  	_ =	strace s17  }
0x93: {  	s2 =	sld [smem:$0x3FFC];
	_ =	sdelay $0x3  }
0x94: {  	_ =	strace s2  }
0x95: {  	s2 =	sld [smem:$0x3FFD];
	_ =	sdelay $0x3  }
0x96: {  	_ =	strace s2  }
0x97: {  	_ =	strace $0x8FFFFFFF  }
0x98: {  	s18 =	sld [smem:$0x3FDB];
	_ =	sdelay $0x1  }
0x99: {  	s19 =	simm.s32 $_scs_section_size  }
0x9a: {  	s4 =	simm.s32 $_size__tile_overlayer_lowered;
	s5 =	simm.s32 $_tile_overlayer_lowered  }
0x9b: {  	s22 =	simm.s32 $0x1BFF;
	s21 =	sshll.u32 s5, $0x1;
	s2 =	sadd.s32 s19, s18  }
0x9c: {  	s6 =	simm.s32 $0x0;
	s20 =	sshll.u32 s4, $0x1;
	s4 =	sadd.s32 s21, s2  }
0x9d: {  	[timem:s6], [sflag:s22] =	dma.local [hbm:s4], s20  }
0x9e: {  	_ =	swait.ge [sflag:s22], s20  }
0x9f: {  	s3 =	ssub.s32 $0x0, s20;
	[sflag:s22] =	ssyncset.done $0x0  }
0xa0: {  	[sflag:s22] =	ssyncadd.s32 s3;
	_ =	sdelay $0x1  }
0xa1: {  	s23 =	simm.s32 $0x1B8B  }
0xa2: {  	_ =	swait.ge [sflag:s23], $0x1  }
0xa3: {  	[sflag:s23] =	ssyncset.done $0x0  }
0xa4: {  	s25 =	simm.s32 $0x1B8E;
	s24 =	sld [smem:$0x3FFE];
	[sflag:s23] =	ssyncadd.s32 $0xFFFFFFFF  }
0xa5: {  	s26 =	simm.s32 $execute0_lowered;
	[smem:$0x3FD2] =	sst s25  }
0xa6: {  	s4 =	sshll.u32 s26, $0x1;
	_ =	strace $0x80000058;
	[dreg:$0x1] =	wrdreg $0xFFFFFFFF  }
0xa7: {  	s28 =	simm.s32 $_size_execute0_lowered;
	s2 =	sadd.s32 s2, s4;
	[dreg:$0x0] =	wrdreg $0x0  }
0xa8: {  	s4 =	sshll.u32 s28, $0x1;
	[dreg:$0x2] =	wrdreg s2  }
0xa9: {  	[dreg:$0x3] =	wrdreg s4  }
0xaa: {  	[dreg:$0x4] =	wrdreg $0xC0  }
0xab: {  	_ =	task [dreg:s6], $0x5FFFF  }
0xac: {  	[dreg:$0x1] =	wrdreg $0xFFFFFFFF  }
0xad: {  	[dreg:$0x0] =	wrdreg $0x60  }
0xae: {  	[dreg:$0x2] =	wrdreg s24  }
0xaf: {  	[dreg:$0x3] =	wrdreg $0x9  }
0xb0: {  	_ =	task.clear_ibuf [dreg:s6], $0x4FFFF;
	_ =	strace $0x90000058  }
0xb1: {  	s29 =	simm.s32 $0x9;
	_ =	strace $0x8000005A  }
0xb2: {  	_ =	swait.ge [sflag:s29], $0x1  }
0xb3: {  	[sflag:s29] =	ssyncadd.s32 $0xFFFFFFFF  }
0xb4: {  	_ =	strace $0x9000005A  }
0xb5: {  	_ =	sfence  }
0xb6: {  	s30 =	sld [smem:$0x0];
	_ =	sdelay $0x2  }
0xb7: {  	s31 =	sshll.u32 s1, $0xD;
	s1 =	sshrl.u32 s1, $0x2  }
0xb8: {  	s3 =	sand.u32 $0x4000, s31;
	s1 =	sadd.s32 s1, s30  }
0xb9: {  	s0 =	sor.u32 s3, s0;
	s1 =	sshll.u32 s1, $0x11  }
0xba: {  	s0 =	sor.u32 s1, s0  }
0xbb: {  	s0 =	sadd.s32 $0x8F2B, s0  }
0xbc: {  	[sflag:s0] =	ssyncadd.remote.s32 $0x1  }
0xbd: {  	_ =	sfence.sel $0xFFFF  }
0xbe: {  	[dreg:$0x0] =	wrdreg $0xFFFFFFFF;
	(pc) =	sbr.abs _section_cstart, $3  }
0xbf: {  	[dreg:$0x1] =	wrdreg $0xFFFFFFFF  }
0xc0: {  	_ =	task.clear_ibuf [dreg:s6], $0x2FFFF;
	_ =	strace $0x9FFFFFFF  }
0xc1: {  	(tm) =	ssettm $0x7FFFFFFF  }
tec
execute0_lowered:
.L_overlay_start_1:
0x0: {  	(tag) =	ssettag $0x1  }
0x1: {  	s4 =	rddreg [dreg:$0x0]  }
0x2: {  	s0 =	rddreg [dreg:$0x1];
	s2 =	simm.s32 $0x0;
	s3 =	srdreg.scid  }
0x3: {  	s1 =	stileid.u32;
	s10 =	simm.s32 $0x1080;
	s11 =	simm.s32 $0x1880  }
0x4: {  	s12 =	simm.s32 $0x2080;
	s13 =	simm.s32 $0x2880;
	s14 =	simm.s32 $0x3080  }
0x5: {  	s15 =	simm.s32 $0x3880;
	s16 =	simm.s32 $0x4080;
	s17 =	simm.s32 $0x4880  }
0x6: {  	s18 =	simm.s32 $0x5080;
	s19 =	simm.s32 $0x5880;
	s20 =	simm.s32 $0x6080  }
0x7: {  	s21 =	simm.s32 $0x6880;
	s22 =	simm.s32 $0x7080;
	s23 =	simm.s32 $0x7880  }
0x8: {  	s24 =	simm.s32 $0x1;
	s25 =	simm.s32 $0x0;
	[smem:$0x7FF] =	sst s2  }
0x9: {  	s5 =	sand.u32 $0x1, s3;
	s6 =	sshll.u32 s1, $0xA;
	s3 =	sadd.s32 $0x187A00, s4  }
0xa: {  	s8 =	sshll.u32 s1, $0xF;
	_ =	strace $0x80000059;
	s7 =	sshll.u32 s5, $0x9  }
0xb: {  	s31 =	ssub.s32 $0x2, s5;
	s8 =	sadd.s32 s8, s4;
	s5 =	sshll.u32 s5, $0xE  }
0xc: {  	s6 =	sor.u32 s7, s6;
	s9 =	sshrl.u32 s31, $0x1;
	s5 =	sadd.s32 s5, s8  }
0xd: {  	v2 =	vlaneseq.u32;
	s8 =	simm.s32 $0x80;
	s6 =	sshrl.u32 s6, $0x3;
	s7 =	ssub.s32 s31, s9  }
0xe: {  	vm0 =	vmmov $0xffff;
	v1 =	vshrl.u32 v2, $0x3;
	s5 =	sadd.s32 $0x487A00, s5;
	s9 =	simm.s32 $0x880;
	s6 =	sadd.s32 s6, s4  }
0xf: {  	v0 =	vand.u32 $0x7, v2;
	v2 =	vor.u32 $0x8, v2;
	v1 =	vmul.u32 $0x8, v1;
	s4 =	smax.u32 s7, $0x1;
	s7 =	simm.s32 $0x2;
	s6 =	sadd.s32 $0x10A200, s6  }
.LBB2_1:
0x10: {  	s26 =	smov.u32 s5;
	s28 =	simm.s32 $0x0  }
.LBB2_2:
0x11: {  	s29 =	sadd.s32 s28, s6  }
0x12: {  	[tilespmem:s2], [sflag:$0x2] =	stream.linear.gather [hbm4b:s29+s2], $0x80, $0x38;
	[tilespmem:$0x8080] =	vst v63  }
0x13: {  	_ =	swait.ge [sflag:s7], $0x80  }
0x14: {  	[sflag:s7] =	ssyncset.done $0x0  }
0x15: {  	[sflag:s7] =	ssyncadd.s32 $0xFFFFFF80  }
0x16: {  	v3 =	vld [tilespmem:$0x0];
	_ =	sdelay $0x4  }
0x17: {  	v4 =	vshll.u32 v3, $0x1  }
0x18: {  	v3 =	vand.u32 $0x7, v3;
	v4 =	vand.u32 $0xFFFFFFF0, v4  }
0x19: {  	v3 =	vor.u32 v3, v4  }
0x1a: {  	v4 =	vperm.xlane v3, v0;
	_ =	sdelay $0x1  }
0x1b: {  	v3 =	vperm.xlane v3, v2;
	v4 =	vadd.s32 v1, v4;
	_ =	sdelay $0x1  }
0x1c: {  	v3 =	vadd.s32 v1, v3;
	_ =	sdelay $0x2  }
0x1d: {  	[tilespmem:s8], [sflag:$0x1] =	stream.indirect_vreg.gather [hbm4b:s3+s2], $0x80, v4, vm0, $0xb8;
	[tilespmem:$0x8080] =	vst v63  }
0x1e: {  	_ = 	snop  }
0x1f: {  	[tilespmem:s9], [sflag:$0x1] =	stream.indirect_vreg.gather [hbm4b:s3+s2], $0x80, v3, vm0, $0xb8;
	[tilespmem:$0x8080] =	vst v63  }
0x20: {  	v3 =	vld [tilespmem:$0x10];
	_ =	sdelay $0x4  }
0x21: {  	v57 =	vshll.u32 v3, $0x1  }
0x22: {  	v3 =	vand.u32 $0x7, v3;
	v4 =	vand.u32 $0xFFFFFFF0, v57  }
0x23: {  	v3 =	vor.u32 v3, v4  }
0x24: {  	v4 =	vperm.xlane v3, v0;
	_ =	sdelay $0x1  }
0x25: {  	v3 =	vperm.xlane v3, v2;
	v4 =	vadd.s32 v1, v4;
	_ =	sdelay $0x1  }
0x26: {  	v3 =	vadd.s32 v1, v3;
	_ =	sdelay $0x2  }
0x27: {  	[tilespmem:s10], [sflag:$0x1] =	stream.indirect_vreg.gather [hbm4b:s3+s2], $0x80, v4, vm0, $0xb8;
	[tilespmem:$0x8080] =	vst v63  }
0x28: {  	_ = 	snop  }
0x29: {  	[tilespmem:s11], [sflag:$0x1] =	stream.indirect_vreg.gather [hbm4b:s3+s2], $0x80, v3, vm0, $0xb8;
	[tilespmem:$0x8080] =	vst v63  }
0x2a: {  	v3 =	vld [tilespmem:$0x20];
	_ =	sdelay $0x4  }
0x2b: {  	v58 =	vshll.u32 v3, $0x1  }
0x2c: {  	v3 =	vand.u32 $0x7, v3;
	v4 =	vand.u32 $0xFFFFFFF0, v58  }
0x2d: {  	v3 =	vor.u32 v3, v4  }
0x2e: {  	v4 =	vperm.xlane v3, v0;
	_ =	sdelay $0x1  }
0x2f: {  	v3 =	vperm.xlane v3, v2;
	v4 =	vadd.s32 v1, v4;
	_ =	sdelay $0x1  }
0x30: {  	v3 =	vadd.s32 v1, v3;
	_ =	sdelay $0x2  }
0x31: {  	[tilespmem:s12], [sflag:$0x1] =	stream.indirect_vreg.gather [hbm4b:s3+s2], $0x80, v4, vm0, $0xb8;
	[tilespmem:$0x8080] =	vst v63  }
0x32: {  	_ = 	snop  }
0x33: {  	[tilespmem:s13], [sflag:$0x1] =	stream.indirect_vreg.gather [hbm4b:s3+s2], $0x80, v3, vm0, $0xb8;
	[tilespmem:$0x8080] =	vst v63  }
0x34: {  	v3 =	vld [tilespmem:$0x30];
	_ =	sdelay $0x4  }
0x35: {  	v59 =	vshll.u32 v3, $0x1  }
0x36: {  	v3 =	vand.u32 $0x7, v3;
	v4 =	vand.u32 $0xFFFFFFF0, v59  }
0x37: {  	v3 =	vor.u32 v3, v4  }
0x38: {  	v4 =	vperm.xlane v3, v0;
	_ =	sdelay $0x1  }
0x39: {  	v3 =	vperm.xlane v3, v2;
	v4 =	vadd.s32 v1, v4;
	_ =	sdelay $0x1  }
0x3a: {  	v3 =	vadd.s32 v1, v3;
	_ =	sdelay $0x2  }
0x3b: {  	[tilespmem:s14], [sflag:$0x1] =	stream.indirect_vreg.gather [hbm4b:s3+s2], $0x80, v4, vm0, $0xb8;
	[tilespmem:$0x8080] =	vst v63  }
0x3c: {  	_ = 	snop  }
0x3d: {  	[tilespmem:s15], [sflag:$0x1] =	stream.indirect_vreg.gather [hbm4b:s3+s2], $0x80, v3, vm0, $0xb8;
	[tilespmem:$0x8080] =	vst v63  }
0x3e: {  	v3 =	vld [tilespmem:$0x40];
	_ =	sdelay $0x4  }
0x3f: {  	v60 =	vshll.u32 v3, $0x1  }
0x40: {  	v3 =	vand.u32 $0x7, v3;
	v4 =	vand.u32 $0xFFFFFFF0, v60  }
0x41: {  	v3 =	vor.u32 v3, v4  }
0x42: {  	v4 =	vperm.xlane v3, v0;
	_ =	sdelay $0x1  }
0x43: {  	v3 =	vperm.xlane v3, v2;
	v4 =	vadd.s32 v1, v4;
	_ =	sdelay $0x1  }
0x44: {  	v3 =	vadd.s32 v1, v3;
	_ =	sdelay $0x2  }
0x45: {  	[tilespmem:s16], [sflag:$0x1] =	stream.indirect_vreg.gather [hbm4b:s3+s2], $0x80, v4, vm0, $0xb8;
	[tilespmem:$0x8080] =	vst v63  }
0x46: {  	_ = 	snop  }
0x47: {  	[tilespmem:s17], [sflag:$0x1] =	stream.indirect_vreg.gather [hbm4b:s3+s2], $0x80, v3, vm0, $0xb8;
	[tilespmem:$0x8080] =	vst v63  }
0x48: {  	v3 =	vld [tilespmem:$0x50];
	_ =	sdelay $0x4  }
0x49: {  	v61 =	vshll.u32 v3, $0x1  }
0x4a: {  	v3 =	vand.u32 $0x7, v3;
	v4 =	vand.u32 $0xFFFFFFF0, v61  }
0x4b: {  	v3 =	vor.u32 v3, v4  }
0x4c: {  	v4 =	vperm.xlane v3, v0;
	_ =	sdelay $0x1  }
0x4d: {  	v3 =	vperm.xlane v3, v2;
	v4 =	vadd.s32 v1, v4;
	_ =	sdelay $0x1  }
0x4e: {  	v3 =	vadd.s32 v1, v3;
	_ =	sdelay $0x2  }
0x4f: {  	[tilespmem:s18], [sflag:$0x1] =	stream.indirect_vreg.gather [hbm4b:s3+s2], $0x80, v4, vm0, $0xb8;
	[tilespmem:$0x8080] =	vst v63  }
0x50: {  	_ = 	snop  }
0x51: {  	[tilespmem:s19], [sflag:$0x1] =	stream.indirect_vreg.gather [hbm4b:s3+s2], $0x80, v3, vm0, $0xb8;
	[tilespmem:$0x8080] =	vst v63  }
0x52: {  	v3 =	vld [tilespmem:$0x60];
	_ =	sdelay $0x4  }
0x53: {  	v62 =	vshll.u32 v3, $0x1  }
0x54: {  	v3 =	vand.u32 $0x7, v3;
	v4 =	vand.u32 $0xFFFFFFF0, v62  }
0x55: {  	v3 =	vor.u32 v3, v4  }
0x56: {  	v4 =	vperm.xlane v3, v0;
	_ =	sdelay $0x1  }
0x57: {  	v3 =	vperm.xlane v3, v2;
	v4 =	vadd.s32 v1, v4;
	_ =	sdelay $0x1  }
0x58: {  	v3 =	vadd.s32 v1, v3;
	_ =	sdelay $0x2  }
0x59: {  	[tilespmem:s20], [sflag:$0x1] =	stream.indirect_vreg.gather [hbm4b:s3+s2], $0x80, v4, vm0, $0xb8;
	[tilespmem:$0x8080] =	vst v63  }
0x5a: {  	_ = 	snop  }
0x5b: {  	[tilespmem:s21], [sflag:$0x1] =	stream.indirect_vreg.gather [hbm4b:s3+s2], $0x80, v3, vm0, $0xb8;
	[tilespmem:$0x8080] =	vst v63  }
0x5c: {  	v3 =	vld [tilespmem:$0x70];
	_ =	sdelay $0x4  }
0x5d: {  	v63 =	vshll.u32 v3, $0x1  }
0x5e: {  	v3 =	vand.u32 $0x7, v3;
	v4 =	vand.u32 $0xFFFFFFF0, v63  }
0x5f: {  	v3 =	vor.u32 v3, v4  }
0x60: {  	v4 =	vperm.xlane v3, v0;
	_ =	sdelay $0x1  }
0x61: {  	v3 =	vperm.xlane v3, v2;
	v4 =	vadd.s32 v1, v4;
	_ =	sdelay $0x1  }
0x62: {  	v3 =	vadd.s32 v1, v3;
	_ =	sdelay $0x2  }
0x63: {  	[tilespmem:s22], [sflag:$0x1] =	stream.indirect_vreg.gather [hbm4b:s3+s2], $0x80, v4, vm0, $0xb8;
	[tilespmem:$0x8080] =	vst v63  }
0x64: {  	_ = 	snop  }
0x65: {  	[tilespmem:s23], [sflag:$0x1] =	stream.indirect_vreg.gather [hbm4b:s3+s2], $0x80, v3, vm0, $0xb8;
	[tilespmem:$0x8080] =	vst v63  }
0x66: {  	_ =	swait.ge [sflag:s24], $0x8000  }
0x67: {  	p0 =	sne.s32 s28, $0x30;
	[sflag:s24] =	ssyncset.done $0x0  }
.Ltmp0:
0x68: {  	[sflag:s24] =	ssyncadd.s32 $0xFFFF8000;
	(pc) =	sbr.rel @p0 .LBB2_2-.Ltmp0, $4  }
0x69: {  	[hbm4b:s26+s2] =	stream.linear.scatter [tilespmem:s8], [sflag:$0x2], $0x8000, $0x38;
	[tilespmem:$0x8080] =	vst v63  }
0x6a: {  	_ =	swait.ge [sflag:s7], $0x8000  }
0x6b: {  	[sflag:s7] =	ssyncset.done $0x0  }
0x6c: {  	s28 =	sadd.s32 $0x10, s28;
	s26 =	sadd.s32 $0x1000, s26;
	[sflag:s7] =	ssyncadd.s32 $0xFFFF8000  }
0x6d: {  	s25 =	sadd.s32 $0x1, s25  }
0x6e: {  	p0 =	sne.s32 s25, s4  }
.Ltmp1:
0x6f: {  	_ = 	snop;
	(pc) =	sbr.rel @p0 .LBB2_1-.Ltmp1, $1  }
0x70: {  	_ =	sdelay $0x3  }
0x71: {  	_ =	sfence.sel $0x180000  }
0x72: {  	[bflag:$0x0] =	sbarrier.arrive $0xFFFF  }
0x73: {  	p0 =	sne.s32 s1, $0x0;
	_ =	strace $0x90000059  }
0x74: {  	s0 =	sadd.s32 @!p0 $0x100000, s0;
	[bflag:$0x2] =	sbarrier.arrive $0xFFFF  }
0x75: {  	[sflag:s0] =	ssyncadd.tile.s32 @!p0 $0x1;
	_ =	shalt  }
.Lfunc_end2:
_tile_overlayer_lowered:
.L_overlay_start_2:
0x76: {  	(tag) =	ssettag $0x2  }
0x77: {  	s0 =	rddreg [dreg:$0x0];
	s2 =	stileid.u32  }
0x78: {  	s1 =	rddreg [dreg:$0x1];
	p0 =	sne.s32 s2, $0x0  }
0x79: {  	s3 =	rddreg [dreg:$0x2];
	[bflag:$0x3] =	sbarrier.arrive $0xFFFF;
	s2 =	simm.s32 @!p0 $0x1C02  }
0x7a: {  	[timem:s3], [sflag:s2] =	dma.local @!p0 [hbm:s0], s1  }
0x7b: {  	s0 =	simm.s32 @!p0 $0x2  }
0x7c: {  	_ =	swait.ge @!p0 [sflag:s0], s1  }
0x7d: {  	s1 =	ssub.s32 @!p0 $0x0, s1;
	[sflag:s0] =	ssyncset.done @!p0 $0x0  }
0x7e: {  	[sflag:s0] =	ssyncadd.s32 @!p0 s1  }
0x7f: {  	[bflag:$0x3] =	sbarrier.arrive $0xFFFF  }
0x80: {  	_ =	shalt  }

// kernel: kernel.39.cloned.1.call-start
scs
__scs_entry_jumppad:
0x0: {  	(pc) =	sbr.rel $0x88, $3  }
0x1: {  	(tag) =	ssettag $0x0;
	lr =	simm.s32 $0x1  }
0x2: {  	[smem:$0x3F9F] =	sst lr;
	_ =	strace $0xD0000000  }
0x3: {  	_ = 	snop  }
0x4: {  	_ = 	snop  }
0x5: {  	_ = 	snop  }
0x6: {  	_ = 	snop  }
0x7: {  	_ = 	snop  }
__scs_overlays_trampoline_lowered:
0x8: {  	[smem:$0x3FAE] =	sst s0  }
0x9: {  	[smem:$0x3FAF] =	sst s1  }
0xa: {  	[smem:$0x3FB0] =	sst s2  }
0xb: {  	[smem:$0x3FB1] =	sst s3  }
0xc: {  	[smem:$0x3FB2] =	sst s4  }
0xd: {  	[smem:$0x3FB3] =	sst s5  }
0xe: {  	[smem:$0x3FB4] =	sst s6  }
0xf: {  	[smem:$0x3FB5] =	sst s7  }
0x10: {  	[smem:$0x3FB6] =	sst s8  }
0x11: {  	[smem:$0x3FB7] =	sst s9;
	s0 =	simm.s32 @!p0 $0x0  }
0x12: {  	s1 =	sld [smem:$0x3F9D];
	s0 =	simm.s32 @p0 $0x1  }
0x13: {  	[smem:$0x3FB8] =	sst s0;
	s0 =	simm.s32 @!p1 $0x0  }
0x14: {  	s2 =	sld [smem:$0x3F9C];
	s0 =	simm.s32 @p1 $0x1  }
0x15: {  	[smem:$0x3FB9] =	sst s0;
	s0 =	simm.s32 @!p2 $0x0  }
0x16: {  	s3 =	sld [smem:$0x3FDB];
	s0 =	simm.s32 @p2 $0x1  }
0x17: {  	s4 =	simm.s32 $0x1BF5;
	[smem:$0x3FBB] =	sst s0  }
0x18: {  	s0 =	sld [smem:$0x3F9E];
	_ =	swait.ge [sflag:s4], $0x0  }
0x19: {  	s7 =	sld [smem:$0x3F9F]  }
0x1a: {  	s8 =	sadd.s32 $0xFFFFE003, lr  }
0x1b: {  	s9 =	sadd.s32 $0xFFFFFEF7, lr;
	s5 =	simm.s32 $0xFFFFFFFF;
	p2 =	slt.u32 s8, $0xFFFFF086  }
0x1c: {  	p1 =	slt.u32 s9, $0xF7A;
	s5 =	simm.s32 @!p2 $0x0  }
0x1d: {  	s5 =	simm.s32 @p1 $0x1;
	p0 =	seq.s32 s7, s2  }
0x1e: {  	s7 =	smul.u32 @!p0 $0xF7A, s2;
	p2 =	seq.s32 @!p0 s5, $0x0  }
0x1f: {  	s9 =	smul.u32 $0xF7A, s1;
	s8 =	simm.s32 @!p0 $0x1BF5;
	p2 =	por !p2, p0  }
0x20: {  	[sflag:s8] =	ssyncset.s32 @!p0 $0xFFFFF086;
	s6 =	sadd.s32 @!p0 s3, s7;
	s7 =	simm.s32 @!p0 $0x108  }
0x21: {  	s3 =	sadd.s32 s3, s9;
	s6 =	sadd.s32 @!p0 $0x88, s6;
	s7 =	simm.s32 @p2 $0x1082  }
0x22: {  	[simem:s7], [sflag:s8] =	dma.local @!p0 [hbm:s6], $0xF7A  }
0x23: {  	s9 =	sor.u32 $0xD0000000, s2;
	s6 =	simm.s32 $0x108;
	_ =	swait.ge @!p0 [sflag:s8], $0x0  }
0x24: {  	s3 =	sadd.s32 $0x88, s3;
	s6 =	simm.s32 @!p1 $0x1082;
	[sflag:s4] =	ssyncset.s32 $0xFFFFF086  }
0x25: {  	[simem:s6], [sflag:s4] =	dma.local [hbm:s3], $0xF7A  }
0x26: {  	[smem:$0x3F9F] =	sst s1;
	(tag) =	ssettag s2;
	_ =	strace s9  }
0x27: {  	s1 =	sld [smem:$0x3FAF]  }
0x28: {  	s2 =	sld [smem:$0x3FB0]  }
0x29: {  	s4 =	sld [smem:$0x3FB2]  }
0x2a: {  	p0 =	seq.s32 s5, $0x0;
	s5 =	sld [smem:$0x3FB3]  }
0x2b: {  	s6 =	sld [smem:$0x3FB4]  }
0x2c: {  	s7 =	sld [smem:$0x3FB5]  }
0x2d: {  	s3 =	simm.s32 $0x108;
	s8 =	sld [smem:$0x3FB6]  }
0x2e: {  	s3 =	simm.s32 @!p0 $0x1082;
	s9 =	sld [smem:$0x3FB7]  }
0x2f: {  	lr =	sadd.s32 s0, s3;
	s0 =	sld [smem:$0x3FAE]  }
0x30: {  	s3 =	sld [smem:$0x3FB1]  }
0x31: {  	[smem:$0x3FBA] =	sst s10  }
0x32: {  	s10 =	sld [smem:$0x3FB8];
	_ =	sdelay $0x3  }
0x33: {  	p0 =	seq.s32 s10, $0x1;
	s10 =	sld [smem:$0x3FBA];
	_ =	sdelay $0x3  }
0x34: {  	[smem:$0x3FBA] =	sst s10  }
0x35: {  	s10 =	sld [smem:$0x3FB9];
	_ =	sdelay $0x3  }
0x36: {  	p1 =	seq.s32 s10, $0x1;
	s10 =	sld [smem:$0x3FBA];
	_ =	sdelay $0x3  }
0x37: {  	[smem:$0x3FBA] =	sst s10  }
0x38: {  	s10 =	sld [smem:$0x3FBB]  }
0x39: {  	_ = 	snop;
	(pc) =	sbr.ind lr, $3  }
0x3a: {  	_ = 	snop  }
0x3b: {  	_ = 	snop  }
0x3c: {  	p2 =	seq.s32 s10, $0x1;
	s10 =	sld [smem:$0x3FBA]  }
0x3d: {  	_ =	shalt  }
0x3e: {  	_ =	shalt  }
0x3f: {  	_ =	shalt  }
0x40: {  	_ =	shalt  }
0x41: {  	_ =	shalt  }
0x42: {  	_ =	shalt  }
0x43: {  	_ =	shalt  }
0x44: {  	_ =	shalt  }
0x45: {  	_ =	shalt  }
0x46: {  	_ =	shalt  }
0x47: {  	_ =	shalt  }
0x48: {  	_ =	shalt  }
0x49: {  	_ =	shalt  }
0x4a: {  	_ =	shalt  }
0x4b: {  	_ =	shalt  }
0x4c: {  	_ =	shalt  }
0x4d: {  	_ =	shalt  }
0x4e: {  	_ =	shalt  }
0x4f: {  	_ =	shalt  }
0x50: {  	_ =	shalt  }
0x51: {  	_ =	shalt  }
0x52: {  	_ =	shalt  }
0x53: {  	_ =	shalt  }
0x54: {  	_ =	shalt  }
0x55: {  	_ =	shalt  }
0x56: {  	_ =	shalt  }
0x57: {  	_ =	shalt  }
0x58: {  	_ =	shalt  }
0x59: {  	_ =	shalt  }
0x5a: {  	_ =	shalt  }
0x5b: {  	_ =	shalt  }
0x5c: {  	_ =	shalt  }
0x5d: {  	_ =	shalt  }
0x5e: {  	_ =	shalt  }
0x5f: {  	_ =	shalt  }
0x60: {  	_ =	shalt  }
0x61: {  	_ =	shalt  }
0x62: {  	_ =	shalt  }
0x63: {  	_ =	shalt  }
0x64: {  	_ =	shalt  }
0x65: {  	_ =	shalt  }
0x66: {  	_ =	shalt  }
0x67: {  	_ =	shalt  }
0x68: {  	_ =	shalt  }
0x69: {  	_ =	shalt  }
0x6a: {  	_ =	shalt  }
0x6b: {  	_ =	shalt  }
0x6c: {  	_ =	shalt  }
0x6d: {  	_ =	shalt  }
0x6e: {  	_ =	shalt  }
0x6f: {  	_ =	shalt  }
0x70: {  	_ =	shalt  }
0x71: {  	_ =	shalt  }
0x72: {  	_ =	shalt  }
0x73: {  	_ =	shalt  }
0x74: {  	_ =	shalt  }
0x75: {  	_ =	shalt  }
0x76: {  	_ =	shalt  }
0x77: {  	_ =	shalt  }
0x78: {  	_ =	shalt  }
0x79: {  	_ =	shalt  }
0x7a: {  	_ =	shalt  }
0x7b: {  	_ =	shalt  }
0x7c: {  	_ =	shalt  }
0x7d: {  	_ =	shalt  }
0x7e: {  	_ =	shalt  }
0x7f: {  	_ =	shalt  }
0x80: {  	_ =	shalt  }
0x81: {  	_ =	shalt  }
0x82: {  	_ =	shalt  }
0x83: {  	_ =	shalt  }
0x84: {  	_ =	shalt  }
0x85: {  	_ =	shalt  }
0x86: {  	_ =	shalt  }
0x87: {  	_ =	shalt  }
.Lfunc_end0:
.L_simem_size_0:
called_computation.7_lowered:
.L_overlay_start_0:
0x88: {  	s2 =	sld [smem:$0x3FD9]  }
0x89: {  	s3 =	sld [smem:$0x3FFE];
	_ =	sdelay $0x1  }
0x8a: {  	s1 =	srdreg.scid  }
0x8b: {  	s0 =	sand.u32 $0x1, s1  }
0x8c: {  	s14 =	sshll.u32 s0, $0xA;
	s2 =	sadd.s32 s3, s2  }
0x8d: {  	s2 =	sadd.s32 s2, s14  }
0x8e: {  	[smem:$0x3FC6] =	sst s2  }
0x8f: {  	_ = 	snop  }
0x90: {  	s2 =	sld [smem:$0x3FD0];
	_ =	sdelay $0x2  }
0x91: {  	s15 =	simm.s32 $0xA;
	s4 =	simm.s32 $0x10  }
0x92: {  	[smem:s4], [sflag:s15] =	dma.local [hbm:s2], $0x1  }
0x93: {  	_ =	swait.eq [sflag:s15], $0x1  }
0x94: {  	[sflag:s15] =	ssyncset.done $0x0  }
0x95: {  	[sflag:s15] =	ssyncadd.s32 $0xFFFFFFFF  }
0x96: {  	s16 =	sld [smem:$0x10];
	(tm) =	ssettm $0x1  }
0x97: {  	s17 =	sld [smem:$0x3FFB];
	_ =	sdelay $0x3  }
0x98: {  	_ =	strace s17  }
0x99: {  	s3 =	sld [smem:$0x3FFC];
	_ =	sdelay $0x3  }
0x9a: {  	_ =	strace s3  }
0x9b: {  	s3 =	sld [smem:$0x3FFD];
	_ =	sdelay $0x3  }
0x9c: {  	_ =	strace s3  }
0x9d: {  	_ =	strace $0x8FFFFFFF  }
0x9e: {  	s18 =	sld [smem:$0x3FDB];
	_ =	sdelay $0x1  }
0x9f: {  	s19 =	simm.s32 $_scs_section_size  }
0xa0: {  	s5 =	simm.s32 $_size__tile_overlayer_lowered;
	s6 =	simm.s32 $_tile_overlayer_lowered  }
0xa1: {  	s22 =	simm.s32 $0x1BFF;
	s21 =	sshll.u32 s6, $0x1;
	s3 =	sadd.s32 s19, s18  }
0xa2: {  	s7 =	simm.s32 $0x0;
	s20 =	sshll.u32 s5, $0x1;
	s5 =	sadd.s32 s21, s3  }
0xa3: {  	[timem:s7], [sflag:s22] =	dma.local [hbm:s5], s20  }
0xa4: {  	_ =	swait.ge [sflag:s22], s20  }
0xa5: {  	s4 =	ssub.s32 $0x0, s20;
	[sflag:s22] =	ssyncset.done $0x0  }
0xa6: {  	[sflag:s22] =	ssyncadd.s32 s4;
	_ =	sdelay $0x1  }
0xa7: {  	s23 =	simm.s32 $0x1B8B  }
0xa8: {  	_ =	swait.ge [sflag:s23], $0x1  }
0xa9: {  	[sflag:s23] =	ssyncset.done $0x0  }
0xaa: {  	s25 =	simm.s32 $0x1B8E;
	s24 =	sld [smem:$0x3FFE];
	[sflag:s23] =	ssyncadd.s32 $0xFFFFFFFF  }
0xab: {  	s26 =	simm.s32 $execute0_lowered;
	[smem:$0x3FD2] =	sst s25  }
0xac: {  	s5 =	sshll.u32 s26, $0x1;
	_ =	strace $0x8000005B;
	[dreg:$0x1] =	wrdreg $0xFFFFFFFF  }
0xad: {  	s28 =	simm.s32 $_size_execute0_lowered;
	s3 =	sadd.s32 s3, s5;
	[dreg:$0x0] =	wrdreg $0x0  }
0xae: {  	s5 =	sshll.u32 s28, $0x1;
	[dreg:$0x2] =	wrdreg s3  }
0xaf: {  	[dreg:$0x3] =	wrdreg s5  }
0xb0: {  	[dreg:$0x4] =	wrdreg $0xC0  }
0xb1: {  	_ =	task [dreg:s7], $0x5FFFF  }
0xb2: {  	[dreg:$0x1] =	wrdreg $0xFFFFFFFF  }
0xb3: {  	[dreg:$0x0] =	wrdreg $0x60  }
0xb4: {  	[dreg:$0x2] =	wrdreg s24  }
0xb5: {  	[dreg:$0x3] =	wrdreg s16  }
0xb6: {  	[dreg:$0x4] =	wrdreg $0x9  }
0xb7: {  	_ =	task.clear_ibuf [dreg:s7], $0x5FFFF;
	_ =	strace $0x9000005B  }
0xb8: {  	s29 =	simm.s32 $0x9;
	_ =	strace $0x8000005D  }
0xb9: {  	_ =	swait.ge [sflag:s29], $0x1  }
0xba: {  	[sflag:s29] =	ssyncadd.s32 $0xFFFFFFFF  }
0xbb: {  	_ =	strace $0x9000005D  }
0xbc: {  	_ =	sfence  }
0xbd: {  	s30 =	sld [smem:$0x0];
	_ =	sdelay $0x2  }
0xbe: {  	s31 =	sshll.u32 s1, $0xD;
	s1 =	sshrl.u32 s1, $0x2  }
0xbf: {  	s3 =	sand.u32 $0x4000, s31;
	s1 =	sadd.s32 s1, s30  }
0xc0: {  	s0 =	sor.u32 s3, s0;
	s1 =	sshll.u32 s1, $0x11  }
0xc1: {  	s0 =	sor.u32 s1, s0  }
0xc2: {  	s0 =	sadd.s32 $0x8F2B, s0  }
0xc3: {  	[sflag:s0] =	ssyncadd.remote.s32 $0x1  }
0xc4: {  	_ =	sfence.sel $0xFFFF  }
0xc5: {  	[dreg:$0x0] =	wrdreg $0xFFFFFFFF;
	(pc) =	sbr.abs _section_cstart, $3  }
0xc6: {  	[dreg:$0x1] =	wrdreg $0xFFFFFFFF  }
0xc7: {  	_ =	task.clear_ibuf [dreg:s7], $0x2FFFF;
	_ =	strace $0x9FFFFFFF  }
0xc8: {  	(tm) =	ssettm $0x7FFFFFFF  }
0xc9: {  	_ =	shalt  }
tec
execute0_lowered:
.L_overlay_start_1:
0x0: {  	(tag) =	ssettag $0x1  }
0x1: {  	s4 =	rddreg [dreg:$0x0]  }
0x2: {  	s5 =	rddreg [dreg:$0x1]  }
0x3: {  	s0 =	rddreg [dreg:$0x2];
	s3 =	srdreg.scid  }
0x4: {  	s2 =	simm.s32 $0x0;
	s1 =	stileid.u32;
	s10 =	simm.s32 $0x1080  }
0x5: {  	s11 =	simm.s32 $0x1880;
	s12 =	simm.s32 $0x2080;
	s13 =	simm.s32 $0x2880  }
0x6: {  	s14 =	simm.s32 $0x3080;
	s15 =	simm.s32 $0x3880;
	s16 =	simm.s32 $0x4080  }
0x7: {  	s17 =	simm.s32 $0x4880;
	s18 =	simm.s32 $0x5080;
	s19 =	simm.s32 $0x5880  }
0x8: {  	s20 =	simm.s32 $0x6080;
	s21 =	simm.s32 $0x6880;
	s22 =	simm.s32 $0x7080  }
0x9: {  	s23 =	simm.s32 $0x7880;
	s24 =	simm.s32 $0x1;
	s25 =	simm.s32 $0x0  }
0xa: {  	s6 =	sand.u32 $0x1, s3;
	[smem:$0x7FF] =	sst s2;
	s29 =	sshll.u32 s1, $0xA  }
0xb: {  	s3 =	sadd.s32 $0x1C7A00, s4;
	s31 =	sshll.u32 s1, $0xF;
	s7 =	sshll.u32 s6, $0x9  }
0xc: {  	_ =	strace $0x8000005C;
	s8 =	ssub.s32 $0x2, s6;
	s5 =	sadd.s32 s31, s5  }
0xd: {  	s6 =	sshll.u32 s6, $0xE;
	s7 =	sor.u32 s7, s29;
	s9 =	sshrl.u32 s8, $0x1  }
0xe: {  	v2 =	vlaneseq.u32;
	s5 =	sadd.s32 s6, s5;
	s7 =	sshrl.u32 s7, $0x3;
	s30 =	ssub.s32 s8, s9  }
0xf: {  	vm0 =	vmmov $0xffff;
	v1 =	vshrl.u32 v2, $0x3;
	s8 =	simm.s32 $0x80;
	s9 =	simm.s32 $0x880;
	s7 =	sadd.s32 s7, s4  }
0x10: {  	v0 =	vand.u32 $0x7, v2;
	v2 =	vor.u32 $0x8, v2;
	v1 =	vmul.u32 $0x8, v1;
	s4 =	smax.u32 s30, $0x1;
	s6 =	sadd.s32 $0x18AA00, s7;
	s7 =	simm.s32 $0x2  }
.LBB2_1:
0x11: {  	s26 =	smov.u32 s5;
	s28 =	simm.s32 $0x0  }
.LBB2_2:
0x12: {  	s29 =	sadd.s32 s28, s6  }
0x13: {  	[tilespmem:s2], [sflag:$0x2] =	stream.linear.gather [hbm4b:s29+s2], $0x80, $0x38;
	[tilespmem:$0x8080] =	vst v63  }
0x14: {  	_ =	swait.ge [sflag:s7], $0x80  }
0x15: {  	[sflag:s7] =	ssyncset.done $0x0  }
0x16: {  	[sflag:s7] =	ssyncadd.s32 $0xFFFFFF80  }
0x17: {  	v3 =	vld [tilespmem:$0x0];
	_ =	sdelay $0x4  }
0x18: {  	v4 =	vshll.u32 v3, $0x1  }
0x19: {  	v3 =	vand.u32 $0x7, v3;
	v4 =	vand.u32 $0xFFFFFFF0, v4  }
0x1a: {  	v3 =	vor.u32 v3, v4  }
0x1b: {  	v4 =	vperm.xlane v3, v0;
	_ =	sdelay $0x1  }
0x1c: {  	v3 =	vperm.xlane v3, v2;
	v4 =	vadd.s32 v1, v4;
	_ =	sdelay $0x1  }
0x1d: {  	v3 =	vadd.s32 v1, v3;
	_ =	sdelay $0x2  }
0x1e: {  	[tilespmem:s8], [sflag:$0x1] =	stream.indirect_vreg.gather [hbm4b:s3+s2], $0x80, v4, vm0, $0xb8;
	[tilespmem:$0x8080] =	vst v63  }
0x1f: {  	_ = 	snop  }
0x20: {  	[tilespmem:s9], [sflag:$0x1] =	stream.indirect_vreg.gather [hbm4b:s3+s2], $0x80, v3, vm0, $0xb8;
	[tilespmem:$0x8080] =	vst v63  }
0x21: {  	v3 =	vld [tilespmem:$0x10];
	_ =	sdelay $0x4  }
0x22: {  	v57 =	vshll.u32 v3, $0x1  }
0x23: {  	v3 =	vand.u32 $0x7, v3;
	v4 =	vand.u32 $0xFFFFFFF0, v57  }
0x24: {  	v3 =	vor.u32 v3, v4  }
0x25: {  	v4 =	vperm.xlane v3, v0;
	_ =	sdelay $0x1  }
0x26: {  	v3 =	vperm.xlane v3, v2;
	v4 =	vadd.s32 v1, v4;
	_ =	sdelay $0x1  }
0x27: {  	v3 =	vadd.s32 v1, v3;
	_ =	sdelay $0x2  }
0x28: {  	[tilespmem:s10], [sflag:$0x1] =	stream.indirect_vreg.gather [hbm4b:s3+s2], $0x80, v4, vm0, $0xb8;
	[tilespmem:$0x8080] =	vst v63  }
0x29: {  	_ = 	snop  }
0x2a: {  	[tilespmem:s11], [sflag:$0x1] =	stream.indirect_vreg.gather [hbm4b:s3+s2], $0x80, v3, vm0, $0xb8;
	[tilespmem:$0x8080] =	vst v63  }
0x2b: {  	v3 =	vld [tilespmem:$0x20];
	_ =	sdelay $0x4  }
0x2c: {  	v58 =	vshll.u32 v3, $0x1  }
0x2d: {  	v3 =	vand.u32 $0x7, v3;
	v4 =	vand.u32 $0xFFFFFFF0, v58  }
0x2e: {  	v3 =	vor.u32 v3, v4  }
0x2f: {  	v4 =	vperm.xlane v3, v0;
	_ =	sdelay $0x1  }
0x30: {  	v3 =	vperm.xlane v3, v2;
	v4 =	vadd.s32 v1, v4;
	_ =	sdelay $0x1  }
0x31: {  	v3 =	vadd.s32 v1, v3;
	_ =	sdelay $0x2  }
0x32: {  	[tilespmem:s12], [sflag:$0x1] =	stream.indirect_vreg.gather [hbm4b:s3+s2], $0x80, v4, vm0, $0xb8;
	[tilespmem:$0x8080] =	vst v63  }
0x33: {  	_ = 	snop  }
0x34: {  	[tilespmem:s13], [sflag:$0x1] =	stream.indirect_vreg.gather [hbm4b:s3+s2], $0x80, v3, vm0, $0xb8;
	[tilespmem:$0x8080] =	vst v63  }
0x35: {  	v3 =	vld [tilespmem:$0x30];
	_ =	sdelay $0x4  }
0x36: {  	v59 =	vshll.u32 v3, $0x1  }
0x37: {  	v3 =	vand.u32 $0x7, v3;
	v4 =	vand.u32 $0xFFFFFFF0, v59  }
0x38: {  	v3 =	vor.u32 v3, v4  }
0x39: {  	v4 =	vperm.xlane v3, v0;
	_ =	sdelay $0x1  }
0x3a: {  	v3 =	vperm.xlane v3, v2;
	v4 =	vadd.s32 v1, v4;
	_ =	sdelay $0x1  }
0x3b: {  	v3 =	vadd.s32 v1, v3;
	_ =	sdelay $0x2  }
0x3c: {  	[tilespmem:s14], [sflag:$0x1] =	stream.indirect_vreg.gather [hbm4b:s3+s2], $0x80, v4, vm0, $0xb8;
	[tilespmem:$0x8080] =	vst v63  }
0x3d: {  	_ = 	snop  }
0x3e: {  	[tilespmem:s15], [sflag:$0x1] =	stream.indirect_vreg.gather [hbm4b:s3+s2], $0x80, v3, vm0, $0xb8;
	[tilespmem:$0x8080] =	vst v63  }
0x3f: {  	v3 =	vld [tilespmem:$0x40];
	_ =	sdelay $0x4  }
0x40: {  	v60 =	vshll.u32 v3, $0x1  }
0x41: {  	v3 =	vand.u32 $0x7, v3;
	v4 =	vand.u32 $0xFFFFFFF0, v60  }
0x42: {  	v3 =	vor.u32 v3, v4  }
0x43: {  	v4 =	vperm.xlane v3, v0;
	_ =	sdelay $0x1  }
0x44: {  	v3 =	vperm.xlane v3, v2;
	v4 =	vadd.s32 v1, v4;
	_ =	sdelay $0x1  }
0x45: {  	v3 =	vadd.s32 v1, v3;
	_ =	sdelay $0x2  }
0x46: {  	[tilespmem:s16], [sflag:$0x1] =	stream.indirect_vreg.gather [hbm4b:s3+s2], $0x80, v4, vm0, $0xb8;
	[tilespmem:$0x8080] =	vst v63  }
0x47: {  	_ = 	snop  }
0x48: {  	[tilespmem:s17], [sflag:$0x1] =	stream.indirect_vreg.gather [hbm4b:s3+s2], $0x80, v3, vm0, $0xb8;
	[tilespmem:$0x8080] =	vst v63  }
0x49: {  	v3 =	vld [tilespmem:$0x50];
	_ =	sdelay $0x4  }
0x4a: {  	v61 =	vshll.u32 v3, $0x1  }
0x4b: {  	v3 =	vand.u32 $0x7, v3;
	v4 =	vand.u32 $0xFFFFFFF0, v61  }
0x4c: {  	v3 =	vor.u32 v3, v4  }
0x4d: {  	v4 =	vperm.xlane v3, v0;
	_ =	sdelay $0x1  }
0x4e: {  	v3 =	vperm.xlane v3, v2;
	v4 =	vadd.s32 v1, v4;
	_ =	sdelay $0x1  }
0x4f: {  	v3 =	vadd.s32 v1, v3;
	_ =	sdelay $0x2  }
0x50: {  	[tilespmem:s18], [sflag:$0x1] =	stream.indirect_vreg.gather [hbm4b:s3+s2], $0x80, v4, vm0, $0xb8;
	[tilespmem:$0x8080] =	vst v63  }
0x51: {  	_ = 	snop  }
0x52: {  	[tilespmem:s19], [sflag:$0x1] =	stream.indirect_vreg.gather [hbm4b:s3+s2], $0x80, v3, vm0, $0xb8;
	[tilespmem:$0x8080] =	vst v63  }
0x53: {  	v3 =	vld [tilespmem:$0x60];
	_ =	sdelay $0x4  }
0x54: {  	v62 =	vshll.u32 v3, $0x1  }
0x55: {  	v3 =	vand.u32 $0x7, v3;
	v4 =	vand.u32 $0xFFFFFFF0, v62  }
0x56: {  	v3 =	vor.u32 v3, v4  }
0x57: {  	v4 =	vperm.xlane v3, v0;
	_ =	sdelay $0x1  }
0x58: {  	v3 =	vperm.xlane v3, v2;
	v4 =	vadd.s32 v1, v4;
	_ =	sdelay $0x1  }
0x59: {  	v3 =	vadd.s32 v1, v3;
	_ =	sdelay $0x2  }
0x5a: {  	[tilespmem:s20], [sflag:$0x1] =	stream.indirect_vreg.gather [hbm4b:s3+s2], $0x80, v4, vm0, $0xb8;
	[tilespmem:$0x8080] =	vst v63  }
0x5b: {  	_ = 	snop  }
0x5c: {  	[tilespmem:s21], [sflag:$0x1] =	stream.indirect_vreg.gather [hbm4b:s3+s2], $0x80, v3, vm0, $0xb8;
	[tilespmem:$0x8080] =	vst v63  }
0x5d: {  	v3 =	vld [tilespmem:$0x70];
	_ =	sdelay $0x4  }
0x5e: {  	v63 =	vshll.u32 v3, $0x1  }
0x5f: {  	v3 =	vand.u32 $0x7, v3;
	v4 =	vand.u32 $0xFFFFFFF0, v63  }
0x60: {  	v3 =	vor.u32 v3, v4  }
0x61: {  	v4 =	vperm.xlane v3, v0;
	_ =	sdelay $0x1  }
0x62: {  	v3 =	vperm.xlane v3, v2;
	v4 =	vadd.s32 v1, v4;
	_ =	sdelay $0x1  }
0x63: {  	v3 =	vadd.s32 v1, v3;
	_ =	sdelay $0x2  }
0x64: {  	[tilespmem:s22], [sflag:$0x1] =	stream.indirect_vreg.gather [hbm4b:s3+s2], $0x80, v4, vm0, $0xb8;
	[tilespmem:$0x8080] =	vst v63  }
0x65: {  	_ = 	snop  }
0x66: {  	[tilespmem:s23], [sflag:$0x1] =	stream.indirect_vreg.gather [hbm4b:s3+s2], $0x80, v3, vm0, $0xb8;
	[tilespmem:$0x8080] =	vst v63  }
0x67: {  	_ =	swait.ge [sflag:s24], $0x8000  }
0x68: {  	p0 =	sne.s32 s28, $0x30;
	[sflag:s24] =	ssyncset.done $0x0  }
.Ltmp0:
0x69: {  	[sflag:s24] =	ssyncadd.s32 $0xFFFF8000;
	(pc) =	sbr.rel @p0 .LBB2_2-.Ltmp0, $4  }
0x6a: {  	[hbm4b:s26+s2] =	stream.linear.scatter [tilespmem:s8], [sflag:$0x2], $0x8000, $0x38;
	[tilespmem:$0x8080] =	vst v63  }
0x6b: {  	_ =	swait.ge [sflag:s7], $0x8000  }
0x6c: {  	[sflag:s7] =	ssyncset.done $0x0  }
0x6d: {  	s28 =	sadd.s32 $0x10, s28;
	s26 =	sadd.s32 $0x1000, s26;
	[sflag:s7] =	ssyncadd.s32 $0xFFFF8000  }
0x6e: {  	s25 =	sadd.s32 $0x1, s25  }
0x6f: {  	p0 =	sne.s32 s25, s4  }
.Ltmp1:
0x70: {  	_ = 	snop;
	(pc) =	sbr.rel @p0 .LBB2_1-.Ltmp1, $1  }
0x71: {  	_ =	sdelay $0x3  }
0x72: {  	_ =	sfence.sel $0x180000  }
0x73: {  	[bflag:$0x0] =	sbarrier.arrive $0xFFFF  }
0x74: {  	p0 =	sne.s32 s1, $0x0;
	_ =	strace $0x9000005C  }
0x75: {  	s0 =	sadd.s32 @!p0 $0x100000, s0;
	[bflag:$0x2] =	sbarrier.arrive $0xFFFF  }
0x76: {  	[sflag:s0] =	ssyncadd.tile.s32 @!p0 $0x1;
	_ =	shalt  }
.Lfunc_end2:
_tile_overlayer_lowered:
.L_overlay_start_2:
0x77: {  	(tag) =	ssettag $0x2  }
0x78: {  	s0 =	rddreg [dreg:$0x0];
	s2 =	stileid.u32  }
0x79: {  	s1 =	rddreg [dreg:$0x1];
	p0 =	sne.s32 s2, $0x0  }
0x7a: {  	s3 =	rddreg [dreg:$0x2];
	[bflag:$0x3] =	sbarrier.arrive $0xFFFF;
	s2 =	simm.s32 @!p0 $0x1C02  }
0x7b: {  	[timem:s3], [sflag:s2] =	dma.local @!p0 [hbm:s0], s1  }
0x7c: {  	s0 =	simm.s32 @!p0 $0x2  }
0x7d: {  	_ =	swait.ge @!p0 [sflag:s0], s1  }
0x7e: {  	s1 =	ssub.s32 @!p0 $0x0, s1;
	[sflag:s0] =	ssyncset.done @!p0 $0x0  }
0x7f: {  	[sflag:s0] =	ssyncadd.s32 @!p0 s1  }
0x80: {  	[bflag:$0x3] =	sbarrier.arrive $0xFFFF  }
0x81: {  	_ =	shalt  }

</sc_bundles>
